<compile_context>
chip_gen: v7x
topology: tpu7x:2x2x1
jax: 0.10.2.dev20260603
libtpu: 0.0.44.dev20260713+nightly
codegen_flags: <defaults>
</compile_context>

<pallas_src>
import functools

import jax
import jax.numpy as jnp
from jax import lax
from jax.experimental import pallas as pl
from jax.experimental.pallas import tpu as pltpu
from jax.experimental.pallas import tpu_sc as plsc

N = 10000
E = 320000
D = 128
K = 3
NC, NS = 2, 16
NT = NC * NS
PADN = 10240
EPT = E // NT
CH = 125
CPH = EPT // CH
NB = 40
RPT = PADN // NS
BR = 1280
GRID = PADN // BR

_mesh = plsc.VectorSubcoreMesh(
    core_axis_name="c", subcore_axis_name="s", num_cores=NC, num_subcores=NS
)


@functools.partial(
    pl.kernel,
    out_type=jax.ShapeDtypeStruct((NC * K * PADN,), jnp.float32),
    mesh=_mesh,
    scratch_types=[
        pltpu.VMEM((CPH, CH), jnp.int32),
        pltpu.VMEM((CH,), jnp.float32),
        pltpu.VMEM((RPT,), jnp.float32),
        pltpu.VMEM_SHARED((PADN,), jnp.float32),
        pltpu.VMEM_SHARED((PADN,), jnp.float32),
        pltpu.VMEM_SHARED((PADN,), jnp.float32),
        pltpu.SemaphoreType.DMA,
    ],
)
def _deg_kernel(dst_hbm, ones_hbm, z_hbm, out_hbm, didx, ones_v, z_v,
                d0, d1, d2, sem):
    c = lax.axis_index("c")
    s = lax.axis_index("s")
    pltpu.sync_copy(ones_hbm, ones_v)
    pltpu.sync_copy(z_hbm, z_v)
    degs = (d0, d1, d2)
    base = s * RPT
    for k in range(K):
        pltpu.sync_copy(z_v, degs[k].at[pl.ds(base, RPT)])
    plsc.subcore_barrier()
    for k in range(K):
        pltpu.sync_copy(dst_hbm.at[k, c, s], didx)

        def body(j, carry, _deg=degs[k]):
            pltpu.async_copy(ones_v, _deg.at[didx.at[j]], sem, add=True)
            return carry

        lax.fori_loop(0, CPH, body, 0)

        def drain(j, carry, _deg=degs[k]):
            pltpu.make_async_copy(ones_v, _deg.at[didx.at[0]], sem).wait()
            return carry

        lax.fori_loop(0, CPH, drain, 0)
    plsc.subcore_barrier()
    for k in range(K):
        pltpu.sync_copy(
            degs[k].at[pl.ds(base, RPT)],
            out_hbm.at[pl.ds((c * K + k) * PADN + base, RPT)],
        )


@functools.partial(
    pl.kernel,
    out_type=jax.ShapeDtypeStruct((NC, K, PADN, D), jnp.float32),
    mesh=_mesh,
    scratch_types=[
        pltpu.VMEM((NB, CH), jnp.int32),
        pltpu.VMEM((NB, CH), jnp.int32),
        pltpu.VMEM((CH, D), jnp.float32),
        pltpu.VMEM((CH, D), jnp.float32),
        pltpu.VMEM_SHARED((PADN, D), jnp.float32),
        pltpu.SemaphoreType.DMA,
        pltpu.SemaphoreType.DMA,
        pltpu.SemaphoreType.DMA,
        pltpu.SemaphoreType.DMA,
    ],
)
def _edge_kernel(g0, g1, g2, src_hbm, dst_hbm, z_hbm, out_hbm,
                 sidx, didx, b0, b1, acc, gs0, gs1, ss0, ss1):
    c = lax.axis_index("c")
    s = lax.axis_index("s")
    gs = (g0, g1, g2)
    base = s * RPT

    for k in range(K):
        gk = gs[k]

        def g_start(j, buf, sem):
            pltpu.async_copy(gk.at[sidx.at[j]], buf, sem)

        def g_wait(buf, sem):
            pltpu.make_async_copy(gk.at[sidx.at[0]], buf, sem).wait()

        def s_start(j, buf, sem):
            pltpu.async_copy(buf, acc.at[didx.at[j]], sem, add=True)

        def s_wait(buf, sem):
            pltpu.make_async_copy(buf, acc.at[didx.at[0]], sem).wait()

        pltpu.sync_copy(z_hbm, b0)
        for z in range(RPT // CH):
            pltpu.sync_copy(b0, acc.at[pl.ds(base + z * CH, CH)])
        pltpu.sync_copy(
            b0.at[pl.ds(0, RPT - (RPT // CH) * CH)],
            acc.at[pl.ds(base + (RPT // CH) * CH, RPT - (RPT // CH) * CH)],
        )
        plsc.subcore_barrier()

        for h in range(CPH // NB):
            pltpu.sync_copy(src_hbm.at[k, c, s, pl.ds(h * NB, NB)], sidx)
            pltpu.sync_copy(dst_hbm.at[k, c, s, pl.ds(h * NB, NB)], didx)
            g_start(0, b0, gs0)
            g_wait(b0, gs0)
            s_start(0, b0, ss0)
            g_start(1, b1, gs1)

            def body(m, carry):
                j1 = 2 * m + 1
                g_wait(b1, gs1)
                s_start(j1, b1, ss1)
                s_wait(b0, ss0)
                g_start(j1 + 1, b0, gs0)
                j2 = 2 * m + 2
                g_wait(b0, gs0)
                s_start(j2, b0, ss0)
                s_wait(b1, ss1)
                g_start(j2 + 1, b1, gs1)
                return carry

            lax.fori_loop(0, (NB - 2) // 2, body, 0)
            g_wait(b1, gs1)
            s_start(NB - 1, b1, ss1)
            s_wait(b0, ss0)
            s_wait(b1, ss1)

        plsc.subcore_barrier()
        pltpu.sync_copy(
            acc.at[pl.ds(base, RPT)], out_hbm.at[c, k, pl.ds(base, RPT)]
        )
        plsc.subcore_barrier()


def _prep_body(x_ref, w0, w1, w2, degp_ref, g0, g1, g2, dinv_ref):
    degp = degp_ref[...]
    dinv = lax.rsqrt(degp[0] + degp[1] + 1.0)
    dinv_ref[...] = dinv
    for k, (wr, gr) in enumerate(((w0, g0), (w1, g1), (w2, g2))):
        h = jnp.dot(x_ref[...], wr[...], preferred_element_type=jnp.float32)
        gr[...] = h * dinv[k][:, None]


_prep = pl.pallas_call(
    _prep_body,
    grid=(GRID,),
    in_specs=[
        pl.BlockSpec((BR, D), lambda i: (i, 0)),
        pl.BlockSpec((D, D), lambda i: (0, 0)),
        pl.BlockSpec((D, D), lambda i: (0, 0)),
        pl.BlockSpec((D, D), lambda i: (0, 0)),
        pl.BlockSpec((NC, K, BR), lambda i: (0, 0, i)),
    ],
    out_specs=[
        pl.BlockSpec((BR, D), lambda i: (i, 0)),
        pl.BlockSpec((BR, D), lambda i: (i, 0)),
        pl.BlockSpec((BR, D), lambda i: (i, 0)),
        pl.BlockSpec((K, BR), lambda i: (0, i)),
    ],
    out_shape=[
        jax.ShapeDtypeStruct((PADN, D), jnp.float32),
        jax.ShapeDtypeStruct((PADN, D), jnp.float32),
        jax.ShapeDtypeStruct((PADN, D), jnp.float32),
        jax.ShapeDtypeStruct((K, PADN), jnp.float32),
    ],
)


def _final_body(accp_ref, g0, g1, g2, dinv_ref, out_ref):
    dinv = dinv_ref[...]
    acc = accp_ref[...]
    total = jnp.zeros(out_ref.shape, jnp.float32)
    for k, gr in enumerate((g0, g1, g2)):
        total = total + dinv[k][:, None] * (acc[0, k] + acc[1, k] + gr[...])
    out_ref[...] = total


_final = pl.pallas_call(
    _final_body,
    grid=(GRID,),
    in_specs=[
        pl.BlockSpec((NC, K, BR, D), lambda i: (0, 0, i, 0)),
        pl.BlockSpec((BR, D), lambda i: (i, 0)),
        pl.BlockSpec((BR, D), lambda i: (i, 0)),
        pl.BlockSpec((BR, D), lambda i: (i, 0)),
        pl.BlockSpec((K, BR), lambda i: (0, i)),
    ],
    out_specs=pl.BlockSpec((BR, D), lambda i: (i, 0)),
    out_shape=jax.ShapeDtypeStruct((PADN, D), jnp.float32),
)


def kernel(x, adj0, adj1, adj2, W0, W1, W2):
    src = jnp.stack([adj0[0], adj1[0], adj2[0]]).astype(jnp.int32)
    dst = jnp.stack([adj0[1], adj1[1], adj2[1]]).astype(jnp.int32)
    srcr = src.reshape(K, NC, NS, CPH, CH)
    dstr = dst.reshape(K, NC, NS, CPH, CH)
    xp = jnp.pad(x.astype(jnp.float32), ((0, PADN - N), (0, 0)))
    ones_ch = jnp.ones((CH,), jnp.float32)
    z_rpt = jnp.zeros((RPT,), jnp.float32)
    z_rows = jnp.zeros((CH, D), jnp.float32)
    degp = _deg_kernel(dstr, ones_ch, z_rpt).reshape(NC, K, PADN)
    g0, g1, g2, dinv = _prep(xp, W0, W1, W2, degp)
    accp = _edge_kernel(g0, g1, g2, srcr, dstr, z_rows)
    out = _final(accp, g0, g1, g2, dinv)
    return out[:N]

# --- scband reference (transcript-rebuilt; emitter-appended) ---
"""Pipeline reference for scband-cheb-conv-13125420057165 (READ-ONLY COPY).

The authoritative reference and input builder live on the scoring server;
editing this copy changes nothing except your own understanding.
"""

import jax, jax.numpy as jnp
import numpy as np

N_NODES = 10000
N_EDGES = 320000
D_IN = 128
D_OUT = 128
K = 3


def setup_inputs(seed: int = 0) -> dict:
    key = jax.random.key(seed)
    kx, ka0, ka1, ka2, kw0, kw1, kw2 = jax.random.split(key, 7)
    x = jax.random.normal(kx, (N_NODES, D_IN), dtype=jnp.float32)
    adj0 = jax.random.randint(ka0, (2, N_EDGES), 0, N_NODES, dtype=jnp.int64)
    adj1 = jax.random.randint(ka1, (2, N_EDGES), 0, N_NODES, dtype=jnp.int64)
    adj2 = jax.random.randint(ka2, (2, N_EDGES), 0, N_NODES, dtype=jnp.int64)
    scale = 1.0 / np.sqrt(D_IN)
    W0 = jax.random.normal(kw0, (D_IN, D_OUT), dtype=jnp.float32) * scale
    W1 = jax.random.normal(kw1, (D_IN, D_OUT), dtype=jnp.float32) * scale
    W2 = jax.random.normal(kw2, (D_IN, D_OUT), dtype=jnp.float32) * scale
    return {"x": x, "adj0": adj0, "adj1": adj1, "adj2": adj2, "W0": W0, "W1": W1, "W2": W2}


def _gcn_conv(x, edge_index, W):
    # GCNConv: add self-loops, symmetric degree normalization, linear transform,
    # gather at src, scale by norm, scatter-add at dst.
    n = x.shape[0]
    src = edge_index[0]
    dst = edge_index[1]
    loop = jnp.arange(n, dtype=src.dtype)
    src = jnp.concatenate([src, loop], axis=0)
    dst = jnp.concatenate([dst, loop], axis=0)
    ones = jnp.ones(src.shape[0], dtype=x.dtype)
    deg = jnp.zeros((n,), dtype=x.dtype).at[dst].add(ones)
    dinv = jax.lax.rsqrt(jnp.maximum(deg, 1e-12))
    norm = dinv[src] * dinv[dst]
    h = x @ W
    msg = jnp.take(h, src, axis=0) * norm[:, None]
    out = jnp.zeros((n, W.shape[1]), dtype=x.dtype).at[dst].add(msg)
    return out


def reference(x, adj0, adj1, adj2, W0, W1, W2):
    # ChebConv forward: sum of K independent GCNConv layers over K adjacencies.
    out = 0.0
    out = out + _gcn_conv(x, adj0, W0)
    out = out + _gcn_conv(x, adj1, W1)
    out = out + _gcn_conv(x, adj2, W2)
    return out

if __name__ == "__main__":
    import jax
    _d = setup_inputs()
    print(jax.jit(kernel)(*tuple(_d.values())))

</pallas_src>

<mosaic_0001>
#map = affine_map<(d0, d1) -> (0, 0, 0, 0, 0)>
#map1 = affine_map<(d0, d1) -> (0)>
module attributes {stable_mosaic.version = 14 : i64} {
  func.func @_deg_kernel(%arg0: i32, %arg1: i32, %arg2: memref<3x2x16x80x125xi32, #tpu.memory_space<hbm>>, %arg3: memref<125xf32, #tpu.memory_space<hbm>>, %arg4: memref<640xf32, #tpu.memory_space<hbm>>, %arg5: memref<61440xf32, #tpu.memory_space<hbm>>, %arg6: memref<80x125xi32, #tpu.memory_space<vmem>>, %arg7: memref<125xf32, #tpu.memory_space<vmem>>, %arg8: memref<640xf32, #tpu.memory_space<vmem>>, %arg9: memref<10240xf32, #tpu.memory_space<vmem_shared>>, %arg10: memref<10240xf32, #tpu.memory_space<vmem_shared>>, %arg11: memref<10240xf32, #tpu.memory_space<vmem_shared>>, %arg12: memref<!tpu.dma_semaphore, #tpu.memory_space<semaphore_mem>>) attributes {dimension_semantics = [#tpu.dimension_semantics<core_parallel>, #tpu.dimension_semantics<subcore_parallel>], iteration_bounds = array<i64: 2, 16>, scalar_prefetch = 0 : i64, scratch_operands = 7 : i64, tpu.core_type = #tpu.core_type<sc_vector_subcore>, window_params = [{transform_indices = #map}, {transform_indices = #map1}, {transform_indices = #map1}, {transform_indices = #map1}]} {
    "tpu.region"() ({
      %run_scoped3A_59 = tpu.sem_alloc : memref<!tpu.dma_semaphore, #tpu.memory_space<semaphore_mem>>
      tpu.enqueue_dma source(%arg3 : memref<125xf32, #tpu.memory_space<hbm>>) target(%arg7 : memref<125xf32, #tpu.memory_space<vmem>>) target_semaphore(%run_scoped3A_59 : memref<!tpu.dma_semaphore, #tpu.memory_space<semaphore_mem>>)
      tpu.wait_dma2 semaphore(%run_scoped3A_59 : memref<!tpu.dma_semaphore, #tpu.memory_space<semaphore_mem>>) src(%arg3 : memref<125xf32, #tpu.memory_space<hbm>>) dst(%arg7 : memref<125xf32, #tpu.memory_space<vmem>>)
      tpu.yield
    }) : () -> ()
    "tpu.region"() ({
      %run_scoped3A_59 = tpu.sem_alloc : memref<!tpu.dma_semaphore, #tpu.memory_space<semaphore_mem>>
      tpu.enqueue_dma source(%arg4 : memref<640xf32, #tpu.memory_space<hbm>>) target(%arg8 : memref<640xf32, #tpu.memory_space<vmem>>) target_semaphore(%run_scoped3A_59 : memref<!tpu.dma_semaphore, #tpu.memory_space<semaphore_mem>>)
      tpu.wait_dma2 semaphore(%run_scoped3A_59 : memref<!tpu.dma_semaphore, #tpu.memory_space<semaphore_mem>>) src(%arg4 : memref<640xf32, #tpu.memory_space<hbm>>) dst(%arg8 : memref<640xf32, #tpu.memory_space<vmem>>)
      tpu.yield
    }) : () -> ()
    %mul3A = arith.constant 640 : i32
    %mul3A_0 = arith.muli %arg1, %mul3A : i32
    "tpu.region"() ({
      %run_scoped3A_59 = tpu.sem_alloc : memref<!tpu.dma_semaphore, #tpu.memory_space<semaphore_mem>>
      %dma_start3A = tpu.memref_slice %arg9[%mul3A_0] : memref<10240xf32, #tpu.memory_space<vmem_shared>> -> memref<640xf32, #tpu.memory_space<vmem_shared>>
      %dma_start3A_60 = tpu.memref_slice %arg9[%mul3A_0] : memref<10240xf32, #tpu.memory_space<vmem_shared>> -> memref<640xf32, #tpu.memory_space<vmem_shared>>
      tpu.enqueue_dma source(%arg8 : memref<640xf32, #tpu.memory_space<vmem>>) target(%dma_start3A_60 : memref<640xf32, #tpu.memory_space<vmem_shared>>) target_semaphore(%run_scoped3A_59 : memref<!tpu.dma_semaphore, #tpu.memory_space<semaphore_mem>>)
      %dma_wait3A = tpu.memref_slice %arg9[%mul3A_0] : memref<10240xf32, #tpu.memory_space<vmem_shared>> -> memref<640xf32, #tpu.memory_space<vmem_shared>>
      %dma_wait3A_61 = tpu.memref_slice %arg9[%mul3A_0] : memref<10240xf32, #tpu.memory_space<vmem_shared>> -> memref<640xf32, #tpu.memory_space<vmem_shared>>
      tpu.wait_dma2 semaphore(%run_scoped3A_59 : memref<!tpu.dma_semaphore, #tpu.memory_space<semaphore_mem>>) src(%arg8 : memref<640xf32, #tpu.memory_space<vmem>>) dst(%dma_wait3A_61 : memref<640xf32, #tpu.memory_space<vmem_shared>>)
      tpu.yield
    }) : () -> ()
    "tpu.region"() ({
      %run_scoped3A_59 = tpu.sem_alloc : memref<!tpu.dma_semaphore, #tpu.memory_space<semaphore_mem>>
      %dma_start3A = tpu.memref_slice %arg10[%mul3A_0] : memref<10240xf32, #tpu.memory_space<vmem_shared>> -> memref<640xf32, #tpu.memory_space<vmem_shared>>
      %dma_start3A_60 = tpu.memref_slice %arg10[%mul3A_0] : memref<10240xf32, #tpu.memory_space<vmem_shared>> -> memref<640xf32, #tpu.memory_space<vmem_shared>>
      tpu.enqueue_dma source(%arg8 : memref<640xf32, #tpu.memory_space<vmem>>) target(%dma_start3A_60 : memref<640xf32, #tpu.memory_space<vmem_shared>>) target_semaphore(%run_scoped3A_59 : memref<!tpu.dma_semaphore, #tpu.memory_space<semaphore_mem>>)
      %dma_wait3A = tpu.memref_slice %arg10[%mul3A_0] : memref<10240xf32, #tpu.memory_space<vmem_shared>> -> memref<640xf32, #tpu.memory_space<vmem_shared>>
      %dma_wait3A_61 = tpu.memref_slice %arg10[%mul3A_0] : memref<10240xf32, #tpu.memory_space<vmem_shared>> -> memref<640xf32, #tpu.memory_space<vmem_shared>>
      tpu.wait_dma2 semaphore(%run_scoped3A_59 : memref<!tpu.dma_semaphore, #tpu.memory_space<semaphore_mem>>) src(%arg8 : memref<640xf32, #tpu.memory_space<vmem>>) dst(%dma_wait3A_61 : memref<640xf32, #tpu.memory_space<vmem_shared>>)
      tpu.yield
    }) : () -> ()
    "tpu.region"() ({
      %run_scoped3A_59 = tpu.sem_alloc : memref<!tpu.dma_semaphore, #tpu.memory_space<semaphore_mem>>
      %dma_start3A = tpu.memref_slice %arg11[%mul3A_0] : memref<10240xf32, #tpu.memory_space<vmem_shared>> -> memref<640xf32, #tpu.memory_space<vmem_shared>>
      %dma_start3A_60 = tpu.memref_slice %arg11[%mul3A_0] : memref<10240xf32, #tpu.memory_space<vmem_shared>> -> memref<640xf32, #tpu.memory_space<vmem_shared>>
      tpu.enqueue_dma source(%arg8 : memref<640xf32, #tpu.memory_space<vmem>>) target(%dma_start3A_60 : memref<640xf32, #tpu.memory_space<vmem_shared>>) target_semaphore(%run_scoped3A_59 : memref<!tpu.dma_semaphore, #tpu.memory_space<semaphore_mem>>)
      %dma_wait3A = tpu.memref_slice %arg11[%mul3A_0] : memref<10240xf32, #tpu.memory_space<vmem_shared>> -> memref<640xf32, #tpu.memory_space<vmem_shared>>
      %dma_wait3A_61 = tpu.memref_slice %arg11[%mul3A_0] : memref<10240xf32, #tpu.memory_space<vmem_shared>> -> memref<640xf32, #tpu.memory_space<vmem_shared>>
      tpu.wait_dma2 semaphore(%run_scoped3A_59 : memref<!tpu.dma_semaphore, #tpu.memory_space<semaphore_mem>>) src(%arg8 : memref<640xf32, #tpu.memory_space<vmem>>) dst(%dma_wait3A_61 : memref<640xf32, #tpu.memory_space<vmem_shared>>)
      tpu.yield
    }) : () -> ()
    %barrier3A = arith.constant 0 : index
    tpu.barrier barrier_id(%barrier3A)
    %run_scoped3A = arith.constant 0 : i32
    "tpu.region"() ({
      %run_scoped3A_59 = tpu.sem_alloc : memref<!tpu.dma_semaphore, #tpu.memory_space<semaphore_mem>>
      %dma_start3A = arith.constant 0 : i32
      %dma_start3A_60 = arith.constant 0 : i32
      %dma_start3A_61 = tpu.memref_slice %arg2[%run_scoped3A, %arg0, %arg1, %dma_start3A, %dma_start3A_60] : memref<3x2x16x80x125xi32, #tpu.memory_space<hbm>> -> memref<1x1x1x80x125xi32, #tpu.memory_space<hbm>>
      %dma_start3A_62 = tpu.memref_squeeze %dma_start3A_61 : memref<1x1x1x80x125xi32, #tpu.memory_space<hbm>> -> memref<80x125xi32, #tpu.memory_space<hbm>>
      %dma_start3A_63 = arith.constant 0 : i32
      %dma_start3A_64 = arith.constant 0 : i32
      %dma_start3A_65 = tpu.memref_slice %arg2[%run_scoped3A, %arg0, %arg1, %dma_start3A_63, %dma_start3A_64] : memref<3x2x16x80x125xi32, #tpu.memory_space<hbm>> -> memref<1x1x1x80x125xi32, #tpu.memory_space<hbm>>
      %dma_start3A_66 = tpu.memref_squeeze %dma_start3A_65 : memref<1x1x1x80x125xi32, #tpu.memory_space<hbm>> -> memref<80x125xi32, #tpu.memory_space<hbm>>
      tpu.enqueue_dma source(%dma_start3A_66 : memref<80x125xi32, #tpu.memory_space<hbm>>) target(%arg6 : memref<80x125xi32, #tpu.memory_space<vmem>>) target_semaphore(%run_scoped3A_59 : memref<!tpu.dma_semaphore, #tpu.memory_space<semaphore_mem>>)
      %dma_wait3A = arith.constant 0 : i32
      %dma_wait3A_67 = arith.constant 0 : i32
      %dma_wait3A_68 = tpu.memref_slice %arg2[%run_scoped3A, %arg0, %arg1, %dma_wait3A, %dma_wait3A_67] : memref<3x2x16x80x125xi32, #tpu.memory_space<hbm>> -> memref<1x1x1x80x125xi32, #tpu.memory_space<hbm>>
      %dma_wait3A_69 = tpu.memref_squeeze %dma_wait3A_68 : memref<1x1x1x80x125xi32, #tpu.memory_space<hbm>> -> memref<80x125xi32, #tpu.memory_space<hbm>>
      %dma_wait3A_70 = arith.constant 0 : i32
      %dma_wait3A_71 = arith.constant 0 : i32
      %dma_wait3A_72 = tpu.memref_slice %arg2[%run_scoped3A, %arg0, %arg1, %dma_wait3A_70, %dma_wait3A_71] : memref<3x2x16x80x125xi32, #tpu.memory_space<hbm>> -> memref<1x1x1x80x125xi32, #tpu.memory_space<hbm>>
      %dma_wait3A_73 = tpu.memref_squeeze %dma_wait3A_72 : memref<1x1x1x80x125xi32, #tpu.memory_space<hbm>> -> memref<80x125xi32, #tpu.memory_space<hbm>>
      tpu.wait_dma2 semaphore(%run_scoped3A_59 : memref<!tpu.dma_semaphore, #tpu.memory_space<semaphore_mem>>) src(%dma_wait3A_73 : memref<80x125xi32, #tpu.memory_space<hbm>>) dst(%arg6 : memref<80x125xi32, #tpu.memory_space<vmem>>)
      tpu.yield
    }) : () -> ()
    %scan3A = arith.constant 0 : i32
    %scan3A_1 = arith.constant 0 : i32
    %scan3A_2 = arith.constant 80 : i32
    %scan3A_3 = arith.addi %scan3A_1, %scan3A_2 : i32
    %scan3A_4 = arith.constant 1 : i32
    scf.for %scan3A_59 = %scan3A_1 to %scan3A_3 step %scan3A_4  : i32 {
      %dma_start3A = arith.constant 0 : i32
      %dma_start3A_60 = tpu.memref_slice %arg6[%scan3A_59, %dma_start3A] : memref<80x125xi32, #tpu.memory_space<vmem>> -> memref<1x125xi32, #tpu.memory_space<vmem>>
      %dma_start3A_61 = tpu.memref_squeeze %dma_start3A_60 : memref<1x125xi32, #tpu.memory_space<vmem>> -> memref<125xi32, #tpu.memory_space<vmem>>
      %dma_start3A_62 = arith.constant 0 : i32
      %dma_start3A_63 = tpu.memref_slice %arg9[%dma_start3A_62] : memref<10240xf32, #tpu.memory_space<vmem_shared>> -> memref<10240xf32, #tpu.memory_space<vmem_shared>>
      tpu.enqueue_indirect_dma source(%arg7 : memref<125xf32, #tpu.memory_space<vmem>>) target(%dma_start3A_63 : memref<10240xf32, #tpu.memory_space<vmem_shared>>) offsets(%dma_start3A_61 : memref<125xi32, #tpu.memory_space<vmem>>) semaphore(%arg12 : memref<!tpu.dma_semaphore, #tpu.memory_space<semaphore_mem>>) {add = true}
    }
    %scan3A_5 = arith.constant 80 : i32
    %scan3A_6 = arith.constant 0 : i32
    %scan3A_7 = arith.constant 0 : i32
    %scan3A_8 = arith.constant 80 : i32
    %scan3A_9 = arith.addi %scan3A_7, %scan3A_8 : i32
    %scan3A_10 = arith.constant 1 : i32
    scf.for %scan3A_59 = %scan3A_7 to %scan3A_9 step %scan3A_10  : i32 {
      %dma_wait3A = arith.constant 0 : i32
      %dma_wait3A_60 = arith.constant 0 : i32
      %dma_wait3A_61 = tpu.memref_slice %arg6[%dma_wait3A, %dma_wait3A_60] : memref<80x125xi32, #tpu.memory_space<vmem>> -> memref<1x125xi32, #tpu.memory_space<vmem>>
      %dma_wait3A_62 = tpu.memref_squeeze %dma_wait3A_61 : memref<1x125xi32, #tpu.memory_space<vmem>> -> memref<125xi32, #tpu.memory_space<vmem>>
      %dma_wait3A_63 = arith.constant 0 : i32
      %dma_wait3A_64 = tpu.memref_slice %arg9[%dma_wait3A_63] : memref<10240xf32, #tpu.memory_space<vmem_shared>> -> memref<10240xf32, #tpu.memory_space<vmem_shared>>
      tpu.wait_indirect_dma semaphore(%arg12 : memref<!tpu.dma_semaphore, #tpu.memory_space<semaphore_mem>>) src(%arg7 : memref<125xf32, #tpu.memory_space<vmem>>) dst(%dma_wait3A_64 : memref<10240xf32, #tpu.memory_space<vmem_shared>>)
    }
    %scan3A_11 = arith.constant 80 : i32
    %run_scoped3A_12 = arith.constant 1 : i32
    "tpu.region"() ({
      %run_scoped3A_59 = tpu.sem_alloc : memref<!tpu.dma_semaphore, #tpu.memory_space<semaphore_mem>>
      %dma_start3A = arith.constant 0 : i32
      %dma_start3A_60 = arith.constant 0 : i32
      %dma_start3A_61 = tpu.memref_slice %arg2[%run_scoped3A_12, %arg0, %arg1, %dma_start3A, %dma_start3A_60] : memref<3x2x16x80x125xi32, #tpu.memory_space<hbm>> -> memref<1x1x1x80x125xi32, #tpu.memory_space<hbm>>
      %dma_start3A_62 = tpu.memref_squeeze %dma_start3A_61 : memref<1x1x1x80x125xi32, #tpu.memory_space<hbm>> -> memref<80x125xi32, #tpu.memory_space<hbm>>
      %dma_start3A_63 = arith.constant 0 : i32
      %dma_start3A_64 = arith.constant 0 : i32
      %dma_start3A_65 = tpu.memref_slice %arg2[%run_scoped3A_12, %arg0, %arg1, %dma_start3A_63, %dma_start3A_64] : memref<3x2x16x80x125xi32, #tpu.memory_space<hbm>> -> memref<1x1x1x80x125xi32, #tpu.memory_space<hbm>>
      %dma_start3A_66 = tpu.memref_squeeze %dma_start3A_65 : memref<1x1x1x80x125xi32, #tpu.memory_space<hbm>> -> memref<80x125xi32, #tpu.memory_space<hbm>>
      tpu.enqueue_dma source(%dma_start3A_66 : memref<80x125xi32, #tpu.memory_space<hbm>>) target(%arg6 : memref<80x125xi32, #tpu.memory_space<vmem>>) target_semaphore(%run_scoped3A_59 : memref<!tpu.dma_semaphore, #tpu.memory_space<semaphore_mem>>)
      %dma_wait3A = arith.constant 0 : i32
      %dma_wait3A_67 = arith.constant 0 : i32
      %dma_wait3A_68 = tpu.memref_slice %arg2[%run_scoped3A_12, %arg0, %arg1, %dma_wait3A, %dma_wait3A_67] : memref<3x2x16x80x125xi32, #tpu.memory_space<hbm>> -> memref<1x1x1x80x125xi32, #tpu.memory_space<hbm>>
      %dma_wait3A_69 = tpu.memref_squeeze %dma_wait3A_68 : memref<1x1x1x80x125xi32, #tpu.memory_space<hbm>> -> memref<80x125xi32, #tpu.memory_space<hbm>>
      %dma_wait3A_70 = arith.constant 0 : i32
      %dma_wait3A_71 = arith.constant 0 : i32
      %dma_wait3A_72 = tpu.memref_slice %arg2[%run_scoped3A_12, %arg0, %arg1, %dma_wait3A_70, %dma_wait3A_71] : memref<3x2x16x80x125xi32, #tpu.memory_space<hbm>> -> memref<1x1x1x80x125xi32, #tpu.memory_space<hbm>>
      %dma_wait3A_73 = tpu.memref_squeeze %dma_wait3A_72 : memref<1x1x1x80x125xi32, #tpu.memory_space<hbm>> -> memref<80x125xi32, #tpu.memory_space<hbm>>
      tpu.wait_dma2 semaphore(%run_scoped3A_59 : memref<!tpu.dma_semaphore, #tpu.memory_space<semaphore_mem>>) src(%dma_wait3A_73 : memref<80x125xi32, #tpu.memory_space<hbm>>) dst(%arg6 : memref<80x125xi32, #tpu.memory_space<vmem>>)
      tpu.yield
    }) : () -> ()
    %scan3A_13 = arith.constant 0 : i32
    %scan3A_14 = arith.constant 0 : i32
    %scan3A_15 = arith.constant 80 : i32
    %scan3A_16 = arith.addi %scan3A_14, %scan3A_15 : i32
    %scan3A_17 = arith.constant 1 : i32
    scf.for %scan3A_59 = %scan3A_14 to %scan3A_16 step %scan3A_17  : i32 {
      %dma_start3A = arith.constant 0 : i32
      %dma_start3A_60 = tpu.memref_slice %arg6[%scan3A_59, %dma_start3A] : memref<80x125xi32, #tpu.memory_space<vmem>> -> memref<1x125xi32, #tpu.memory_space<vmem>>
      %dma_start3A_61 = tpu.memref_squeeze %dma_start3A_60 : memref<1x125xi32, #tpu.memory_space<vmem>> -> memref<125xi32, #tpu.memory_space<vmem>>
      %dma_start3A_62 = arith.constant 0 : i32
      %dma_start3A_63 = tpu.memref_slice %arg10[%dma_start3A_62] : memref<10240xf32, #tpu.memory_space<vmem_shared>> -> memref<10240xf32, #tpu.memory_space<vmem_shared>>
      tpu.enqueue_indirect_dma source(%arg7 : memref<125xf32, #tpu.memory_space<vmem>>) target(%dma_start3A_63 : memref<10240xf32, #tpu.memory_space<vmem_shared>>) offsets(%dma_start3A_61 : memref<125xi32, #tpu.memory_space<vmem>>) semaphore(%arg12 : memref<!tpu.dma_semaphore, #tpu.memory_space<semaphore_mem>>) {add = true}
    }
    %scan3A_18 = arith.constant 80 : i32
    %scan3A_19 = arith.constant 0 : i32
    %scan3A_20 = arith.constant 0 : i32
    %scan3A_21 = arith.constant 80 : i32
    %scan3A_22 = arith.addi %scan3A_20, %scan3A_21 : i32
    %scan3A_23 = arith.constant 1 : i32
    scf.for %scan3A_59 = %scan3A_20 to %scan3A_22 step %scan3A_23  : i32 {
      %dma_wait3A = arith.constant 0 : i32
      %dma_wait3A_60 = arith.constant 0 : i32
      %dma_wait3A_61 = tpu.memref_slice %arg6[%dma_wait3A, %dma_wait3A_60] : memref<80x125xi32, #tpu.memory_space<vmem>> -> memref<1x125xi32, #tpu.memory_space<vmem>>
      %dma_wait3A_62 = tpu.memref_squeeze %dma_wait3A_61 : memref<1x125xi32, #tpu.memory_space<vmem>> -> memref<125xi32, #tpu.memory_space<vmem>>
      %dma_wait3A_63 = arith.constant 0 : i32
      %dma_wait3A_64 = tpu.memref_slice %arg10[%dma_wait3A_63] : memref<10240xf32, #tpu.memory_space<vmem_shared>> -> memref<10240xf32, #tpu.memory_space<vmem_shared>>
      tpu.wait_indirect_dma semaphore(%arg12 : memref<!tpu.dma_semaphore, #tpu.memory_space<semaphore_mem>>) src(%arg7 : memref<125xf32, #tpu.memory_space<vmem>>) dst(%dma_wait3A_64 : memref<10240xf32, #tpu.memory_space<vmem_shared>>)
    }
    %scan3A_24 = arith.constant 80 : i32
    %run_scoped3A_25 = arith.constant 2 : i32
    "tpu.region"() ({
      %run_scoped3A_59 = tpu.sem_alloc : memref<!tpu.dma_semaphore, #tpu.memory_space<semaphore_mem>>
      %dma_start3A = arith.constant 0 : i32
      %dma_start3A_60 = arith.constant 0 : i32
      %dma_start3A_61 = tpu.memref_slice %arg2[%run_scoped3A_25, %arg0, %arg1, %dma_start3A, %dma_start3A_60] : memref<3x2x16x80x125xi32, #tpu.memory_space<hbm>> -> memref<1x1x1x80x125xi32, #tpu.memory_space<hbm>>
      %dma_start3A_62 = tpu.memref_squeeze %dma_start3A_61 : memref<1x1x1x80x125xi32, #tpu.memory_space<hbm>> -> memref<80x125xi32, #tpu.memory_space<hbm>>
      %dma_start3A_63 = arith.constant 0 : i32
      %dma_start3A_64 = arith.constant 0 : i32
      %dma_start3A_65 = tpu.memref_slice %arg2[%run_scoped3A_25, %arg0, %arg1, %dma_start3A_63, %dma_start3A_64] : memref<3x2x16x80x125xi32, #tpu.memory_space<hbm>> -> memref<1x1x1x80x125xi32, #tpu.memory_space<hbm>>
      %dma_start3A_66 = tpu.memref_squeeze %dma_start3A_65 : memref<1x1x1x80x125xi32, #tpu.memory_space<hbm>> -> memref<80x125xi32, #tpu.memory_space<hbm>>
      tpu.enqueue_dma source(%dma_start3A_66 : memref<80x125xi32, #tpu.memory_space<hbm>>) target(%arg6 : memref<80x125xi32, #tpu.memory_space<vmem>>) target_semaphore(%run_scoped3A_59 : memref<!tpu.dma_semaphore, #tpu.memory_space<semaphore_mem>>)
      %dma_wait3A = arith.constant 0 : i32
      %dma_wait3A_67 = arith.constant 0 : i32
      %dma_wait3A_68 = tpu.memref_slice %arg2[%run_scoped3A_25, %arg0, %arg1, %dma_wait3A, %dma_wait3A_67] : memref<3x2x16x80x125xi32, #tpu.memory_space<hbm>> -> memref<1x1x1x80x125xi32, #tpu.memory_space<hbm>>
      %dma_wait3A_69 = tpu.memref_squeeze %dma_wait3A_68 : memref<1x1x1x80x125xi32, #tpu.memory_space<hbm>> -> memref<80x125xi32, #tpu.memory_space<hbm>>
      %dma_wait3A_70 = arith.constant 0 : i32
      %dma_wait3A_71 = arith.constant 0 : i32
      %dma_wait3A_72 = tpu.memref_slice %arg2[%run_scoped3A_25, %arg0, %arg1, %dma_wait3A_70, %dma_wait3A_71] : memref<3x2x16x80x125xi32, #tpu.memory_space<hbm>> -> memref<1x1x1x80x125xi32, #tpu.memory_space<hbm>>
      %dma_wait3A_73 = tpu.memref_squeeze %dma_wait3A_72 : memref<1x1x1x80x125xi32, #tpu.memory_space<hbm>> -> memref<80x125xi32, #tpu.memory_space<hbm>>
      tpu.wait_dma2 semaphore(%run_scoped3A_59 : memref<!tpu.dma_semaphore, #tpu.memory_space<semaphore_mem>>) src(%dma_wait3A_73 : memref<80x125xi32, #tpu.memory_space<hbm>>) dst(%arg6 : memref<80x125xi32, #tpu.memory_space<vmem>>)
      tpu.yield
    }) : () -> ()
    %scan3A_26 = arith.constant 0 : i32
    %scan3A_27 = arith.constant 0 : i32
    %scan3A_28 = arith.constant 80 : i32
    %scan3A_29 = arith.addi %scan3A_27, %scan3A_28 : i32
    %scan3A_30 = arith.constant 1 : i32
    scf.for %scan3A_59 = %scan3A_27 to %scan3A_29 step %scan3A_30  : i32 {
      %dma_start3A = arith.constant 0 : i32
      %dma_start3A_60 = tpu.memref_slice %arg6[%scan3A_59, %dma_start3A] : memref<80x125xi32, #tpu.memory_space<vmem>> -> memref<1x125xi32, #tpu.memory_space<vmem>>
      %dma_start3A_61 = tpu.memref_squeeze %dma_start3A_60 : memref<1x125xi32, #tpu.memory_space<vmem>> -> memref<125xi32, #tpu.memory_space<vmem>>
      %dma_start3A_62 = arith.constant 0 : i32
      %dma_start3A_63 = tpu.memref_slice %arg11[%dma_start3A_62] : memref<10240xf32, #tpu.memory_space<vmem_shared>> -> memref<10240xf32, #tpu.memory_space<vmem_shared>>
      tpu.enqueue_indirect_dma source(%arg7 : memref<125xf32, #tpu.memory_space<vmem>>) target(%dma_start3A_63 : memref<10240xf32, #tpu.memory_space<vmem_shared>>) offsets(%dma_start3A_61 : memref<125xi32, #tpu.memory_space<vmem>>) semaphore(%arg12 : memref<!tpu.dma_semaphore, #tpu.memory_space<semaphore_mem>>) {add = true}
    }
    %scan3A_31 = arith.constant 80 : i32
    %scan3A_32 = arith.constant 0 : i32
    %scan3A_33 = arith.constant 0 : i32
    %scan3A_34 = arith.constant 80 : i32
    %scan3A_35 = arith.addi %scan3A_33, %scan3A_34 : i32
    %scan3A_36 = arith.constant 1 : i32
    scf.for %scan3A_59 = %scan3A_33 to %scan3A_35 step %scan3A_36  : i32 {
      %dma_wait3A = arith.constant 0 : i32
      %dma_wait3A_60 = arith.constant 0 : i32
      %dma_wait3A_61 = tpu.memref_slice %arg6[%dma_wait3A, %dma_wait3A_60] : memref<80x125xi32, #tpu.memory_space<vmem>> -> memref<1x125xi32, #tpu.memory_space<vmem>>
      %dma_wait3A_62 = tpu.memref_squeeze %dma_wait3A_61 : memref<1x125xi32, #tpu.memory_space<vmem>> -> memref<125xi32, #tpu.memory_space<vmem>>
      %dma_wait3A_63 = arith.constant 0 : i32
      %dma_wait3A_64 = tpu.memref_slice %arg11[%dma_wait3A_63] : memref<10240xf32, #tpu.memory_space<vmem_shared>> -> memref<10240xf32, #tpu.memory_space<vmem_shared>>
      tpu.wait_indirect_dma semaphore(%arg12 : memref<!tpu.dma_semaphore, #tpu.memory_space<semaphore_mem>>) src(%arg7 : memref<125xf32, #tpu.memory_space<vmem>>) dst(%dma_wait3A_64 : memref<10240xf32, #tpu.memory_space<vmem_shared>>)
    }
    %scan3A_37 = arith.constant 80 : i32
    %barrier3A_38 = arith.constant 0 : index
    tpu.barrier barrier_id(%barrier3A_38)
    %mul3A_39 = arith.constant 3 : i32
    %mul3A_40 = arith.muli %arg0, %mul3A_39 : i32
    %add3A = arith.constant 0 : i32
    %add3A_41 = arith.addi %mul3A_40, %add3A : i32
    %mul3A_42 = arith.constant 10240 : i32
    %mul3A_43 = arith.muli %add3A_41, %mul3A_42 : i32
    %add3A_44 = arith.addi %mul3A_43, %mul3A_0 : i32
    "tpu.region"() ({
      %run_scoped3A_59 = tpu.sem_alloc : memref<!tpu.dma_semaphore, #tpu.memory_space<semaphore_mem>>
      %dma_start3A = tpu.memref_slice %arg5[%add3A_44] : memref<61440xf32, #tpu.memory_space<hbm>> -> memref<640xf32, #tpu.memory_space<hbm>>
      %dma_start3A_60 = tpu.memref_slice %arg9[%mul3A_0] : memref<10240xf32, #tpu.memory_space<vmem_shared>> -> memref<640xf32, #tpu.memory_space<vmem_shared>>
      tpu.enqueue_dma source(%dma_start3A_60 : memref<640xf32, #tpu.memory_space<vmem_shared>>) target(%dma_start3A : memref<640xf32, #tpu.memory_space<hbm>>) target_semaphore(%run_scoped3A_59 : memref<!tpu.dma_semaphore, #tpu.memory_space<semaphore_mem>>)
      %dma_wait3A = tpu.memref_slice %arg5[%add3A_44] : memref<61440xf32, #tpu.memory_space<hbm>> -> memref<640xf32, #tpu.memory_space<hbm>>
      %dma_wait3A_61 = tpu.memref_slice %arg9[%mul3A_0] : memref<10240xf32, #tpu.memory_space<vmem_shared>> -> memref<640xf32, #tpu.memory_space<vmem_shared>>
      tpu.wait_dma2 semaphore(%run_scoped3A_59 : memref<!tpu.dma_semaphore, #tpu.memory_space<semaphore_mem>>) src(%dma_wait3A_61 : memref<640xf32, #tpu.memory_space<vmem_shared>>) dst(%dma_wait3A : memref<640xf32, #tpu.memory_space<hbm>>)
      tpu.yield
    }) : () -> ()
    %mul3A_45 = arith.constant 3 : i32
    %mul3A_46 = arith.muli %arg0, %mul3A_45 : i32
    %add3A_47 = arith.constant 1 : i32
    %add3A_48 = arith.addi %mul3A_46, %add3A_47 : i32
    %mul3A_49 = arith.constant 10240 : i32
    %mul3A_50 = arith.muli %add3A_48, %mul3A_49 : i32
    %add3A_51 = arith.addi %mul3A_50, %mul3A_0 : i32
    "tpu.region"() ({
      %run_scoped3A_59 = tpu.sem_alloc : memref<!tpu.dma_semaphore, #tpu.memory_space<semaphore_mem>>
      %dma_start3A = tpu.memref_slice %arg5[%add3A_51] : memref<61440xf32, #tpu.memory_space<hbm>> -> memref<640xf32, #tpu.memory_space<hbm>>
      %dma_start3A_60 = tpu.memref_slice %arg10[%mul3A_0] : memref<10240xf32, #tpu.memory_space<vmem_shared>> -> memref<640xf32, #tpu.memory_space<vmem_shared>>
      tpu.enqueue_dma source(%dma_start3A_60 : memref<640xf32, #tpu.memory_space<vmem_shared>>) target(%dma_start3A : memref<640xf32, #tpu.memory_space<hbm>>) target_semaphore(%run_scoped3A_59 : memref<!tpu.dma_semaphore, #tpu.memory_space<semaphore_mem>>)
      %dma_wait3A = tpu.memref_slice %arg5[%add3A_51] : memref<61440xf32, #tpu.memory_space<hbm>> -> memref<640xf32, #tpu.memory_space<hbm>>
      %dma_wait3A_61 = tpu.memref_slice %arg10[%mul3A_0] : memref<10240xf32, #tpu.memory_space<vmem_shared>> -> memref<640xf32, #tpu.memory_space<vmem_shared>>
      tpu.wait_dma2 semaphore(%run_scoped3A_59 : memref<!tpu.dma_semaphore, #tpu.memory_space<semaphore_mem>>) src(%dma_wait3A_61 : memref<640xf32, #tpu.memory_space<vmem_shared>>) dst(%dma_wait3A : memref<640xf32, #tpu.memory_space<hbm>>)
      tpu.yield
    }) : () -> ()
    %mul3A_52 = arith.constant 3 : i32
    %mul3A_53 = arith.muli %arg0, %mul3A_52 : i32
    %add3A_54 = arith.constant 2 : i32
    %add3A_55 = arith.addi %mul3A_53, %add3A_54 : i32
    %mul3A_56 = arith.constant 10240 : i32
    %mul3A_57 = arith.muli %add3A_55, %mul3A_56 : i32
    %add3A_58 = arith.addi %mul3A_57, %mul3A_0 : i32
    "tpu.region"() ({
      %run_scoped3A_59 = tpu.sem_alloc : memref<!tpu.dma_semaphore, #tpu.memory_space<semaphore_mem>>
      %dma_start3A = tpu.memref_slice %arg5[%add3A_58] : memref<61440xf32, #tpu.memory_space<hbm>> -> memref<640xf32, #tpu.memory_space<hbm>>
      %dma_start3A_60 = tpu.memref_slice %arg11[%mul3A_0] : memref<10240xf32, #tpu.memory_space<vmem_shared>> -> memref<640xf32, #tpu.memory_space<vmem_shared>>
      tpu.enqueue_dma source(%dma_start3A_60 : memref<640xf32, #tpu.memory_space<vmem_shared>>) target(%dma_start3A : memref<640xf32, #tpu.memory_space<hbm>>) target_semaphore(%run_scoped3A_59 : memref<!tpu.dma_semaphore, #tpu.memory_space<semaphore_mem>>)
      %dma_wait3A = tpu.memref_slice %arg5[%add3A_58] : memref<61440xf32, #tpu.memory_space<hbm>> -> memref<640xf32, #tpu.memory_space<hbm>>
      %dma_wait3A_61 = tpu.memref_slice %arg11[%mul3A_0] : memref<10240xf32, #tpu.memory_space<vmem_shared>> -> memref<640xf32, #tpu.memory_space<vmem_shared>>
      tpu.wait_dma2 semaphore(%run_scoped3A_59 : memref<!tpu.dma_semaphore, #tpu.memory_space<semaphore_mem>>) src(%dma_wait3A_61 : memref<640xf32, #tpu.memory_space<vmem_shared>>) dst(%dma_wait3A : memref<640xf32, #tpu.memory_space<hbm>>)
      tpu.yield
    }) : () -> ()
    return
  }
}

#map = affine_map<(d0, d1) -> (0, 0)>
#map1 = affine_map<(d0, d1) -> (0, 0, 0, 0, 0)>
#map2 = affine_map<(d0, d1) -> (0, 0, 0, 0)>
module attributes {stable_mosaic.version = 14 : i64} {
  func.func @_edge_kernel(%arg0: i32, %arg1: i32, %arg2: memref<10240x128xf32, #tpu.memory_space<hbm>>, %arg3: memref<10240x128xf32, #tpu.memory_space<hbm>>, %arg4: memref<10240x128xf32, #tpu.memory_space<hbm>>, %arg5: memref<3x2x16x80x125xi32, #tpu.memory_space<hbm>>, %arg6: memref<3x2x16x80x125xi32, #tpu.memory_space<hbm>>, %arg7: memref<125x128xf32, #tpu.memory_space<hbm>>, %arg8: memref<2x3x10240x128xf32, #tpu.memory_space<hbm>>, %arg9: memref<40x125xi32, #tpu.memory_space<vmem>>, %arg10: memref<40x125xi32, #tpu.memory_space<vmem>>, %arg11: memref<125x128xf32, #tpu.memory_space<vmem>>, %arg12: memref<125x128xf32, #tpu.memory_space<vmem>>, %arg13: memref<10240x128xf32, #tpu.memory_space<vmem_shared>>, %arg14: memref<!tpu.dma_semaphore, #tpu.memory_space<semaphore_mem>>, %arg15: memref<!tpu.dma_semaphore, #tpu.memory_space<semaphore_mem>>, %arg16: memref<!tpu.dma_semaphore, #tpu.memory_space<semaphore_mem>>, %arg17: memref<!tpu.dma_semaphore, #tpu.memory_space<semaphore_mem>>) attributes {dimension_semantics = [#tpu.dimension_semantics<core_parallel>, #tpu.dimension_semantics<subcore_parallel>], iteration_bounds = array<i64: 2, 16>, scalar_prefetch = 0 : i64, scratch_operands = 9 : i64, tpu.core_type = #tpu.core_type<sc_vector_subcore>, window_params = [{transform_indices = #map}, {transform_indices = #map}, {transform_indices = #map}, {transform_indices = #map1}, {transform_indices = #map1}, {transform_indices = #map}, {transform_indices = #map2}]} {
    %mul3A = arith.constant 640 : i32
    %mul3A_0 = arith.muli %arg1, %mul3A : i32
    "tpu.region"() ({
      %run_scoped3A_427 = tpu.sem_alloc : memref<!tpu.dma_semaphore, #tpu.memory_space<semaphore_mem>>
      tpu.enqueue_dma source(%arg7 : memref<125x128xf32, #tpu.memory_space<hbm>>) target(%arg11 : memref<125x128xf32, #tpu.memory_space<vmem>>) target_semaphore(%run_scoped3A_427 : memref<!tpu.dma_semaphore, #tpu.memory_space<semaphore_mem>>)
      tpu.wait_dma2 semaphore(%run_scoped3A_427 : memref<!tpu.dma_semaphore, #tpu.memory_space<semaphore_mem>>) src(%arg7 : memref<125x128xf32, #tpu.memory_space<hbm>>) dst(%arg11 : memref<125x128xf32, #tpu.memory_space<vmem>>)
      tpu.yield
    }) : () -> ()
    %add3A = arith.constant 0 : i32
    %add3A_1 = arith.addi %mul3A_0, %add3A : i32
    "tpu.region"() ({
      %run_scoped3A_427 = tpu.sem_alloc : memref<!tpu.dma_semaphore, #tpu.memory_space<semaphore_mem>>
      %dma_start3A_428 = arith.constant 0 : i32
      %dma_start3A_429 = tpu.memref_slice %arg13[%add3A_1, %dma_start3A_428] : memref<10240x128xf32, #tpu.memory_space<vmem_shared>> -> memref<125x128xf32, #tpu.memory_space<vmem_shared>>
      %dma_start3A_430 = arith.constant 0 : i32
      %dma_start3A_431 = tpu.memref_slice %arg13[%add3A_1, %dma_start3A_430] : memref<10240x128xf32, #tpu.memory_space<vmem_shared>> -> memref<125x128xf32, #tpu.memory_space<vmem_shared>>
      tpu.enqueue_dma source(%arg11 : memref<125x128xf32, #tpu.memory_space<vmem>>) target(%dma_start3A_431 : memref<125x128xf32, #tpu.memory_space<vmem_shared>>) target_semaphore(%run_scoped3A_427 : memref<!tpu.dma_semaphore, #tpu.memory_space<semaphore_mem>>)
      %dma_wait3A_432 = arith.constant 0 : i32
      %dma_wait3A_433 = tpu.memref_slice %arg13[%add3A_1, %dma_wait3A_432] : memref<10240x128xf32, #tpu.memory_space<vmem_shared>> -> memref<125x128xf32, #tpu.memory_space<vmem_shared>>
      %dma_wait3A_434 = arith.constant 0 : i32
      %dma_wait3A_435 = tpu.memref_slice %arg13[%add3A_1, %dma_wait3A_434] : memref<10240x128xf32, #tpu.memory_space<vmem_shared>> -> memref<125x128xf32, #tpu.memory_space<vmem_shared>>
      tpu.wait_dma2 semaphore(%run_scoped3A_427 : memref<!tpu.dma_semaphore, #tpu.memory_space<semaphore_mem>>) src(%arg11 : memref<125x128xf32, #tpu.memory_space<vmem>>) dst(%dma_wait3A_435 : memref<125x128xf32, #tpu.memory_space<vmem_shared>>)
      tpu.yield
    }) : () -> ()
    %add3A_2 = arith.constant 125 : i32
    %add3A_3 = arith.addi %mul3A_0, %add3A_2 : i32
    "tpu.region"() ({
      %run_scoped3A_427 = tpu.sem_alloc : memref<!tpu.dma_semaphore, #tpu.memory_space<semaphore_mem>>
      %dma_start3A_428 = arith.constant 0 : i32
      %dma_start3A_429 = tpu.memref_slice %arg13[%add3A_3, %dma_start3A_428] : memref<10240x128xf32, #tpu.memory_space<vmem_shared>> -> memref<125x128xf32, #tpu.memory_space<vmem_shared>>
      %dma_start3A_430 = arith.constant 0 : i32
      %dma_start3A_431 = tpu.memref_slice %arg13[%add3A_3, %dma_start3A_430] : memref<10240x128xf32, #tpu.memory_space<vmem_shared>> -> memref<125x128xf32, #tpu.memory_space<vmem_shared>>
      tpu.enqueue_dma source(%arg11 : memref<125x128xf32, #tpu.memory_space<vmem>>) target(%dma_start3A_431 : memref<125x128xf32, #tpu.memory_space<vmem_shared>>) target_semaphore(%run_scoped3A_427 : memref<!tpu.dma_semaphore, #tpu.memory_space<semaphore_mem>>)
      %dma_wait3A_432 = arith.constant 0 : i32
      %dma_wait3A_433 = tpu.memref_slice %arg13[%add3A_3, %dma_wait3A_432] : memref<10240x128xf32, #tpu.memory_space<vmem_shared>> -> memref<125x128xf32, #tpu.memory_space<vmem_shared>>
      %dma_wait3A_434 = arith.constant 0 : i32
      %dma_wait3A_435 = tpu.memref_slice %arg13[%add3A_3, %dma_wait3A_434] : memref<10240x128xf32, #tpu.memory_space<vmem_shared>> -> memref<125x128xf32, #tpu.memory_space<vmem_shared>>
      tpu.wait_dma2 semaphore(%run_scoped3A_427 : memref<!tpu.dma_semaphore, #tpu.memory_space<semaphore_mem>>) src(%arg11 : memref<125x128xf32, #tpu.memory_space<vmem>>) dst(%dma_wait3A_435 : memref<125x128xf32, #tpu.memory_space<vmem_shared>>)
      tpu.yield
    }) : () -> ()
    %add3A_4 = arith.constant 250 : i32
    %add3A_5 = arith.addi %mul3A_0, %add3A_4 : i32
    "tpu.region"() ({
      %run_scoped3A_427 = tpu.sem_alloc : memref<!tpu.dma_semaphore, #tpu.memory_space<semaphore_mem>>
      %dma_start3A_428 = arith.constant 0 : i32
      %dma_start3A_429 = tpu.memref_slice %arg13[%add3A_5, %dma_start3A_428] : memref<10240x128xf32, #tpu.memory_space<vmem_shared>> -> memref<125x128xf32, #tpu.memory_space<vmem_shared>>
      %dma_start3A_430 = arith.constant 0 : i32
      %dma_start3A_431 = tpu.memref_slice %arg13[%add3A_5, %dma_start3A_430] : memref<10240x128xf32, #tpu.memory_space<vmem_shared>> -> memref<125x128xf32, #tpu.memory_space<vmem_shared>>
      tpu.enqueue_dma source(%arg11 : memref<125x128xf32, #tpu.memory_space<vmem>>) target(%dma_start3A_431 : memref<125x128xf32, #tpu.memory_space<vmem_shared>>) target_semaphore(%run_scoped3A_427 : memref<!tpu.dma_semaphore, #tpu.memory_space<semaphore_mem>>)
      %dma_wait3A_432 = arith.constant 0 : i32
      %dma_wait3A_433 = tpu.memref_slice %arg13[%add3A_5, %dma_wait3A_432] : memref<10240x128xf32, #tpu.memory_space<vmem_shared>> -> memref<125x128xf32, #tpu.memory_space<vmem_shared>>
      %dma_wait3A_434 = arith.constant 0 : i32
      %dma_wait3A_435 = tpu.memref_slice %arg13[%add3A_5, %dma_wait3A_434] : memref<10240x128xf32, #tpu.memory_space<vmem_shared>> -> memref<125x128xf32, #tpu.memory_space<vmem_shared>>
      tpu.wait_dma2 semaphore(%run_scoped3A_427 : memref<!tpu.dma_semaphore, #tpu.memory_space<semaphore_mem>>) src(%arg11 : memref<125x128xf32, #tpu.memory_space<vmem>>) dst(%dma_wait3A_435 : memref<125x128xf32, #tpu.memory_space<vmem_shared>>)
      tpu.yield
    }) : () -> ()
    %add3A_6 = arith.constant 375 : i32
    %add3A_7 = arith.addi %mul3A_0, %add3A_6 : i32
    "tpu.region"() ({
      %run_scoped3A_427 = tpu.sem_alloc : memref<!tpu.dma_semaphore, #tpu.memory_space<semaphore_mem>>
      %dma_start3A_428 = arith.constant 0 : i32
      %dma_start3A_429 = tpu.memref_slice %arg13[%add3A_7, %dma_start3A_428] : memref<10240x128xf32, #tpu.memory_space<vmem_shared>> -> memref<125x128xf32, #tpu.memory_space<vmem_shared>>
      %dma_start3A_430 = arith.constant 0 : i32
      %dma_start3A_431 = tpu.memref_slice %arg13[%add3A_7, %dma_start3A_430] : memref<10240x128xf32, #tpu.memory_space<vmem_shared>> -> memref<125x128xf32, #tpu.memory_space<vmem_shared>>
      tpu.enqueue_dma source(%arg11 : memref<125x128xf32, #tpu.memory_space<vmem>>) target(%dma_start3A_431 : memref<125x128xf32, #tpu.memory_space<vmem_shared>>) target_semaphore(%run_scoped3A_427 : memref<!tpu.dma_semaphore, #tpu.memory_space<semaphore_mem>>)
      %dma_wait3A_432 = arith.constant 0 : i32
      %dma_wait3A_433 = tpu.memref_slice %arg13[%add3A_7, %dma_wait3A_432] : memref<10240x128xf32, #tpu.memory_space<vmem_shared>> -> memref<125x128xf32, #tpu.memory_space<vmem_shared>>
      %dma_wait3A_434 = arith.constant 0 : i32
      %dma_wait3A_435 = tpu.memref_slice %arg13[%add3A_7, %dma_wait3A_434] : memref<10240x128xf32, #tpu.memory_space<vmem_shared>> -> memref<125x128xf32, #tpu.memory_space<vmem_shared>>
      tpu.wait_dma2 semaphore(%run_scoped3A_427 : memref<!tpu.dma_semaphore, #tpu.memory_space<semaphore_mem>>) src(%arg11 : memref<125x128xf32, #tpu.memory_space<vmem>>) dst(%dma_wait3A_435 : memref<125x128xf32, #tpu.memory_space<vmem_shared>>)
      tpu.yield
    }) : () -> ()
    %add3A_8 = arith.constant 500 : i32
    %add3A_9 = arith.addi %mul3A_0, %add3A_8 : i32
    "tpu.region"() ({
      %run_scoped3A_427 = tpu.sem_alloc : memref<!tpu.dma_semaphore, #tpu.memory_space<semaphore_mem>>
      %dma_start3A_428 = arith.constant 0 : i32
      %dma_start3A_429 = tpu.memref_slice %arg13[%add3A_9, %dma_start3A_428] : memref<10240x128xf32, #tpu.memory_space<vmem_shared>> -> memref<125x128xf32, #tpu.memory_space<vmem_shared>>
      %dma_start3A_430 = arith.constant 0 : i32
      %dma_start3A_431 = tpu.memref_slice %arg13[%add3A_9, %dma_start3A_430] : memref<10240x128xf32, #tpu.memory_space<vmem_shared>> -> memref<125x128xf32, #tpu.memory_space<vmem_shared>>
      tpu.enqueue_dma source(%arg11 : memref<125x128xf32, #tpu.memory_space<vmem>>) target(%dma_start3A_431 : memref<125x128xf32, #tpu.memory_space<vmem_shared>>) target_semaphore(%run_scoped3A_427 : memref<!tpu.dma_semaphore, #tpu.memory_space<semaphore_mem>>)
      %dma_wait3A_432 = arith.constant 0 : i32
      %dma_wait3A_433 = tpu.memref_slice %arg13[%add3A_9, %dma_wait3A_432] : memref<10240x128xf32, #tpu.memory_space<vmem_shared>> -> memref<125x128xf32, #tpu.memory_space<vmem_shared>>
      %dma_wait3A_434 = arith.constant 0 : i32
      %dma_wait3A_435 = tpu.memref_slice %arg13[%add3A_9, %dma_wait3A_434] : memref<10240x128xf32, #tpu.memory_space<vmem_shared>> -> memref<125x128xf32, #tpu.memory_space<vmem_shared>>
      tpu.wait_dma2 semaphore(%run_scoped3A_427 : memref<!tpu.dma_semaphore, #tpu.memory_space<semaphore_mem>>) src(%arg11 : memref<125x128xf32, #tpu.memory_space<vmem>>) dst(%dma_wait3A_435 : memref<125x128xf32, #tpu.memory_space<vmem_shared>>)
      tpu.yield
    }) : () -> ()
    %add3A_10 = arith.constant 625 : i32
    %add3A_11 = arith.addi %mul3A_0, %add3A_10 : i32
    "tpu.region"() ({
      %run_scoped3A_427 = tpu.sem_alloc : memref<!tpu.dma_semaphore, #tpu.memory_space<semaphore_mem>>
      %dma_start3A_428 = arith.constant 0 : i32
      %dma_start3A_429 = arith.constant 0 : i32
      %dma_start3A_430 = tpu.memref_slice %arg11[%dma_start3A_428, %dma_start3A_429] : memref<125x128xf32, #tpu.memory_space<vmem>> -> memref<15x128xf32, #tpu.memory_space<vmem>>
      %dma_start3A_431 = arith.constant 0 : i32
      %dma_start3A_432 = tpu.memref_slice %arg13[%add3A_11, %dma_start3A_431] : memref<10240x128xf32, #tpu.memory_space<vmem_shared>> -> memref<15x128xf32, #tpu.memory_space<vmem_shared>>
      %dma_start3A_433 = arith.constant 0 : i32
      %dma_start3A_434 = tpu.memref_slice %arg13[%add3A_11, %dma_start3A_433] : memref<10240x128xf32, #tpu.memory_space<vmem_shared>> -> memref<15x128xf32, #tpu.memory_space<vmem_shared>>
      %dma_start3A_435 = arith.constant 0 : i32
      %dma_start3A_436 = arith.constant 0 : i32
      %dma_start3A_437 = tpu.memref_slice %arg11[%dma_start3A_435, %dma_start3A_436] : memref<125x128xf32, #tpu.memory_space<vmem>> -> memref<15x128xf32, #tpu.memory_space<vmem>>
      tpu.enqueue_dma source(%dma_start3A_437 : memref<15x128xf32, #tpu.memory_space<vmem>>) target(%dma_start3A_434 : memref<15x128xf32, #tpu.memory_space<vmem_shared>>) target_semaphore(%run_scoped3A_427 : memref<!tpu.dma_semaphore, #tpu.memory_space<semaphore_mem>>)
      %dma_wait3A_438 = arith.constant 0 : i32
      %dma_wait3A_439 = arith.constant 0 : i32
      %dma_wait3A_440 = tpu.memref_slice %arg11[%dma_wait3A_438, %dma_wait3A_439] : memref<125x128xf32, #tpu.memory_space<vmem>> -> memref<15x128xf32, #tpu.memory_space<vmem>>
      %dma_wait3A_441 = arith.constant 0 : i32
      %dma_wait3A_442 = tpu.memref_slice %arg13[%add3A_11, %dma_wait3A_441] : memref<10240x128xf32, #tpu.memory_space<vmem_shared>> -> memref<15x128xf32, #tpu.memory_space<vmem_shared>>
      %dma_wait3A_443 = arith.constant 0 : i32
      %dma_wait3A_444 = tpu.memref_slice %arg13[%add3A_11, %dma_wait3A_443] : memref<10240x128xf32, #tpu.memory_space<vmem_shared>> -> memref<15x128xf32, #tpu.memory_space<vmem_shared>>
      %dma_wait3A_445 = arith.constant 0 : i32
      %dma_wait3A_446 = arith.constant 0 : i32
      %dma_wait3A_447 = tpu.memref_slice %arg11[%dma_wait3A_445, %dma_wait3A_446] : memref<125x128xf32, #tpu.memory_space<vmem>> -> memref<15x128xf32, #tpu.memory_space<vmem>>
      tpu.wait_dma2 semaphore(%run_scoped3A_427 : memref<!tpu.dma_semaphore, #tpu.memory_space<semaphore_mem>>) src(%dma_wait3A_447 : memref<15x128xf32, #tpu.memory_space<vmem>>) dst(%dma_wait3A_444 : memref<15x128xf32, #tpu.memory_space<vmem_shared>>)
      tpu.yield
    }) : () -> ()
    %barrier3A = arith.constant 0 : index
    tpu.barrier barrier_id(%barrier3A)
    %run_scoped3A = arith.constant 0 : i32
    "tpu.region"() ({
      %run_scoped3A_427 = tpu.sem_alloc : memref<!tpu.dma_semaphore, #tpu.memory_space<semaphore_mem>>
      %dma_start3A_428 = arith.constant 0 : i32
      %dma_start3A_429 = arith.constant 0 : i32
      %dma_start3A_430 = tpu.memref_slice %arg5[%run_scoped3A, %arg0, %arg1, %dma_start3A_428, %dma_start3A_429] : memref<3x2x16x80x125xi32, #tpu.memory_space<hbm>> -> memref<1x1x1x40x125xi32, #tpu.memory_space<hbm>>
      %dma_start3A_431 = tpu.memref_squeeze %dma_start3A_430 : memref<1x1x1x40x125xi32, #tpu.memory_space<hbm>> -> memref<40x125xi32, #tpu.memory_space<hbm>>
      %dma_start3A_432 = arith.constant 0 : i32
      %dma_start3A_433 = arith.constant 0 : i32
      %dma_start3A_434 = tpu.memref_slice %arg5[%run_scoped3A, %arg0, %arg1, %dma_start3A_432, %dma_start3A_433] : memref<3x2x16x80x125xi32, #tpu.memory_space<hbm>> -> memref<1x1x1x40x125xi32, #tpu.memory_space<hbm>>
      %dma_start3A_435 = tpu.memref_squeeze %dma_start3A_434 : memref<1x1x1x40x125xi32, #tpu.memory_space<hbm>> -> memref<40x125xi32, #tpu.memory_space<hbm>>
      tpu.enqueue_dma source(%dma_start3A_435 : memref<40x125xi32, #tpu.memory_space<hbm>>) target(%arg9 : memref<40x125xi32, #tpu.memory_space<vmem>>) target_semaphore(%run_scoped3A_427 : memref<!tpu.dma_semaphore, #tpu.memory_space<semaphore_mem>>)
      %dma_wait3A_436 = arith.constant 0 : i32
      %dma_wait3A_437 = arith.constant 0 : i32
      %dma_wait3A_438 = tpu.memref_slice %arg5[%run_scoped3A, %arg0, %arg1, %dma_wait3A_436, %dma_wait3A_437] : memref<3x2x16x80x125xi32, #tpu.memory_space<hbm>> -> memref<1x1x1x40x125xi32, #tpu.memory_space<hbm>>
      %dma_wait3A_439 = tpu.memref_squeeze %dma_wait3A_438 : memref<1x1x1x40x125xi32, #tpu.memory_space<hbm>> -> memref<40x125xi32, #tpu.memory_space<hbm>>
      %dma_wait3A_440 = arith.constant 0 : i32
      %dma_wait3A_441 = arith.constant 0 : i32
      %dma_wait3A_442 = tpu.memref_slice %arg5[%run_scoped3A, %arg0, %arg1, %dma_wait3A_440, %dma_wait3A_441] : memref<3x2x16x80x125xi32, #tpu.memory_space<hbm>> -> memref<1x1x1x40x125xi32, #tpu.memory_space<hbm>>
      %dma_wait3A_443 = tpu.memref_squeeze %dma_wait3A_442 : memref<1x1x1x40x125xi32, #tpu.memory_space<hbm>> -> memref<40x125xi32, #tpu.memory_space<hbm>>
      tpu.wait_dma2 semaphore(%run_scoped3A_427 : memref<!tpu.dma_semaphore, #tpu.memory_space<semaphore_mem>>) src(%dma_wait3A_443 : memref<40x125xi32, #tpu.memory_space<hbm>>) dst(%arg9 : memref<40x125xi32, #tpu.memory_space<vmem>>)
      tpu.yield
    }) : () -> ()
    %run_scoped3A_12 = arith.constant 0 : i32
    "tpu.region"() ({
      %run_scoped3A_427 = tpu.sem_alloc : memref<!tpu.dma_semaphore, #tpu.memory_space<semaphore_mem>>
      %dma_start3A_428 = arith.constant 0 : i32
      %dma_start3A_429 = arith.constant 0 : i32
      %dma_start3A_430 = tpu.memref_slice %arg6[%run_scoped3A_12, %arg0, %arg1, %dma_start3A_428, %dma_start3A_429] : memref<3x2x16x80x125xi32, #tpu.memory_space<hbm>> -> memref<1x1x1x40x125xi32, #tpu.memory_space<hbm>>
      %dma_start3A_431 = tpu.memref_squeeze %dma_start3A_430 : memref<1x1x1x40x125xi32, #tpu.memory_space<hbm>> -> memref<40x125xi32, #tpu.memory_space<hbm>>
      %dma_start3A_432 = arith.constant 0 : i32
      %dma_start3A_433 = arith.constant 0 : i32
      %dma_start3A_434 = tpu.memref_slice %arg6[%run_scoped3A_12, %arg0, %arg1, %dma_start3A_432, %dma_start3A_433] : memref<3x2x16x80x125xi32, #tpu.memory_space<hbm>> -> memref<1x1x1x40x125xi32, #tpu.memory_space<hbm>>
      %dma_start3A_435 = tpu.memref_squeeze %dma_start3A_434 : memref<1x1x1x40x125xi32, #tpu.memory_space<hbm>> -> memref<40x125xi32, #tpu.memory_space<hbm>>
      tpu.enqueue_dma source(%dma_start3A_435 : memref<40x125xi32, #tpu.memory_space<hbm>>) target(%arg10 : memref<40x125xi32, #tpu.memory_space<vmem>>) target_semaphore(%run_scoped3A_427 : memref<!tpu.dma_semaphore, #tpu.memory_space<semaphore_mem>>)
      %dma_wait3A_436 = arith.constant 0 : i32
      %dma_wait3A_437 = arith.constant 0 : i32
      %dma_wait3A_438 = tpu.memref_slice %arg6[%run_scoped3A_12, %arg0, %arg1, %dma_wait3A_436, %dma_wait3A_437] : memref<3x2x16x80x125xi32, #tpu.memory_space<hbm>> -> memref<1x1x1x40x125xi32, #tpu.memory_space<hbm>>
      %dma_wait3A_439 = tpu.memref_squeeze %dma_wait3A_438 : memref<1x1x1x40x125xi32, #tpu.memory_space<hbm>> -> memref<40x125xi32, #tpu.memory_space<hbm>>
      %dma_wait3A_440 = arith.constant 0 : i32
      %dma_wait3A_441 = arith.constant 0 : i32
      %dma_wait3A_442 = tpu.memref_slice %arg6[%run_scoped3A_12, %arg0, %arg1, %dma_wait3A_440, %dma_wait3A_441] : memref<3x2x16x80x125xi32, #tpu.memory_space<hbm>> -> memref<1x1x1x40x125xi32, #tpu.memory_space<hbm>>
      %dma_wait3A_443 = tpu.memref_squeeze %dma_wait3A_442 : memref<1x1x1x40x125xi32, #tpu.memory_space<hbm>> -> memref<40x125xi32, #tpu.memory_space<hbm>>
      tpu.wait_dma2 semaphore(%run_scoped3A_427 : memref<!tpu.dma_semaphore, #tpu.memory_space<semaphore_mem>>) src(%dma_wait3A_443 : memref<40x125xi32, #tpu.memory_space<hbm>>) dst(%arg10 : memref<40x125xi32, #tpu.memory_space<vmem>>)
      tpu.yield
    }) : () -> ()
    %dma_start3A = arith.constant 0 : i32
    %dma_start3A_13 = arith.constant 0 : i32
    %dma_start3A_14 = tpu.memref_slice %arg9[%dma_start3A, %dma_start3A_13] : memref<40x125xi32, #tpu.memory_space<vmem>> -> memref<1x125xi32, #tpu.memory_space<vmem>>
    %dma_start3A_15 = tpu.memref_squeeze %dma_start3A_14 : memref<1x125xi32, #tpu.memory_space<vmem>> -> memref<125xi32, #tpu.memory_space<vmem>>
    %dma_start3A_16 = arith.constant 0 : i32
    %dma_start3A_17 = arith.constant 0 : i32
    %dma_start3A_18 = tpu.memref_slice %arg2[%dma_start3A_16, %dma_start3A_17] : memref<10240x128xf32, #tpu.memory_space<hbm>> -> memref<10240x128xf32, #tpu.memory_space<hbm>>
    tpu.enqueue_indirect_dma source(%dma_start3A_18 : memref<10240x128xf32, #tpu.memory_space<hbm>>) target(%arg11 : memref<125x128xf32, #tpu.memory_space<vmem>>) offsets(%dma_start3A_15 : memref<125xi32, #tpu.memory_space<vmem>>) semaphore(%arg14 : memref<!tpu.dma_semaphore, #tpu.memory_space<semaphore_mem>>)
    %dma_wait3A = arith.constant 0 : i32
    %dma_wait3A_19 = arith.constant 0 : i32
    %dma_wait3A_20 = tpu.memref_slice %arg9[%dma_wait3A, %dma_wait3A_19] : memref<40x125xi32, #tpu.memory_space<vmem>> -> memref<1x125xi32, #tpu.memory_space<vmem>>
    %dma_wait3A_21 = tpu.memref_squeeze %dma_wait3A_20 : memref<1x125xi32, #tpu.memory_space<vmem>> -> memref<125xi32, #tpu.memory_space<vmem>>
    %dma_wait3A_22 = arith.constant 0 : i32
    %dma_wait3A_23 = arith.constant 0 : i32
    %dma_wait3A_24 = tpu.memref_slice %arg2[%dma_wait3A_22, %dma_wait3A_23] : memref<10240x128xf32, #tpu.memory_space<hbm>> -> memref<10240x128xf32, #tpu.memory_space<hbm>>
    tpu.wait_indirect_dma semaphore(%arg14 : memref<!tpu.dma_semaphore, #tpu.memory_space<semaphore_mem>>) src(%dma_wait3A_24 : memref<10240x128xf32, #tpu.memory_space<hbm>>) dst(%arg11 : memref<125x128xf32, #tpu.memory_space<vmem>>)
    %dma_start3A_25 = arith.constant 0 : i32
    %dma_start3A_26 = arith.constant 0 : i32
    %dma_start3A_27 = tpu.memref_slice %arg10[%dma_start3A_25, %dma_start3A_26] : memref<40x125xi32, #tpu.memory_space<vmem>> -> memref<1x125xi32, #tpu.memory_space<vmem>>
    %dma_start3A_28 = tpu.memref_squeeze %dma_start3A_27 : memref<1x125xi32, #tpu.memory_space<vmem>> -> memref<125xi32, #tpu.memory_space<vmem>>
    %dma_start3A_29 = arith.constant 0 : i32
    %dma_start3A_30 = arith.constant 0 : i32
    %dma_start3A_31 = tpu.memref_slice %arg13[%dma_start3A_29, %dma_start3A_30] : memref<10240x128xf32, #tpu.memory_space<vmem_shared>> -> memref<10240x128xf32, #tpu.memory_space<vmem_shared>>
    tpu.enqueue_indirect_dma source(%arg11 : memref<125x128xf32, #tpu.memory_space<vmem>>) target(%dma_start3A_31 : memref<10240x128xf32, #tpu.memory_space<vmem_shared>>) offsets(%dma_start3A_28 : memref<125xi32, #tpu.memory_space<vmem>>) semaphore(%arg16 : memref<!tpu.dma_semaphore, #tpu.memory_space<semaphore_mem>>) {add = true}
    %dma_start3A_32 = arith.constant 1 : i32
    %dma_start3A_33 = arith.constant 0 : i32
    %dma_start3A_34 = tpu.memref_slice %arg9[%dma_start3A_32, %dma_start3A_33] : memref<40x125xi32, #tpu.memory_space<vmem>> -> memref<1x125xi32, #tpu.memory_space<vmem>>
    %dma_start3A_35 = tpu.memref_squeeze %dma_start3A_34 : memref<1x125xi32, #tpu.memory_space<vmem>> -> memref<125xi32, #tpu.memory_space<vmem>>
    %dma_start3A_36 = arith.constant 0 : i32
    %dma_start3A_37 = arith.constant 0 : i32
    %dma_start3A_38 = tpu.memref_slice %arg2[%dma_start3A_36, %dma_start3A_37] : memref<10240x128xf32, #tpu.memory_space<hbm>> -> memref<10240x128xf32, #tpu.memory_space<hbm>>
    tpu.enqueue_indirect_dma source(%dma_start3A_38 : memref<10240x128xf32, #tpu.memory_space<hbm>>) target(%arg12 : memref<125x128xf32, #tpu.memory_space<vmem>>) offsets(%dma_start3A_35 : memref<125xi32, #tpu.memory_space<vmem>>) semaphore(%arg15 : memref<!tpu.dma_semaphore, #tpu.memory_space<semaphore_mem>>)
    %scan3A = arith.constant 0 : i32
    %scan3A_39 = arith.constant 0 : i32
    %scan3A_40 = arith.constant 19 : i32
    %scan3A_41 = arith.addi %scan3A_39, %scan3A_40 : i32
    %scan3A_42 = arith.constant 1 : i32
    scf.for %scan3A_427 = %scan3A_39 to %scan3A_41 step %scan3A_42  : i32 {
      %mul3A_428 = arith.constant 2 : i32
      %mul3A_429 = arith.muli %mul3A_428, %scan3A_427 : i32
      %add3A_430 = arith.constant 1 : i32
      %add3A_431 = arith.addi %mul3A_429, %add3A_430 : i32
      %dma_wait3A_432 = arith.constant 0 : i32
      %dma_wait3A_433 = arith.constant 0 : i32
      %dma_wait3A_434 = tpu.memref_slice %arg9[%dma_wait3A_432, %dma_wait3A_433] : memref<40x125xi32, #tpu.memory_space<vmem>> -> memref<1x125xi32, #tpu.memory_space<vmem>>
      %dma_wait3A_435 = tpu.memref_squeeze %dma_wait3A_434 : memref<1x125xi32, #tpu.memory_space<vmem>> -> memref<125xi32, #tpu.memory_space<vmem>>
      %dma_wait3A_436 = arith.constant 0 : i32
      %dma_wait3A_437 = arith.constant 0 : i32
      %dma_wait3A_438 = tpu.memref_slice %arg2[%dma_wait3A_436, %dma_wait3A_437] : memref<10240x128xf32, #tpu.memory_space<hbm>> -> memref<10240x128xf32, #tpu.memory_space<hbm>>
      tpu.wait_indirect_dma semaphore(%arg15 : memref<!tpu.dma_semaphore, #tpu.memory_space<semaphore_mem>>) src(%dma_wait3A_438 : memref<10240x128xf32, #tpu.memory_space<hbm>>) dst(%arg12 : memref<125x128xf32, #tpu.memory_space<vmem>>)
      %dma_start3A_439 = arith.constant 0 : i32
      %dma_start3A_440 = tpu.memref_slice %arg10[%add3A_431, %dma_start3A_439] : memref<40x125xi32, #tpu.memory_space<vmem>> -> memref<1x125xi32, #tpu.memory_space<vmem>>
      %dma_start3A_441 = tpu.memref_squeeze %dma_start3A_440 : memref<1x125xi32, #tpu.memory_space<vmem>> -> memref<125xi32, #tpu.memory_space<vmem>>
      %dma_start3A_442 = arith.constant 0 : i32
      %dma_start3A_443 = arith.constant 0 : i32
      %dma_start3A_444 = tpu.memref_slice %arg13[%dma_start3A_442, %dma_start3A_443] : memref<10240x128xf32, #tpu.memory_space<vmem_shared>> -> memref<10240x128xf32, #tpu.memory_space<vmem_shared>>
      tpu.enqueue_indirect_dma source(%arg12 : memref<125x128xf32, #tpu.memory_space<vmem>>) target(%dma_start3A_444 : memref<10240x128xf32, #tpu.memory_space<vmem_shared>>) offsets(%dma_start3A_441 : memref<125xi32, #tpu.memory_space<vmem>>) semaphore(%arg17 : memref<!tpu.dma_semaphore, #tpu.memory_space<semaphore_mem>>) {add = true}
      %dma_wait3A_445 = arith.constant 0 : i32
      %dma_wait3A_446 = arith.constant 0 : i32
      %dma_wait3A_447 = tpu.memref_slice %arg10[%dma_wait3A_445, %dma_wait3A_446] : memref<40x125xi32, #tpu.memory_space<vmem>> -> memref<1x125xi32, #tpu.memory_space<vmem>>
      %dma_wait3A_448 = tpu.memref_squeeze %dma_wait3A_447 : memref<1x125xi32, #tpu.memory_space<vmem>> -> memref<125xi32, #tpu.memory_space<vmem>>
      %dma_wait3A_449 = arith.constant 0 : i32
      %dma_wait3A_450 = arith.constant 0 : i32
      %dma_wait3A_451 = tpu.memref_slice %arg13[%dma_wait3A_449, %dma_wait3A_450] : memref<10240x128xf32, #tpu.memory_space<vmem_shared>> -> memref<10240x128xf32, #tpu.memory_space<vmem_shared>>
      tpu.wait_indirect_dma semaphore(%arg16 : memref<!tpu.dma_semaphore, #tpu.memory_space<semaphore_mem>>) src(%arg11 : memref<125x128xf32, #tpu.memory_space<vmem>>) dst(%dma_wait3A_451 : memref<10240x128xf32, #tpu.memory_space<vmem_shared>>)
      %add3A_452 = arith.constant 1 : i32
      %add3A_453 = arith.addi %add3A_431, %add3A_452 : i32
      %dma_start3A_454 = arith.constant 0 : i32
      %dma_start3A_455 = tpu.memref_slice %arg9[%add3A_453, %dma_start3A_454] : memref<40x125xi32, #tpu.memory_space<vmem>> -> memref<1x125xi32, #tpu.memory_space<vmem>>
      %dma_start3A_456 = tpu.memref_squeeze %dma_start3A_455 : memref<1x125xi32, #tpu.memory_space<vmem>> -> memref<125xi32, #tpu.memory_space<vmem>>
      %dma_start3A_457 = arith.constant 0 : i32
      %dma_start3A_458 = arith.constant 0 : i32
      %dma_start3A_459 = tpu.memref_slice %arg2[%dma_start3A_457, %dma_start3A_458] : memref<10240x128xf32, #tpu.memory_space<hbm>> -> memref<10240x128xf32, #tpu.memory_space<hbm>>
      tpu.enqueue_indirect_dma source(%dma_start3A_459 : memref<10240x128xf32, #tpu.memory_space<hbm>>) target(%arg11 : memref<125x128xf32, #tpu.memory_space<vmem>>) offsets(%dma_start3A_456 : memref<125xi32, #tpu.memory_space<vmem>>) semaphore(%arg14 : memref<!tpu.dma_semaphore, #tpu.memory_space<semaphore_mem>>)
      %mul3A_460 = arith.constant 2 : i32
      %mul3A_461 = arith.muli %mul3A_460, %scan3A_427 : i32
      %add3A_462 = arith.constant 2 : i32
      %add3A_463 = arith.addi %mul3A_461, %add3A_462 : i32
      %dma_wait3A_464 = arith.constant 0 : i32
      %dma_wait3A_465 = arith.constant 0 : i32
      %dma_wait3A_466 = tpu.memref_slice %arg9[%dma_wait3A_464, %dma_wait3A_465] : memref<40x125xi32, #tpu.memory_space<vmem>> -> memref<1x125xi32, #tpu.memory_space<vmem>>
      %dma_wait3A_467 = tpu.memref_squeeze %dma_wait3A_466 : memref<1x125xi32, #tpu.memory_space<vmem>> -> memref<125xi32, #tpu.memory_space<vmem>>
      %dma_wait3A_468 = arith.constant 0 : i32
      %dma_wait3A_469 = arith.constant 0 : i32
      %dma_wait3A_470 = tpu.memref_slice %arg2[%dma_wait3A_468, %dma_wait3A_469] : memref<10240x128xf32, #tpu.memory_space<hbm>> -> memref<10240x128xf32, #tpu.memory_space<hbm>>
      tpu.wait_indirect_dma semaphore(%arg14 : memref<!tpu.dma_semaphore, #tpu.memory_space<semaphore_mem>>) src(%dma_wait3A_470 : memref<10240x128xf32, #tpu.memory_space<hbm>>) dst(%arg11 : memref<125x128xf32, #tpu.memory_space<vmem>>)
      %dma_start3A_471 = arith.constant 0 : i32
      %dma_start3A_472 = tpu.memref_slice %arg10[%add3A_463, %dma_start3A_471] : memref<40x125xi32, #tpu.memory_space<vmem>> -> memref<1x125xi32, #tpu.memory_space<vmem>>
      %dma_start3A_473 = tpu.memref_squeeze %dma_start3A_472 : memref<1x125xi32, #tpu.memory_space<vmem>> -> memref<125xi32, #tpu.memory_space<vmem>>
      %dma_start3A_474 = arith.constant 0 : i32
      %dma_start3A_475 = arith.constant 0 : i32
      %dma_start3A_476 = tpu.memref_slice %arg13[%dma_start3A_474, %dma_start3A_475] : memref<10240x128xf32, #tpu.memory_space<vmem_shared>> -> memref<10240x128xf32, #tpu.memory_space<vmem_shared>>
      tpu.enqueue_indirect_dma source(%arg11 : memref<125x128xf32, #tpu.memory_space<vmem>>) target(%dma_start3A_476 : memref<10240x128xf32, #tpu.memory_space<vmem_shared>>) offsets(%dma_start3A_473 : memref<125xi32, #tpu.memory_space<vmem>>) semaphore(%arg16 : memref<!tpu.dma_semaphore, #tpu.memory_space<semaphore_mem>>) {add = true}
      %dma_wait3A_477 = arith.constant 0 : i32
      %dma_wait3A_478 = arith.constant 0 : i32
      %dma_wait3A_479 = tpu.memref_slice %arg10[%dma_wait3A_477, %dma_wait3A_478] : memref<40x125xi32, #tpu.memory_space<vmem>> -> memref<1x125xi32, #tpu.memory_space<vmem>>
      %dma_wait3A_480 = tpu.memref_squeeze %dma_wait3A_479 : memref<1x125xi32, #tpu.memory_space<vmem>> -> memref<125xi32, #tpu.memory_space<vmem>>
      %dma_wait3A_481 = arith.constant 0 : i32
      %dma_wait3A_482 = arith.constant 0 : i32
      %dma_wait3A_483 = tpu.memref_slice %arg13[%dma_wait3A_481, %dma_wait3A_482] : memref<10240x128xf32, #tpu.memory_space<vmem_shared>> -> memref<10240x128xf32, #tpu.memory_space<vmem_shared>>
      tpu.wait_indirect_dma semaphore(%arg17 : memref<!tpu.dma_semaphore, #tpu.memory_space<semaphore_mem>>) src(%arg12 : memref<125x128xf32, #tpu.memory_space<vmem>>) dst(%dma_wait3A_483 : memref<10240x128xf32, #tpu.memory_space<vmem_shared>>)
      %add3A_484 = arith.constant 1 : i32
      %add3A_485 = arith.addi %add3A_463, %add3A_484 : i32
      %dma_start3A_486 = arith.constant 0 : i32
      %dma_start3A_487 = tpu.memref_slice %arg9[%add3A_485, %dma_start3A_486] : memref<40x125xi32, #tpu.memory_space<vmem>> -> memref<1x125xi32, #tpu.memory_space<vmem>>
      %dma_start3A_488 = tpu.memref_squeeze %dma_start3A_487 : memref<1x125xi32, #tpu.memory_space<vmem>> -> memref<125xi32, #tpu.memory_space<vmem>>
      %dma_start3A_489 = arith.constant 0 : i32
      %dma_start3A_490 = arith.constant 0 : i32
      %dma_start3A_491 = tpu.memref_slice %arg2[%dma_start3A_489, %dma_start3A_490] : memref<10240x128xf32, #tpu.memory_space<hbm>> -> memref<10240x128xf32, #tpu.memory_space<hbm>>
      tpu.enqueue_indirect_dma source(%dma_start3A_491 : memref<10240x128xf32, #tpu.memory_space<hbm>>) target(%arg12 : memref<125x128xf32, #tpu.memory_space<vmem>>) offsets(%dma_start3A_488 : memref<125xi32, #tpu.memory_space<vmem>>) semaphore(%arg15 : memref<!tpu.dma_semaphore, #tpu.memory_space<semaphore_mem>>)
    }
    %scan3A_43 = arith.constant 19 : i32
    %dma_wait3A_44 = arith.constant 0 : i32
    %dma_wait3A_45 = arith.constant 0 : i32
    %dma_wait3A_46 = tpu.memref_slice %arg9[%dma_wait3A_44, %dma_wait3A_45] : memref<40x125xi32, #tpu.memory_space<vmem>> -> memref<1x125xi32, #tpu.memory_space<vmem>>
    %dma_wait3A_47 = tpu.memref_squeeze %dma_wait3A_46 : memref<1x125xi32, #tpu.memory_space<vmem>> -> memref<125xi32, #tpu.memory_space<vmem>>
    %dma_wait3A_48 = arith.constant 0 : i32
    %dma_wait3A_49 = arith.constant 0 : i32
    %dma_wait3A_50 = tpu.memref_slice %arg2[%dma_wait3A_48, %dma_wait3A_49] : memref<10240x128xf32, #tpu.memory_space<hbm>> -> memref<10240x128xf32, #tpu.memory_space<hbm>>
    tpu.wait_indirect_dma semaphore(%arg15 : memref<!tpu.dma_semaphore, #tpu.memory_space<semaphore_mem>>) src(%dma_wait3A_50 : memref<10240x128xf32, #tpu.memory_space<hbm>>) dst(%arg12 : memref<125x128xf32, #tpu.memory_space<vmem>>)
    %dma_start3A_51 = arith.constant 39 : i32
    %dma_start3A_52 = arith.constant 0 : i32
    %dma_start3A_53 = tpu.memref_slice %arg10[%dma_start3A_51, %dma_start3A_52] : memref<40x125xi32, #tpu.memory_space<vmem>> -> memref<1x125xi32, #tpu.memory_space<vmem>>
    %dma_start3A_54 = tpu.memref_squeeze %dma_start3A_53 : memref<1x125xi32, #tpu.memory_space<vmem>> -> memref<125xi32, #tpu.memory_space<vmem>>
    %dma_start3A_55 = arith.constant 0 : i32
    %dma_start3A_56 = arith.constant 0 : i32
    %dma_start3A_57 = tpu.memref_slice %arg13[%dma_start3A_55, %dma_start3A_56] : memref<10240x128xf32, #tpu.memory_space<vmem_shared>> -> memref<10240x128xf32, #tpu.memory_space<vmem_shared>>
    tpu.enqueue_indirect_dma source(%arg12 : memref<125x128xf32, #tpu.memory_space<vmem>>) target(%dma_start3A_57 : memref<10240x128xf32, #tpu.memory_space<vmem_shared>>) offsets(%dma_start3A_54 : memref<125xi32, #tpu.memory_space<vmem>>) semaphore(%arg17 : memref<!tpu.dma_semaphore, #tpu.memory_space<semaphore_mem>>) {add = true}
    %dma_wait3A_58 = arith.constant 0 : i32
    %dma_wait3A_59 = arith.constant 0 : i32
    %dma_wait3A_60 = tpu.memref_slice %arg10[%dma_wait3A_58, %dma_wait3A_59] : memref<40x125xi32, #tpu.memory_space<vmem>> -> memref<1x125xi32, #tpu.memory_space<vmem>>
    %dma_wait3A_61 = tpu.memref_squeeze %dma_wait3A_60 : memref<1x125xi32, #tpu.memory_space<vmem>> -> memref<125xi32, #tpu.memory_space<vmem>>
    %dma_wait3A_62 = arith.constant 0 : i32
    %dma_wait3A_63 = arith.constant 0 : i32
    %dma_wait3A_64 = tpu.memref_slice %arg13[%dma_wait3A_62, %dma_wait3A_63] : memref<10240x128xf32, #tpu.memory_space<vmem_shared>> -> memref<10240x128xf32, #tpu.memory_space<vmem_shared>>
    tpu.wait_indirect_dma semaphore(%arg16 : memref<!tpu.dma_semaphore, #tpu.memory_space<semaphore_mem>>) src(%arg11 : memref<125x128xf32, #tpu.memory_space<vmem>>) dst(%dma_wait3A_64 : memref<10240x128xf32, #tpu.memory_space<vmem_shared>>)
    %dma_wait3A_65 = arith.constant 0 : i32
    %dma_wait3A_66 = arith.constant 0 : i32
    %dma_wait3A_67 = tpu.memref_slice %arg10[%dma_wait3A_65, %dma_wait3A_66] : memref<40x125xi32, #tpu.memory_space<vmem>> -> memref<1x125xi32, #tpu.memory_space<vmem>>
    %dma_wait3A_68 = tpu.memref_squeeze %dma_wait3A_67 : memref<1x125xi32, #tpu.memory_space<vmem>> -> memref<125xi32, #tpu.memory_space<vmem>>
    %dma_wait3A_69 = arith.constant 0 : i32
    %dma_wait3A_70 = arith.constant 0 : i32
    %dma_wait3A_71 = tpu.memref_slice %arg13[%dma_wait3A_69, %dma_wait3A_70] : memref<10240x128xf32, #tpu.memory_space<vmem_shared>> -> memref<10240x128xf32, #tpu.memory_space<vmem_shared>>
    tpu.wait_indirect_dma semaphore(%arg17 : memref<!tpu.dma_semaphore, #tpu.memory_space<semaphore_mem>>) src(%arg12 : memref<125x128xf32, #tpu.memory_space<vmem>>) dst(%dma_wait3A_71 : memref<10240x128xf32, #tpu.memory_space<vmem_shared>>)
    %run_scoped3A_72 = arith.constant 0 : i32
    "tpu.region"() ({
      %run_scoped3A_427 = tpu.sem_alloc : memref<!tpu.dma_semaphore, #tpu.memory_space<semaphore_mem>>
      %dma_start3A_428 = arith.constant 40 : i32
      %dma_start3A_429 = arith.constant 0 : i32
      %dma_start3A_430 = tpu.memref_slice %arg5[%run_scoped3A_72, %arg0, %arg1, %dma_start3A_428, %dma_start3A_429] : memref<3x2x16x80x125xi32, #tpu.memory_space<hbm>> -> memref<1x1x1x40x125xi32, #tpu.memory_space<hbm>>
      %dma_start3A_431 = tpu.memref_squeeze %dma_start3A_430 : memref<1x1x1x40x125xi32, #tpu.memory_space<hbm>> -> memref<40x125xi32, #tpu.memory_space<hbm>>
      %dma_start3A_432 = arith.constant 40 : i32
      %dma_start3A_433 = arith.constant 0 : i32
      %dma_start3A_434 = tpu.memref_slice %arg5[%run_scoped3A_72, %arg0, %arg1, %dma_start3A_432, %dma_start3A_433] : memref<3x2x16x80x125xi32, #tpu.memory_space<hbm>> -> memref<1x1x1x40x125xi32, #tpu.memory_space<hbm>>
      %dma_start3A_435 = tpu.memref_squeeze %dma_start3A_434 : memref<1x1x1x40x125xi32, #tpu.memory_space<hbm>> -> memref<40x125xi32, #tpu.memory_space<hbm>>
      tpu.enqueue_dma source(%dma_start3A_435 : memref<40x125xi32, #tpu.memory_space<hbm>>) target(%arg9 : memref<40x125xi32, #tpu.memory_space<vmem>>) target_semaphore(%run_scoped3A_427 : memref<!tpu.dma_semaphore, #tpu.memory_space<semaphore_mem>>)
      %dma_wait3A_436 = arith.constant 40 : i32
      %dma_wait3A_437 = arith.constant 0 : i32
      %dma_wait3A_438 = tpu.memref_slice %arg5[%run_scoped3A_72, %arg0, %arg1, %dma_wait3A_436, %dma_wait3A_437] : memref<3x2x16x80x125xi32, #tpu.memory_space<hbm>> -> memref<1x1x1x40x125xi32, #tpu.memory_space<hbm>>
      %dma_wait3A_439 = tpu.memref_squeeze %dma_wait3A_438 : memref<1x1x1x40x125xi32, #tpu.memory_space<hbm>> -> memref<40x125xi32, #tpu.memory_space<hbm>>
      %dma_wait3A_440 = arith.constant 40 : i32
      %dma_wait3A_441 = arith.constant 0 : i32
      %dma_wait3A_442 = tpu.memref_slice %arg5[%run_scoped3A_72, %arg0, %arg1, %dma_wait3A_440, %dma_wait3A_441] : memref<3x2x16x80x125xi32, #tpu.memory_space<hbm>> -> memref<1x1x1x40x125xi32, #tpu.memory_space<hbm>>
      %dma_wait3A_443 = tpu.memref_squeeze %dma_wait3A_442 : memref<1x1x1x40x125xi32, #tpu.memory_space<hbm>> -> memref<40x125xi32, #tpu.memory_space<hbm>>
      tpu.wait_dma2 semaphore(%run_scoped3A_427 : memref<!tpu.dma_semaphore, #tpu.memory_space<semaphore_mem>>) src(%dma_wait3A_443 : memref<40x125xi32, #tpu.memory_space<hbm>>) dst(%arg9 : memref<40x125xi32, #tpu.memory_space<vmem>>)
      tpu.yield
    }) : () -> ()
    %run_scoped3A_73 = arith.constant 0 : i32
    "tpu.region"() ({
      %run_scoped3A_427 = tpu.sem_alloc : memref<!tpu.dma_semaphore, #tpu.memory_space<semaphore_mem>>
      %dma_start3A_428 = arith.constant 40 : i32
      %dma_start3A_429 = arith.constant 0 : i32
      %dma_start3A_430 = tpu.memref_slice %arg6[%run_scoped3A_73, %arg0, %arg1, %dma_start3A_428, %dma_start3A_429] : memref<3x2x16x80x125xi32, #tpu.memory_space<hbm>> -> memref<1x1x1x40x125xi32, #tpu.memory_space<hbm>>
      %dma_start3A_431 = tpu.memref_squeeze %dma_start3A_430 : memref<1x1x1x40x125xi32, #tpu.memory_space<hbm>> -> memref<40x125xi32, #tpu.memory_space<hbm>>
      %dma_start3A_432 = arith.constant 40 : i32
      %dma_start3A_433 = arith.constant 0 : i32
      %dma_start3A_434 = tpu.memref_slice %arg6[%run_scoped3A_73, %arg0, %arg1, %dma_start3A_432, %dma_start3A_433] : memref<3x2x16x80x125xi32, #tpu.memory_space<hbm>> -> memref<1x1x1x40x125xi32, #tpu.memory_space<hbm>>
      %dma_start3A_435 = tpu.memref_squeeze %dma_start3A_434 : memref<1x1x1x40x125xi32, #tpu.memory_space<hbm>> -> memref<40x125xi32, #tpu.memory_space<hbm>>
      tpu.enqueue_dma source(%dma_start3A_435 : memref<40x125xi32, #tpu.memory_space<hbm>>) target(%arg10 : memref<40x125xi32, #tpu.memory_space<vmem>>) target_semaphore(%run_scoped3A_427 : memref<!tpu.dma_semaphore, #tpu.memory_space<semaphore_mem>>)
      %dma_wait3A_436 = arith.constant 40 : i32
      %dma_wait3A_437 = arith.constant 0 : i32
      %dma_wait3A_438 = tpu.memref_slice %arg6[%run_scoped3A_73, %arg0, %arg1, %dma_wait3A_436, %dma_wait3A_437] : memref<3x2x16x80x125xi32, #tpu.memory_space<hbm>> -> memref<1x1x1x40x125xi32, #tpu.memory_space<hbm>>
      %dma_wait3A_439 = tpu.memref_squeeze %dma_wait3A_438 : memref<1x1x1x40x125xi32, #tpu.memory_space<hbm>> -> memref<40x125xi32, #tpu.memory_space<hbm>>
      %dma_wait3A_440 = arith.constant 40 : i32
      %dma_wait3A_441 = arith.constant 0 : i32
      %dma_wait3A_442 = tpu.memref_slice %arg6[%run_scoped3A_73, %arg0, %arg1, %dma_wait3A_440, %dma_wait3A_441] : memref<3x2x16x80x125xi32, #tpu.memory_space<hbm>> -> memref<1x1x1x40x125xi32, #tpu.memory_space<hbm>>
      %dma_wait3A_443 = tpu.memref_squeeze %dma_wait3A_442 : memref<1x1x1x40x125xi32, #tpu.memory_space<hbm>> -> memref<40x125xi32, #tpu.memory_space<hbm>>
      tpu.wait_dma2 semaphore(%run_scoped3A_427 : memref<!tpu.dma_semaphore, #tpu.memory_space<semaphore_mem>>) src(%dma_wait3A_443 : memref<40x125xi32, #tpu.memory_space<hbm>>) dst(%arg10 : memref<40x125xi32, #tpu.memory_space<vmem>>)
      tpu.yield
    }) : () -> ()
    %dma_start3A_74 = arith.constant 0 : i32
    %dma_start3A_75 = arith.constant 0 : i32
    %dma_start3A_76 = tpu.memref_slice %arg9[%dma_start3A_74, %dma_start3A_75] : memref<40x125xi32, #tpu.memory_space<vmem>> -> memref<1x125xi32, #tpu.memory_space<vmem>>
    %dma_start3A_77 = tpu.memref_squeeze %dma_start3A_76 : memref<1x125xi32, #tpu.memory_space<vmem>> -> memref<125xi32, #tpu.memory_space<vmem>>
    %dma_start3A_78 = arith.constant 0 : i32
    %dma_start3A_79 = arith.constant 0 : i32
    %dma_start3A_80 = tpu.memref_slice %arg2[%dma_start3A_78, %dma_start3A_79] : memref<10240x128xf32, #tpu.memory_space<hbm>> -> memref<10240x128xf32, #tpu.memory_space<hbm>>
    tpu.enqueue_indirect_dma source(%dma_start3A_80 : memref<10240x128xf32, #tpu.memory_space<hbm>>) target(%arg11 : memref<125x128xf32, #tpu.memory_space<vmem>>) offsets(%dma_start3A_77 : memref<125xi32, #tpu.memory_space<vmem>>) semaphore(%arg14 : memref<!tpu.dma_semaphore, #tpu.memory_space<semaphore_mem>>)
    %dma_wait3A_81 = arith.constant 0 : i32
    %dma_wait3A_82 = arith.constant 0 : i32
    %dma_wait3A_83 = tpu.memref_slice %arg9[%dma_wait3A_81, %dma_wait3A_82] : memref<40x125xi32, #tpu.memory_space<vmem>> -> memref<1x125xi32, #tpu.memory_space<vmem>>
    %dma_wait3A_84 = tpu.memref_squeeze %dma_wait3A_83 : memref<1x125xi32, #tpu.memory_space<vmem>> -> memref<125xi32, #tpu.memory_space<vmem>>
    %dma_wait3A_85 = arith.constant 0 : i32
    %dma_wait3A_86 = arith.constant 0 : i32
    %dma_wait3A_87 = tpu.memref_slice %arg2[%dma_wait3A_85, %dma_wait3A_86] : memref<10240x128xf32, #tpu.memory_space<hbm>> -> memref<10240x128xf32, #tpu.memory_space<hbm>>
    tpu.wait_indirect_dma semaphore(%arg14 : memref<!tpu.dma_semaphore, #tpu.memory_space<semaphore_mem>>) src(%dma_wait3A_87 : memref<10240x128xf32, #tpu.memory_space<hbm>>) dst(%arg11 : memref<125x128xf32, #tpu.memory_space<vmem>>)
    %dma_start3A_88 = arith.constant 0 : i32
    %dma_start3A_89 = arith.constant 0 : i32
    %dma_start3A_90 = tpu.memref_slice %arg10[%dma_start3A_88, %dma_start3A_89] : memref<40x125xi32, #tpu.memory_space<vmem>> -> memref<1x125xi32, #tpu.memory_space<vmem>>
    %dma_start3A_91 = tpu.memref_squeeze %dma_start3A_90 : memref<1x125xi32, #tpu.memory_space<vmem>> -> memref<125xi32, #tpu.memory_space<vmem>>
    %dma_start3A_92 = arith.constant 0 : i32
    %dma_start3A_93 = arith.constant 0 : i32
    %dma_start3A_94 = tpu.memref_slice %arg13[%dma_start3A_92, %dma_start3A_93] : memref<10240x128xf32, #tpu.memory_space<vmem_shared>> -> memref<10240x128xf32, #tpu.memory_space<vmem_shared>>
    tpu.enqueue_indirect_dma source(%arg11 : memref<125x128xf32, #tpu.memory_space<vmem>>) target(%dma_start3A_94 : memref<10240x128xf32, #tpu.memory_space<vmem_shared>>) offsets(%dma_start3A_91 : memref<125xi32, #tpu.memory_space<vmem>>) semaphore(%arg16 : memref<!tpu.dma_semaphore, #tpu.memory_space<semaphore_mem>>) {add = true}
    %dma_start3A_95 = arith.constant 1 : i32
    %dma_start3A_96 = arith.constant 0 : i32
    %dma_start3A_97 = tpu.memref_slice %arg9[%dma_start3A_95, %dma_start3A_96] : memref<40x125xi32, #tpu.memory_space<vmem>> -> memref<1x125xi32, #tpu.memory_space<vmem>>
    %dma_start3A_98 = tpu.memref_squeeze %dma_start3A_97 : memref<1x125xi32, #tpu.memory_space<vmem>> -> memref<125xi32, #tpu.memory_space<vmem>>
    %dma_start3A_99 = arith.constant 0 : i32
    %dma_start3A_100 = arith.constant 0 : i32
    %dma_start3A_101 = tpu.memref_slice %arg2[%dma_start3A_99, %dma_start3A_100] : memref<10240x128xf32, #tpu.memory_space<hbm>> -> memref<10240x128xf32, #tpu.memory_space<hbm>>
    tpu.enqueue_indirect_dma source(%dma_start3A_101 : memref<10240x128xf32, #tpu.memory_space<hbm>>) target(%arg12 : memref<125x128xf32, #tpu.memory_space<vmem>>) offsets(%dma_start3A_98 : memref<125xi32, #tpu.memory_space<vmem>>) semaphore(%arg15 : memref<!tpu.dma_semaphore, #tpu.memory_space<semaphore_mem>>)
    %scan3A_102 = arith.constant 0 : i32
    %scan3A_103 = arith.constant 0 : i32
    %scan3A_104 = arith.constant 19 : i32
    %scan3A_105 = arith.addi %scan3A_103, %scan3A_104 : i32
    %scan3A_106 = arith.constant 1 : i32
    scf.for %scan3A_427 = %scan3A_103 to %scan3A_105 step %scan3A_106  : i32 {
      %mul3A_428 = arith.constant 2 : i32
      %mul3A_429 = arith.muli %mul3A_428, %scan3A_427 : i32
      %add3A_430 = arith.constant 1 : i32
      %add3A_431 = arith.addi %mul3A_429, %add3A_430 : i32
      %dma_wait3A_432 = arith.constant 0 : i32
      %dma_wait3A_433 = arith.constant 0 : i32
      %dma_wait3A_434 = tpu.memref_slice %arg9[%dma_wait3A_432, %dma_wait3A_433] : memref<40x125xi32, #tpu.memory_space<vmem>> -> memref<1x125xi32, #tpu.memory_space<vmem>>
      %dma_wait3A_435 = tpu.memref_squeeze %dma_wait3A_434 : memref<1x125xi32, #tpu.memory_space<vmem>> -> memref<125xi32, #tpu.memory_space<vmem>>
      %dma_wait3A_436 = arith.constant 0 : i32
      %dma_wait3A_437 = arith.constant 0 : i32
      %dma_wait3A_438 = tpu.memref_slice %arg2[%dma_wait3A_436, %dma_wait3A_437] : memref<10240x128xf32, #tpu.memory_space<hbm>> -> memref<10240x128xf32, #tpu.memory_space<hbm>>
      tpu.wait_indirect_dma semaphore(%arg15 : memref<!tpu.dma_semaphore, #tpu.memory_space<semaphore_mem>>) src(%dma_wait3A_438 : memref<10240x128xf32, #tpu.memory_space<hbm>>) dst(%arg12 : memref<125x128xf32, #tpu.memory_space<vmem>>)
      %dma_start3A_439 = arith.constant 0 : i32
      %dma_start3A_440 = tpu.memref_slice %arg10[%add3A_431, %dma_start3A_439] : memref<40x125xi32, #tpu.memory_space<vmem>> -> memref<1x125xi32, #tpu.memory_space<vmem>>
      %dma_start3A_441 = tpu.memref_squeeze %dma_start3A_440 : memref<1x125xi32, #tpu.memory_space<vmem>> -> memref<125xi32, #tpu.memory_space<vmem>>
      %dma_start3A_442 = arith.constant 0 : i32
      %dma_start3A_443 = arith.constant 0 : i32
      %dma_start3A_444 = tpu.memref_slice %arg13[%dma_start3A_442, %dma_start3A_443] : memref<10240x128xf32, #tpu.memory_space<vmem_shared>> -> memref<10240x128xf32, #tpu.memory_space<vmem_shared>>
      tpu.enqueue_indirect_dma source(%arg12 : memref<125x128xf32, #tpu.memory_space<vmem>>) target(%dma_start3A_444 : memref<10240x128xf32, #tpu.memory_space<vmem_shared>>) offsets(%dma_start3A_441 : memref<125xi32, #tpu.memory_space<vmem>>) semaphore(%arg17 : memref<!tpu.dma_semaphore, #tpu.memory_space<semaphore_mem>>) {add = true}
      %dma_wait3A_445 = arith.constant 0 : i32
      %dma_wait3A_446 = arith.constant 0 : i32
      %dma_wait3A_447 = tpu.memref_slice %arg10[%dma_wait3A_445, %dma_wait3A_446] : memref<40x125xi32, #tpu.memory_space<vmem>> -> memref<1x125xi32, #tpu.memory_space<vmem>>
      %dma_wait3A_448 = tpu.memref_squeeze %dma_wait3A_447 : memref<1x125xi32, #tpu.memory_space<vmem>> -> memref<125xi32, #tpu.memory_space<vmem>>
      %dma_wait3A_449 = arith.constant 0 : i32
      %dma_wait3A_450 = arith.constant 0 : i32
      %dma_wait3A_451 = tpu.memref_slice %arg13[%dma_wait3A_449, %dma_wait3A_450] : memref<10240x128xf32, #tpu.memory_space<vmem_shared>> -> memref<10240x128xf32, #tpu.memory_space<vmem_shared>>
      tpu.wait_indirect_dma semaphore(%arg16 : memref<!tpu.dma_semaphore, #tpu.memory_space<semaphore_mem>>) src(%arg11 : memref<125x128xf32, #tpu.memory_space<vmem>>) dst(%dma_wait3A_451 : memref<10240x128xf32, #tpu.memory_space<vmem_shared>>)
      %add3A_452 = arith.constant 1 : i32
      %add3A_453 = arith.addi %add3A_431, %add3A_452 : i32
      %dma_start3A_454 = arith.constant 0 : i32
      %dma_start3A_455 = tpu.memref_slice %arg9[%add3A_453, %dma_start3A_454] : memref<40x125xi32, #tpu.memory_space<vmem>> -> memref<1x125xi32, #tpu.memory_space<vmem>>
      %dma_start3A_456 = tpu.memref_squeeze %dma_start3A_455 : memref<1x125xi32, #tpu.memory_space<vmem>> -> memref<125xi32, #tpu.memory_space<vmem>>
      %dma_start3A_457 = arith.constant 0 : i32
      %dma_start3A_458 = arith.constant 0 : i32
      %dma_start3A_459 = tpu.memref_slice %arg2[%dma_start3A_457, %dma_start3A_458] : memref<10240x128xf32, #tpu.memory_space<hbm>> -> memref<10240x128xf32, #tpu.memory_space<hbm>>
      tpu.enqueue_indirect_dma source(%dma_start3A_459 : memref<10240x128xf32, #tpu.memory_space<hbm>>) target(%arg11 : memref<125x128xf32, #tpu.memory_space<vmem>>) offsets(%dma_start3A_456 : memref<125xi32, #tpu.memory_space<vmem>>) semaphore(%arg14 : memref<!tpu.dma_semaphore, #tpu.memory_space<semaphore_mem>>)
      %mul3A_460 = arith.constant 2 : i32
      %mul3A_461 = arith.muli %mul3A_460, %scan3A_427 : i32
      %add3A_462 = arith.constant 2 : i32
      %add3A_463 = arith.addi %mul3A_461, %add3A_462 : i32
      %dma_wait3A_464 = arith.constant 0 : i32
      %dma_wait3A_465 = arith.constant 0 : i32
      %dma_wait3A_466 = tpu.memref_slice %arg9[%dma_wait3A_464, %dma_wait3A_465] : memref<40x125xi32, #tpu.memory_space<vmem>> -> memref<1x125xi32, #tpu.memory_space<vmem>>
      %dma_wait3A_467 = tpu.memref_squeeze %dma_wait3A_466 : memref<1x125xi32, #tpu.memory_space<vmem>> -> memref<125xi32, #tpu.memory_space<vmem>>
      %dma_wait3A_468 = arith.constant 0 : i32
      %dma_wait3A_469 = arith.constant 0 : i32
      %dma_wait3A_470 = tpu.memref_slice %arg2[%dma_wait3A_468, %dma_wait3A_469] : memref<10240x128xf32, #tpu.memory_space<hbm>> -> memref<10240x128xf32, #tpu.memory_space<hbm>>
      tpu.wait_indirect_dma semaphore(%arg14 : memref<!tpu.dma_semaphore, #tpu.memory_space<semaphore_mem>>) src(%dma_wait3A_470 : memref<10240x128xf32, #tpu.memory_space<hbm>>) dst(%arg11 : memref<125x128xf32, #tpu.memory_space<vmem>>)
      %dma_start3A_471 = arith.constant 0 : i32
      %dma_start3A_472 = tpu.memref_slice %arg10[%add3A_463, %dma_start3A_471] : memref<40x125xi32, #tpu.memory_space<vmem>> -> memref<1x125xi32, #tpu.memory_space<vmem>>
      %dma_start3A_473 = tpu.memref_squeeze %dma_start3A_472 : memref<1x125xi32, #tpu.memory_space<vmem>> -> memref<125xi32, #tpu.memory_space<vmem>>
      %dma_start3A_474 = arith.constant 0 : i32
      %dma_start3A_475 = arith.constant 0 : i32
      %dma_start3A_476 = tpu.memref_slice %arg13[%dma_start3A_474, %dma_start3A_475] : memref<10240x128xf32, #tpu.memory_space<vmem_shared>> -> memref<10240x128xf32, #tpu.memory_space<vmem_shared>>
      tpu.enqueue_indirect_dma source(%arg11 : memref<125x128xf32, #tpu.memory_space<vmem>>) target(%dma_start3A_476 : memref<10240x128xf32, #tpu.memory_space<vmem_shared>>) offsets(%dma_start3A_473 : memref<125xi32, #tpu.memory_space<vmem>>) semaphore(%arg16 : memref<!tpu.dma_semaphore, #tpu.memory_space<semaphore_mem>>) {add = true}
      %dma_wait3A_477 = arith.constant 0 : i32
      %dma_wait3A_478 = arith.constant 0 : i32
      %dma_wait3A_479 = tpu.memref_slice %arg10[%dma_wait3A_477, %dma_wait3A_478] : memref<40x125xi32, #tpu.memory_space<vmem>> -> memref<1x125xi32, #tpu.memory_space<vmem>>
      %dma_wait3A_480 = tpu.memref_squeeze %dma_wait3A_479 : memref<1x125xi32, #tpu.memory_space<vmem>> -> memref<125xi32, #tpu.memory_space<vmem>>
      %dma_wait3A_481 = arith.constant 0 : i32
      %dma_wait3A_482 = arith.constant 0 : i32
      %dma_wait3A_483 = tpu.memref_slice %arg13[%dma_wait3A_481, %dma_wait3A_482] : memref<10240x128xf32, #tpu.memory_space<vmem_shared>> -> memref<10240x128xf32, #tpu.memory_space<vmem_shared>>
      tpu.wait_indirect_dma semaphore(%arg17 : memref<!tpu.dma_semaphore, #tpu.memory_space<semaphore_mem>>) src(%arg12 : memref<125x128xf32, #tpu.memory_space<vmem>>) dst(%dma_wait3A_483 : memref<10240x128xf32, #tpu.memory_space<vmem_shared>>)
      %add3A_484 = arith.constant 1 : i32
      %add3A_485 = arith.addi %add3A_463, %add3A_484 : i32
      %dma_start3A_486 = arith.constant 0 : i32
      %dma_start3A_487 = tpu.memref_slice %arg9[%add3A_485, %dma_start3A_486] : memref<40x125xi32, #tpu.memory_space<vmem>> -> memref<1x125xi32, #tpu.memory_space<vmem>>
      %dma_start3A_488 = tpu.memref_squeeze %dma_start3A_487 : memref<1x125xi32, #tpu.memory_space<vmem>> -> memref<125xi32, #tpu.memory_space<vmem>>
      %dma_start3A_489 = arith.constant 0 : i32
      %dma_start3A_490 = arith.constant 0 : i32
      %dma_start3A_491 = tpu.memref_slice %arg2[%dma_start3A_489, %dma_start3A_490] : memref<10240x128xf32, #tpu.memory_space<hbm>> -> memref<10240x128xf32, #tpu.memory_space<hbm>>
      tpu.enqueue_indirect_dma source(%dma_start3A_491 : memref<10240x128xf32, #tpu.memory_space<hbm>>) target(%arg12 : memref<125x128xf32, #tpu.memory_space<vmem>>) offsets(%dma_start3A_488 : memref<125xi32, #tpu.memory_space<vmem>>) semaphore(%arg15 : memref<!tpu.dma_semaphore, #tpu.memory_space<semaphore_mem>>)
    }
    %scan3A_107 = arith.constant 19 : i32
    %dma_wait3A_108 = arith.constant 0 : i32
    %dma_wait3A_109 = arith.constant 0 : i32
    %dma_wait3A_110 = tpu.memref_slice %arg9[%dma_wait3A_108, %dma_wait3A_109] : memref<40x125xi32, #tpu.memory_space<vmem>> -> memref<1x125xi32, #tpu.memory_space<vmem>>
    %dma_wait3A_111 = tpu.memref_squeeze %dma_wait3A_110 : memref<1x125xi32, #tpu.memory_space<vmem>> -> memref<125xi32, #tpu.memory_space<vmem>>
    %dma_wait3A_112 = arith.constant 0 : i32
    %dma_wait3A_113 = arith.constant 0 : i32
    %dma_wait3A_114 = tpu.memref_slice %arg2[%dma_wait3A_112, %dma_wait3A_113] : memref<10240x128xf32, #tpu.memory_space<hbm>> -> memref<10240x128xf32, #tpu.memory_space<hbm>>
    tpu.wait_indirect_dma semaphore(%arg15 : memref<!tpu.dma_semaphore, #tpu.memory_space<semaphore_mem>>) src(%dma_wait3A_114 : memref<10240x128xf32, #tpu.memory_space<hbm>>) dst(%arg12 : memref<125x128xf32, #tpu.memory_space<vmem>>)
    %dma_start3A_115 = arith.constant 39 : i32
    %dma_start3A_116 = arith.constant 0 : i32
    %dma_start3A_117 = tpu.memref_slice %arg10[%dma_start3A_115, %dma_start3A_116] : memref<40x125xi32, #tpu.memory_space<vmem>> -> memref<1x125xi32, #tpu.memory_space<vmem>>
    %dma_start3A_118 = tpu.memref_squeeze %dma_start3A_117 : memref<1x125xi32, #tpu.memory_space<vmem>> -> memref<125xi32, #tpu.memory_space<vmem>>
    %dma_start3A_119 = arith.constant 0 : i32
    %dma_start3A_120 = arith.constant 0 : i32
    %dma_start3A_121 = tpu.memref_slice %arg13[%dma_start3A_119, %dma_start3A_120] : memref<10240x128xf32, #tpu.memory_space<vmem_shared>> -> memref<10240x128xf32, #tpu.memory_space<vmem_shared>>
    tpu.enqueue_indirect_dma source(%arg12 : memref<125x128xf32, #tpu.memory_space<vmem>>) target(%dma_start3A_121 : memref<10240x128xf32, #tpu.memory_space<vmem_shared>>) offsets(%dma_start3A_118 : memref<125xi32, #tpu.memory_space<vmem>>) semaphore(%arg17 : memref<!tpu.dma_semaphore, #tpu.memory_space<semaphore_mem>>) {add = true}
    %dma_wait3A_122 = arith.constant 0 : i32
    %dma_wait3A_123 = arith.constant 0 : i32
    %dma_wait3A_124 = tpu.memref_slice %arg10[%dma_wait3A_122, %dma_wait3A_123] : memref<40x125xi32, #tpu.memory_space<vmem>> -> memref<1x125xi32, #tpu.memory_space<vmem>>
    %dma_wait3A_125 = tpu.memref_squeeze %dma_wait3A_124 : memref<1x125xi32, #tpu.memory_space<vmem>> -> memref<125xi32, #tpu.memory_space<vmem>>
    %dma_wait3A_126 = arith.constant 0 : i32
    %dma_wait3A_127 = arith.constant 0 : i32
    %dma_wait3A_128 = tpu.memref_slice %arg13[%dma_wait3A_126, %dma_wait3A_127] : memref<10240x128xf32, #tpu.memory_space<vmem_shared>> -> memref<10240x128xf32, #tpu.memory_space<vmem_shared>>
    tpu.wait_indirect_dma semaphore(%arg16 : memref<!tpu.dma_semaphore, #tpu.memory_space<semaphore_mem>>) src(%arg11 : memref<125x128xf32, #tpu.memory_space<vmem>>) dst(%dma_wait3A_128 : memref<10240x128xf32, #tpu.memory_space<vmem_shared>>)
    %dma_wait3A_129 = arith.constant 0 : i32
    %dma_wait3A_130 = arith.constant 0 : i32
    %dma_wait3A_131 = tpu.memref_slice %arg10[%dma_wait3A_129, %dma_wait3A_130] : memref<40x125xi32, #tpu.memory_space<vmem>> -> memref<1x125xi32, #tpu.memory_space<vmem>>
    %dma_wait3A_132 = tpu.memref_squeeze %dma_wait3A_131 : memref<1x125xi32, #tpu.memory_space<vmem>> -> memref<125xi32, #tpu.memory_space<vmem>>
    %dma_wait3A_133 = arith.constant 0 : i32
    %dma_wait3A_134 = arith.constant 0 : i32
    %dma_wait3A_135 = tpu.memref_slice %arg13[%dma_wait3A_133, %dma_wait3A_134] : memref<10240x128xf32, #tpu.memory_space<vmem_shared>> -> memref<10240x128xf32, #tpu.memory_space<vmem_shared>>
    tpu.wait_indirect_dma semaphore(%arg17 : memref<!tpu.dma_semaphore, #tpu.memory_space<semaphore_mem>>) src(%arg12 : memref<125x128xf32, #tpu.memory_space<vmem>>) dst(%dma_wait3A_135 : memref<10240x128xf32, #tpu.memory_space<vmem_shared>>)
    %barrier3A_136 = arith.constant 0 : index
    tpu.barrier barrier_id(%barrier3A_136)
    %run_scoped3A_137 = arith.constant 0 : i32
    "tpu.region"() ({
      %run_scoped3A_427 = tpu.sem_alloc : memref<!tpu.dma_semaphore, #tpu.memory_space<semaphore_mem>>
      %dma_start3A_428 = arith.constant 0 : i32
      %dma_start3A_429 = tpu.memref_slice %arg8[%arg0, %run_scoped3A_137, %mul3A_0, %dma_start3A_428] : memref<2x3x10240x128xf32, #tpu.memory_space<hbm>> -> memref<1x1x640x128xf32, #tpu.memory_space<hbm>>
      %dma_start3A_430 = tpu.memref_squeeze %dma_start3A_429 : memref<1x1x640x128xf32, #tpu.memory_space<hbm>> -> memref<640x128xf32, #tpu.memory_space<hbm>>
      %dma_start3A_431 = arith.constant 0 : i32
      %dma_start3A_432 = tpu.memref_slice %arg13[%mul3A_0, %dma_start3A_431] : memref<10240x128xf32, #tpu.memory_space<vmem_shared>> -> memref<640x128xf32, #tpu.memory_space<vmem_shared>>
      tpu.enqueue_dma source(%dma_start3A_432 : memref<640x128xf32, #tpu.memory_space<vmem_shared>>) target(%dma_start3A_430 : memref<640x128xf32, #tpu.memory_space<hbm>>) target_semaphore(%run_scoped3A_427 : memref<!tpu.dma_semaphore, #tpu.memory_space<semaphore_mem>>)
      %dma_wait3A_433 = arith.constant 0 : i32
      %dma_wait3A_434 = tpu.memref_slice %arg8[%arg0, %run_scoped3A_137, %mul3A_0, %dma_wait3A_433] : memref<2x3x10240x128xf32, #tpu.memory_space<hbm>> -> memref<1x1x640x128xf32, #tpu.memory_space<hbm>>
      %dma_wait3A_435 = tpu.memref_squeeze %dma_wait3A_434 : memref<1x1x640x128xf32, #tpu.memory_space<hbm>> -> memref<640x128xf32, #tpu.memory_space<hbm>>
      %dma_wait3A_436 = arith.constant 0 : i32
      %dma_wait3A_437 = tpu.memref_slice %arg13[%mul3A_0, %dma_wait3A_436] : memref<10240x128xf32, #tpu.memory_space<vmem_shared>> -> memref<640x128xf32, #tpu.memory_space<vmem_shared>>
      tpu.wait_dma2 semaphore(%run_scoped3A_427 : memref<!tpu.dma_semaphore, #tpu.memory_space<semaphore_mem>>) src(%dma_wait3A_437 : memref<640x128xf32, #tpu.memory_space<vmem_shared>>) dst(%dma_wait3A_435 : memref<640x128xf32, #tpu.memory_space<hbm>>)
      tpu.yield
    }) : () -> ()
    %barrier3A_138 = arith.constant 0 : index
    tpu.barrier barrier_id(%barrier3A_138)
    "tpu.region"() ({
      %run_scoped3A_427 = tpu.sem_alloc : memref<!tpu.dma_semaphore, #tpu.memory_space<semaphore_mem>>
      tpu.enqueue_dma source(%arg7 : memref<125x128xf32, #tpu.memory_space<hbm>>) target(%arg11 : memref<125x128xf32, #tpu.memory_space<vmem>>) target_semaphore(%run_scoped3A_427 : memref<!tpu.dma_semaphore, #tpu.memory_space<semaphore_mem>>)
      tpu.wait_dma2 semaphore(%run_scoped3A_427 : memref<!tpu.dma_semaphore, #tpu.memory_space<semaphore_mem>>) src(%arg7 : memref<125x128xf32, #tpu.memory_space<hbm>>) dst(%arg11 : memref<125x128xf32, #tpu.memory_space<vmem>>)
      tpu.yield
    }) : () -> ()
    %add3A_139 = arith.constant 0 : i32
    %add3A_140 = arith.addi %mul3A_0, %add3A_139 : i32
    "tpu.region"() ({
      %run_scoped3A_427 = tpu.sem_alloc : memref<!tpu.dma_semaphore, #tpu.memory_space<semaphore_mem>>
      %dma_start3A_428 = arith.constant 0 : i32
      %dma_start3A_429 = tpu.memref_slice %arg13[%add3A_140, %dma_start3A_428] : memref<10240x128xf32, #tpu.memory_space<vmem_shared>> -> memref<125x128xf32, #tpu.memory_space<vmem_shared>>
      %dma_start3A_430 = arith.constant 0 : i32
      %dma_start3A_431 = tpu.memref_slice %arg13[%add3A_140, %dma_start3A_430] : memref<10240x128xf32, #tpu.memory_space<vmem_shared>> -> memref<125x128xf32, #tpu.memory_space<vmem_shared>>
      tpu.enqueue_dma source(%arg11 : memref<125x128xf32, #tpu.memory_space<vmem>>) target(%dma_start3A_431 : memref<125x128xf32, #tpu.memory_space<vmem_shared>>) target_semaphore(%run_scoped3A_427 : memref<!tpu.dma_semaphore, #tpu.memory_space<semaphore_mem>>)
      %dma_wait3A_432 = arith.constant 0 : i32
      %dma_wait3A_433 = tpu.memref_slice %arg13[%add3A_140, %dma_wait3A_432] : memref<10240x128xf32, #tpu.memory_space<vmem_shared>> -> memref<125x128xf32, #tpu.memory_space<vmem_shared>>
      %dma_wait3A_434 = arith.constant 0 : i32
      %dma_wait3A_435 = tpu.memref_slice %arg13[%add3A_140, %dma_wait3A_434] : memref<10240x128xf32, #tpu.memory_space<vmem_shared>> -> memref<125x128xf32, #tpu.memory_space<vmem_shared>>
      tpu.wait_dma2 semaphore(%run_scoped3A_427 : memref<!tpu.dma_semaphore, #tpu.memory_space<semaphore_mem>>) src(%arg11 : memref<125x128xf32, #tpu.memory_space<vmem>>) dst(%dma_wait3A_435 : memref<125x128xf32, #tpu.memory_space<vmem_shared>>)
      tpu.yield
    }) : () -> ()
    %add3A_141 = arith.constant 125 : i32
    %add3A_142 = arith.addi %mul3A_0, %add3A_141 : i32
    "tpu.region"() ({
      %run_scoped3A_427 = tpu.sem_alloc : memref<!tpu.dma_semaphore, #tpu.memory_space<semaphore_mem>>
      %dma_start3A_428 = arith.constant 0 : i32
      %dma_start3A_429 = tpu.memref_slice %arg13[%add3A_142, %dma_start3A_428] : memref<10240x128xf32, #tpu.memory_space<vmem_shared>> -> memref<125x128xf32, #tpu.memory_space<vmem_shared>>
      %dma_start3A_430 = arith.constant 0 : i32
      %dma_start3A_431 = tpu.memref_slice %arg13[%add3A_142, %dma_start3A_430] : memref<10240x128xf32, #tpu.memory_space<vmem_shared>> -> memref<125x128xf32, #tpu.memory_space<vmem_shared>>
      tpu.enqueue_dma source(%arg11 : memref<125x128xf32, #tpu.memory_space<vmem>>) target(%dma_start3A_431 : memref<125x128xf32, #tpu.memory_space<vmem_shared>>) target_semaphore(%run_scoped3A_427 : memref<!tpu.dma_semaphore, #tpu.memory_space<semaphore_mem>>)
      %dma_wait3A_432 = arith.constant 0 : i32
      %dma_wait3A_433 = tpu.memref_slice %arg13[%add3A_142, %dma_wait3A_432] : memref<10240x128xf32, #tpu.memory_space<vmem_shared>> -> memref<125x128xf32, #tpu.memory_space<vmem_shared>>
      %dma_wait3A_434 = arith.constant 0 : i32
      %dma_wait3A_435 = tpu.memref_slice %arg13[%add3A_142, %dma_wait3A_434] : memref<10240x128xf32, #tpu.memory_space<vmem_shared>> -> memref<125x128xf32, #tpu.memory_space<vmem_shared>>
      tpu.wait_dma2 semaphore(%run_scoped3A_427 : memref<!tpu.dma_semaphore, #tpu.memory_space<semaphore_mem>>) src(%arg11 : memref<125x128xf32, #tpu.memory_space<vmem>>) dst(%dma_wait3A_435 : memref<125x128xf32, #tpu.memory_space<vmem_shared>>)
      tpu.yield
    }) : () -> ()
    %add3A_143 = arith.constant 250 : i32
    %add3A_144 = arith.addi %mul3A_0, %add3A_143 : i32
    "tpu.region"() ({
      %run_scoped3A_427 = tpu.sem_alloc : memref<!tpu.dma_semaphore, #tpu.memory_space<semaphore_mem>>
      %dma_start3A_428 = arith.constant 0 : i32
      %dma_start3A_429 = tpu.memref_slice %arg13[%add3A_144, %dma_start3A_428] : memref<10240x128xf32, #tpu.memory_space<vmem_shared>> -> memref<125x128xf32, #tpu.memory_space<vmem_shared>>
      %dma_start3A_430 = arith.constant 0 : i32
      %dma_start3A_431 = tpu.memref_slice %arg13[%add3A_144, %dma_start3A_430] : memref<10240x128xf32, #tpu.memory_space<vmem_shared>> -> memref<125x128xf32, #tpu.memory_space<vmem_shared>>
      tpu.enqueue_dma source(%arg11 : memref<125x128xf32, #tpu.memory_space<vmem>>) target(%dma_start3A_431 : memref<125x128xf32, #tpu.memory_space<vmem_shared>>) target_semaphore(%run_scoped3A_427 : memref<!tpu.dma_semaphore, #tpu.memory_space<semaphore_mem>>)
      %dma_wait3A_432 = arith.constant 0 : i32
      %dma_wait3A_433 = tpu.memref_slice %arg13[%add3A_144, %dma_wait3A_432] : memref<10240x128xf32, #tpu.memory_space<vmem_shared>> -> memref<125x128xf32, #tpu.memory_space<vmem_shared>>
      %dma_wait3A_434 = arith.constant 0 : i32
      %dma_wait3A_435 = tpu.memref_slice %arg13[%add3A_144, %dma_wait3A_434] : memref<10240x128xf32, #tpu.memory_space<vmem_shared>> -> memref<125x128xf32, #tpu.memory_space<vmem_shared>>
      tpu.wait_dma2 semaphore(%run_scoped3A_427 : memref<!tpu.dma_semaphore, #tpu.memory_space<semaphore_mem>>) src(%arg11 : memref<125x128xf32, #tpu.memory_space<vmem>>) dst(%dma_wait3A_435 : memref<125x128xf32, #tpu.memory_space<vmem_shared>>)
      tpu.yield
    }) : () -> ()
    %add3A_145 = arith.constant 375 : i32
    %add3A_146 = arith.addi %mul3A_0, %add3A_145 : i32
    "tpu.region"() ({
      %run_scoped3A_427 = tpu.sem_alloc : memref<!tpu.dma_semaphore, #tpu.memory_space<semaphore_mem>>
      %dma_start3A_428 = arith.constant 0 : i32
      %dma_start3A_429 = tpu.memref_slice %arg13[%add3A_146, %dma_start3A_428] : memref<10240x128xf32, #tpu.memory_space<vmem_shared>> -> memref<125x128xf32, #tpu.memory_space<vmem_shared>>
      %dma_start3A_430 = arith.constant 0 : i32
      %dma_start3A_431 = tpu.memref_slice %arg13[%add3A_146, %dma_start3A_430] : memref<10240x128xf32, #tpu.memory_space<vmem_shared>> -> memref<125x128xf32, #tpu.memory_space<vmem_shared>>
      tpu.enqueue_dma source(%arg11 : memref<125x128xf32, #tpu.memory_space<vmem>>) target(%dma_start3A_431 : memref<125x128xf32, #tpu.memory_space<vmem_shared>>) target_semaphore(%run_scoped3A_427 : memref<!tpu.dma_semaphore, #tpu.memory_space<semaphore_mem>>)
      %dma_wait3A_432 = arith.constant 0 : i32
      %dma_wait3A_433 = tpu.memref_slice %arg13[%add3A_146, %dma_wait3A_432] : memref<10240x128xf32, #tpu.memory_space<vmem_shared>> -> memref<125x128xf32, #tpu.memory_space<vmem_shared>>
      %dma_wait3A_434 = arith.constant 0 : i32
      %dma_wait3A_435 = tpu.memref_slice %arg13[%add3A_146, %dma_wait3A_434] : memref<10240x128xf32, #tpu.memory_space<vmem_shared>> -> memref<125x128xf32, #tpu.memory_space<vmem_shared>>
      tpu.wait_dma2 semaphore(%run_scoped3A_427 : memref<!tpu.dma_semaphore, #tpu.memory_space<semaphore_mem>>) src(%arg11 : memref<125x128xf32, #tpu.memory_space<vmem>>) dst(%dma_wait3A_435 : memref<125x128xf32, #tpu.memory_space<vmem_shared>>)
      tpu.yield
    }) : () -> ()
    %add3A_147 = arith.constant 500 : i32
    %add3A_148 = arith.addi %mul3A_0, %add3A_147 : i32
    "tpu.region"() ({
      %run_scoped3A_427 = tpu.sem_alloc : memref<!tpu.dma_semaphore, #tpu.memory_space<semaphore_mem>>
      %dma_start3A_428 = arith.constant 0 : i32
      %dma_start3A_429 = tpu.memref_slice %arg13[%add3A_148, %dma_start3A_428] : memref<10240x128xf32, #tpu.memory_space<vmem_shared>> -> memref<125x128xf32, #tpu.memory_space<vmem_shared>>
      %dma_start3A_430 = arith.constant 0 : i32
      %dma_start3A_431 = tpu.memref_slice %arg13[%add3A_148, %dma_start3A_430] : memref<10240x128xf32, #tpu.memory_space<vmem_shared>> -> memref<125x128xf32, #tpu.memory_space<vmem_shared>>
      tpu.enqueue_dma source(%arg11 : memref<125x128xf32, #tpu.memory_space<vmem>>) target(%dma_start3A_431 : memref<125x128xf32, #tpu.memory_space<vmem_shared>>) target_semaphore(%run_scoped3A_427 : memref<!tpu.dma_semaphore, #tpu.memory_space<semaphore_mem>>)
      %dma_wait3A_432 = arith.constant 0 : i32
      %dma_wait3A_433 = tpu.memref_slice %arg13[%add3A_148, %dma_wait3A_432] : memref<10240x128xf32, #tpu.memory_space<vmem_shared>> -> memref<125x128xf32, #tpu.memory_space<vmem_shared>>
      %dma_wait3A_434 = arith.constant 0 : i32
      %dma_wait3A_435 = tpu.memref_slice %arg13[%add3A_148, %dma_wait3A_434] : memref<10240x128xf32, #tpu.memory_space<vmem_shared>> -> memref<125x128xf32, #tpu.memory_space<vmem_shared>>
      tpu.wait_dma2 semaphore(%run_scoped3A_427 : memref<!tpu.dma_semaphore, #tpu.memory_space<semaphore_mem>>) src(%arg11 : memref<125x128xf32, #tpu.memory_space<vmem>>) dst(%dma_wait3A_435 : memref<125x128xf32, #tpu.memory_space<vmem_shared>>)
      tpu.yield
    }) : () -> ()
    %add3A_149 = arith.constant 625 : i32
    %add3A_150 = arith.addi %mul3A_0, %add3A_149 : i32
    "tpu.region"() ({
      %run_scoped3A_427 = tpu.sem_alloc : memref<!tpu.dma_semaphore, #tpu.memory_space<semaphore_mem>>
      %dma_start3A_428 = arith.constant 0 : i32
      %dma_start3A_429 = arith.constant 0 : i32
      %dma_start3A_430 = tpu.memref_slice %arg11[%dma_start3A_428, %dma_start3A_429] : memref<125x128xf32, #tpu.memory_space<vmem>> -> memref<15x128xf32, #tpu.memory_space<vmem>>
      %dma_start3A_431 = arith.constant 0 : i32
      %dma_start3A_432 = tpu.memref_slice %arg13[%add3A_150, %dma_start3A_431] : memref<10240x128xf32, #tpu.memory_space<vmem_shared>> -> memref<15x128xf32, #tpu.memory_space<vmem_shared>>
      %dma_start3A_433 = arith.constant 0 : i32
      %dma_start3A_434 = tpu.memref_slice %arg13[%add3A_150, %dma_start3A_433] : memref<10240x128xf32, #tpu.memory_space<vmem_shared>> -> memref<15x128xf32, #tpu.memory_space<vmem_shared>>
      %dma_start3A_435 = arith.constant 0 : i32
      %dma_start3A_436 = arith.constant 0 : i32
      %dma_start3A_437 = tpu.memref_slice %arg11[%dma_start3A_435, %dma_start3A_436] : memref<125x128xf32, #tpu.memory_space<vmem>> -> memref<15x128xf32, #tpu.memory_space<vmem>>
      tpu.enqueue_dma source(%dma_start3A_437 : memref<15x128xf32, #tpu.memory_space<vmem>>) target(%dma_start3A_434 : memref<15x128xf32, #tpu.memory_space<vmem_shared>>) target_semaphore(%run_scoped3A_427 : memref<!tpu.dma_semaphore, #tpu.memory_space<semaphore_mem>>)
      %dma_wait3A_438 = arith.constant 0 : i32
      %dma_wait3A_439 = arith.constant 0 : i32
      %dma_wait3A_440 = tpu.memref_slice %arg11[%dma_wait3A_438, %dma_wait3A_439] : memref<125x128xf32, #tpu.memory_space<vmem>> -> memref<15x128xf32, #tpu.memory_space<vmem>>
      %dma_wait3A_441 = arith.constant 0 : i32
      %dma_wait3A_442 = tpu.memref_slice %arg13[%add3A_150, %dma_wait3A_441] : memref<10240x128xf32, #tpu.memory_space<vmem_shared>> -> memref<15x128xf32, #tpu.memory_space<vmem_shared>>
      %dma_wait3A_443 = arith.constant 0 : i32
      %dma_wait3A_444 = tpu.memref_slice %arg13[%add3A_150, %dma_wait3A_443] : memref<10240x128xf32, #tpu.memory_space<vmem_shared>> -> memref<15x128xf32, #tpu.memory_space<vmem_shared>>
      %dma_wait3A_445 = arith.constant 0 : i32
      %dma_wait3A_446 = arith.constant 0 : i32
      %dma_wait3A_447 = tpu.memref_slice %arg11[%dma_wait3A_445, %dma_wait3A_446] : memref<125x128xf32, #tpu.memory_space<vmem>> -> memref<15x128xf32, #tpu.memory_space<vmem>>
      tpu.wait_dma2 semaphore(%run_scoped3A_427 : memref<!tpu.dma_semaphore, #tpu.memory_space<semaphore_mem>>) src(%dma_wait3A_447 : memref<15x128xf32, #tpu.memory_space<vmem>>) dst(%dma_wait3A_444 : memref<15x128xf32, #tpu.memory_space<vmem_shared>>)
      tpu.yield
    }) : () -> ()
    %barrier3A_151 = arith.constant 0 : index
    tpu.barrier barrier_id(%barrier3A_151)
    %run_scoped3A_152 = arith.constant 1 : i32
    "tpu.region"() ({
      %run_scoped3A_427 = tpu.sem_alloc : memref<!tpu.dma_semaphore, #tpu.memory_space<semaphore_mem>>
      %dma_start3A_428 = arith.constant 0 : i32
      %dma_start3A_429 = arith.constant 0 : i32
      %dma_start3A_430 = tpu.memref_slice %arg5[%run_scoped3A_152, %arg0, %arg1, %dma_start3A_428, %dma_start3A_429] : memref<3x2x16x80x125xi32, #tpu.memory_space<hbm>> -> memref<1x1x1x40x125xi32, #tpu.memory_space<hbm>>
      %dma_start3A_431 = tpu.memref_squeeze %dma_start3A_430 : memref<1x1x1x40x125xi32, #tpu.memory_space<hbm>> -> memref<40x125xi32, #tpu.memory_space<hbm>>
      %dma_start3A_432 = arith.constant 0 : i32
      %dma_start3A_433 = arith.constant 0 : i32
      %dma_start3A_434 = tpu.memref_slice %arg5[%run_scoped3A_152, %arg0, %arg1, %dma_start3A_432, %dma_start3A_433] : memref<3x2x16x80x125xi32, #tpu.memory_space<hbm>> -> memref<1x1x1x40x125xi32, #tpu.memory_space<hbm>>
      %dma_start3A_435 = tpu.memref_squeeze %dma_start3A_434 : memref<1x1x1x40x125xi32, #tpu.memory_space<hbm>> -> memref<40x125xi32, #tpu.memory_space<hbm>>
      tpu.enqueue_dma source(%dma_start3A_435 : memref<40x125xi32, #tpu.memory_space<hbm>>) target(%arg9 : memref<40x125xi32, #tpu.memory_space<vmem>>) target_semaphore(%run_scoped3A_427 : memref<!tpu.dma_semaphore, #tpu.memory_space<semaphore_mem>>)
      %dma_wait3A_436 = arith.constant 0 : i32
      %dma_wait3A_437 = arith.constant 0 : i32
      %dma_wait3A_438 = tpu.memref_slice %arg5[%run_scoped3A_152, %arg0, %arg1, %dma_wait3A_436, %dma_wait3A_437] : memref<3x2x16x80x125xi32, #tpu.memory_space<hbm>> -> memref<1x1x1x40x125xi32, #tpu.memory_space<hbm>>
      %dma_wait3A_439 = tpu.memref_squeeze %dma_wait3A_438 : memref<1x1x1x40x125xi32, #tpu.memory_space<hbm>> -> memref<40x125xi32, #tpu.memory_space<hbm>>
      %dma_wait3A_440 = arith.constant 0 : i32
      %dma_wait3A_441 = arith.constant 0 : i32
      %dma_wait3A_442 = tpu.memref_slice %arg5[%run_scoped3A_152, %arg0, %arg1, %dma_wait3A_440, %dma_wait3A_441] : memref<3x2x16x80x125xi32, #tpu.memory_space<hbm>> -> memref<1x1x1x40x125xi32, #tpu.memory_space<hbm>>
      %dma_wait3A_443 = tpu.memref_squeeze %dma_wait3A_442 : memref<1x1x1x40x125xi32, #tpu.memory_space<hbm>> -> memref<40x125xi32, #tpu.memory_space<hbm>>
      tpu.wait_dma2 semaphore(%run_scoped3A_427 : memref<!tpu.dma_semaphore, #tpu.memory_space<semaphore_mem>>) src(%dma_wait3A_443 : memref<40x125xi32, #tpu.memory_space<hbm>>) dst(%arg9 : memref<40x125xi32, #tpu.memory_space<vmem>>)
      tpu.yield
    }) : () -> ()
    %run_scoped3A_153 = arith.constant 1 : i32
    "tpu.region"() ({
      %run_scoped3A_427 = tpu.sem_alloc : memref<!tpu.dma_semaphore, #tpu.memory_space<semaphore_mem>>
      %dma_start3A_428 = arith.constant 0 : i32
      %dma_start3A_429 = arith.constant 0 : i32
      %dma_start3A_430 = tpu.memref_slice %arg6[%run_scoped3A_153, %arg0, %arg1, %dma_start3A_428, %dma_start3A_429] : memref<3x2x16x80x125xi32, #tpu.memory_space<hbm>> -> memref<1x1x1x40x125xi32, #tpu.memory_space<hbm>>
      %dma_start3A_431 = tpu.memref_squeeze %dma_start3A_430 : memref<1x1x1x40x125xi32, #tpu.memory_space<hbm>> -> memref<40x125xi32, #tpu.memory_space<hbm>>
      %dma_start3A_432 = arith.constant 0 : i32
      %dma_start3A_433 = arith.constant 0 : i32
      %dma_start3A_434 = tpu.memref_slice %arg6[%run_scoped3A_153, %arg0, %arg1, %dma_start3A_432, %dma_start3A_433] : memref<3x2x16x80x125xi32, #tpu.memory_space<hbm>> -> memref<1x1x1x40x125xi32, #tpu.memory_space<hbm>>
      %dma_start3A_435 = tpu.memref_squeeze %dma_start3A_434 : memref<1x1x1x40x125xi32, #tpu.memory_space<hbm>> -> memref<40x125xi32, #tpu.memory_space<hbm>>
      tpu.enqueue_dma source(%dma_start3A_435 : memref<40x125xi32, #tpu.memory_space<hbm>>) target(%arg10 : memref<40x125xi32, #tpu.memory_space<vmem>>) target_semaphore(%run_scoped3A_427 : memref<!tpu.dma_semaphore, #tpu.memory_space<semaphore_mem>>)
      %dma_wait3A_436 = arith.constant 0 : i32
      %dma_wait3A_437 = arith.constant 0 : i32
      %dma_wait3A_438 = tpu.memref_slice %arg6[%run_scoped3A_153, %arg0, %arg1, %dma_wait3A_436, %dma_wait3A_437] : memref<3x2x16x80x125xi32, #tpu.memory_space<hbm>> -> memref<1x1x1x40x125xi32, #tpu.memory_space<hbm>>
      %dma_wait3A_439 = tpu.memref_squeeze %dma_wait3A_438 : memref<1x1x1x40x125xi32, #tpu.memory_space<hbm>> -> memref<40x125xi32, #tpu.memory_space<hbm>>
      %dma_wait3A_440 = arith.constant 0 : i32
      %dma_wait3A_441 = arith.constant 0 : i32
      %dma_wait3A_442 = tpu.memref_slice %arg6[%run_scoped3A_153, %arg0, %arg1, %dma_wait3A_440, %dma_wait3A_441] : memref<3x2x16x80x125xi32, #tpu.memory_space<hbm>> -> memref<1x1x1x40x125xi32, #tpu.memory_space<hbm>>
      %dma_wait3A_443 = tpu.memref_squeeze %dma_wait3A_442 : memref<1x1x1x40x125xi32, #tpu.memory_space<hbm>> -> memref<40x125xi32, #tpu.memory_space<hbm>>
      tpu.wait_dma2 semaphore(%run_scoped3A_427 : memref<!tpu.dma_semaphore, #tpu.memory_space<semaphore_mem>>) src(%dma_wait3A_443 : memref<40x125xi32, #tpu.memory_space<hbm>>) dst(%arg10 : memref<40x125xi32, #tpu.memory_space<vmem>>)
      tpu.yield
    }) : () -> ()
    %dma_start3A_154 = arith.constant 0 : i32
    %dma_start3A_155 = arith.constant 0 : i32
    %dma_start3A_156 = tpu.memref_slice %arg9[%dma_start3A_154, %dma_start3A_155] : memref<40x125xi32, #tpu.memory_space<vmem>> -> memref<1x125xi32, #tpu.memory_space<vmem>>
    %dma_start3A_157 = tpu.memref_squeeze %dma_start3A_156 : memref<1x125xi32, #tpu.memory_space<vmem>> -> memref<125xi32, #tpu.memory_space<vmem>>
    %dma_start3A_158 = arith.constant 0 : i32
    %dma_start3A_159 = arith.constant 0 : i32
    %dma_start3A_160 = tpu.memref_slice %arg3[%dma_start3A_158, %dma_start3A_159] : memref<10240x128xf32, #tpu.memory_space<hbm>> -> memref<10240x128xf32, #tpu.memory_space<hbm>>
    tpu.enqueue_indirect_dma source(%dma_start3A_160 : memref<10240x128xf32, #tpu.memory_space<hbm>>) target(%arg11 : memref<125x128xf32, #tpu.memory_space<vmem>>) offsets(%dma_start3A_157 : memref<125xi32, #tpu.memory_space<vmem>>) semaphore(%arg14 : memref<!tpu.dma_semaphore, #tpu.memory_space<semaphore_mem>>)
    %dma_wait3A_161 = arith.constant 0 : i32
    %dma_wait3A_162 = arith.constant 0 : i32
    %dma_wait3A_163 = tpu.memref_slice %arg9[%dma_wait3A_161, %dma_wait3A_162] : memref<40x125xi32, #tpu.memory_space<vmem>> -> memref<1x125xi32, #tpu.memory_space<vmem>>
    %dma_wait3A_164 = tpu.memref_squeeze %dma_wait3A_163 : memref<1x125xi32, #tpu.memory_space<vmem>> -> memref<125xi32, #tpu.memory_space<vmem>>
    %dma_wait3A_165 = arith.constant 0 : i32
    %dma_wait3A_166 = arith.constant 0 : i32
    %dma_wait3A_167 = tpu.memref_slice %arg3[%dma_wait3A_165, %dma_wait3A_166] : memref<10240x128xf32, #tpu.memory_space<hbm>> -> memref<10240x128xf32, #tpu.memory_space<hbm>>
    tpu.wait_indirect_dma semaphore(%arg14 : memref<!tpu.dma_semaphore, #tpu.memory_space<semaphore_mem>>) src(%dma_wait3A_167 : memref<10240x128xf32, #tpu.memory_space<hbm>>) dst(%arg11 : memref<125x128xf32, #tpu.memory_space<vmem>>)
    %dma_start3A_168 = arith.constant 0 : i32
    %dma_start3A_169 = arith.constant 0 : i32
    %dma_start3A_170 = tpu.memref_slice %arg10[%dma_start3A_168, %dma_start3A_169] : memref<40x125xi32, #tpu.memory_space<vmem>> -> memref<1x125xi32, #tpu.memory_space<vmem>>
    %dma_start3A_171 = tpu.memref_squeeze %dma_start3A_170 : memref<1x125xi32, #tpu.memory_space<vmem>> -> memref<125xi32, #tpu.memory_space<vmem>>
    %dma_start3A_172 = arith.constant 0 : i32
    %dma_start3A_173 = arith.constant 0 : i32
    %dma_start3A_174 = tpu.memref_slice %arg13[%dma_start3A_172, %dma_start3A_173] : memref<10240x128xf32, #tpu.memory_space<vmem_shared>> -> memref<10240x128xf32, #tpu.memory_space<vmem_shared>>
    tpu.enqueue_indirect_dma source(%arg11 : memref<125x128xf32, #tpu.memory_space<vmem>>) target(%dma_start3A_174 : memref<10240x128xf32, #tpu.memory_space<vmem_shared>>) offsets(%dma_start3A_171 : memref<125xi32, #tpu.memory_space<vmem>>) semaphore(%arg16 : memref<!tpu.dma_semaphore, #tpu.memory_space<semaphore_mem>>) {add = true}
    %dma_start3A_175 = arith.constant 1 : i32
    %dma_start3A_176 = arith.constant 0 : i32
    %dma_start3A_177 = tpu.memref_slice %arg9[%dma_start3A_175, %dma_start3A_176] : memref<40x125xi32, #tpu.memory_space<vmem>> -> memref<1x125xi32, #tpu.memory_space<vmem>>
    %dma_start3A_178 = tpu.memref_squeeze %dma_start3A_177 : memref<1x125xi32, #tpu.memory_space<vmem>> -> memref<125xi32, #tpu.memory_space<vmem>>
    %dma_start3A_179 = arith.constant 0 : i32
    %dma_start3A_180 = arith.constant 0 : i32
    %dma_start3A_181 = tpu.memref_slice %arg3[%dma_start3A_179, %dma_start3A_180] : memref<10240x128xf32, #tpu.memory_space<hbm>> -> memref<10240x128xf32, #tpu.memory_space<hbm>>
    tpu.enqueue_indirect_dma source(%dma_start3A_181 : memref<10240x128xf32, #tpu.memory_space<hbm>>) target(%arg12 : memref<125x128xf32, #tpu.memory_space<vmem>>) offsets(%dma_start3A_178 : memref<125xi32, #tpu.memory_space<vmem>>) semaphore(%arg15 : memref<!tpu.dma_semaphore, #tpu.memory_space<semaphore_mem>>)
    %scan3A_182 = arith.constant 0 : i32
    %scan3A_183 = arith.constant 0 : i32
    %scan3A_184 = arith.constant 19 : i32
    %scan3A_185 = arith.addi %scan3A_183, %scan3A_184 : i32
    %scan3A_186 = arith.constant 1 : i32
    scf.for %scan3A_427 = %scan3A_183 to %scan3A_185 step %scan3A_186  : i32 {
      %mul3A_428 = arith.constant 2 : i32
      %mul3A_429 = arith.muli %mul3A_428, %scan3A_427 : i32
      %add3A_430 = arith.constant 1 : i32
      %add3A_431 = arith.addi %mul3A_429, %add3A_430 : i32
      %dma_wait3A_432 = arith.constant 0 : i32
      %dma_wait3A_433 = arith.constant 0 : i32
      %dma_wait3A_434 = tpu.memref_slice %arg9[%dma_wait3A_432, %dma_wait3A_433] : memref<40x125xi32, #tpu.memory_space<vmem>> -> memref<1x125xi32, #tpu.memory_space<vmem>>
      %dma_wait3A_435 = tpu.memref_squeeze %dma_wait3A_434 : memref<1x125xi32, #tpu.memory_space<vmem>> -> memref<125xi32, #tpu.memory_space<vmem>>
      %dma_wait3A_436 = arith.constant 0 : i32
      %dma_wait3A_437 = arith.constant 0 : i32
      %dma_wait3A_438 = tpu.memref_slice %arg3[%dma_wait3A_436, %dma_wait3A_437] : memref<10240x128xf32, #tpu.memory_space<hbm>> -> memref<10240x128xf32, #tpu.memory_space<hbm>>
      tpu.wait_indirect_dma semaphore(%arg15 : memref<!tpu.dma_semaphore, #tpu.memory_space<semaphore_mem>>) src(%dma_wait3A_438 : memref<10240x128xf32, #tpu.memory_space<hbm>>) dst(%arg12 : memref<125x128xf32, #tpu.memory_space<vmem>>)
      %dma_start3A_439 = arith.constant 0 : i32
      %dma_start3A_440 = tpu.memref_slice %arg10[%add3A_431, %dma_start3A_439] : memref<40x125xi32, #tpu.memory_space<vmem>> -> memref<1x125xi32, #tpu.memory_space<vmem>>
      %dma_start3A_441 = tpu.memref_squeeze %dma_start3A_440 : memref<1x125xi32, #tpu.memory_space<vmem>> -> memref<125xi32, #tpu.memory_space<vmem>>
      %dma_start3A_442 = arith.constant 0 : i32
      %dma_start3A_443 = arith.constant 0 : i32
      %dma_start3A_444 = tpu.memref_slice %arg13[%dma_start3A_442, %dma_start3A_443] : memref<10240x128xf32, #tpu.memory_space<vmem_shared>> -> memref<10240x128xf32, #tpu.memory_space<vmem_shared>>
      tpu.enqueue_indirect_dma source(%arg12 : memref<125x128xf32, #tpu.memory_space<vmem>>) target(%dma_start3A_444 : memref<10240x128xf32, #tpu.memory_space<vmem_shared>>) offsets(%dma_start3A_441 : memref<125xi32, #tpu.memory_space<vmem>>) semaphore(%arg17 : memref<!tpu.dma_semaphore, #tpu.memory_space<semaphore_mem>>) {add = true}
      %dma_wait3A_445 = arith.constant 0 : i32
      %dma_wait3A_446 = arith.constant 0 : i32
      %dma_wait3A_447 = tpu.memref_slice %arg10[%dma_wait3A_445, %dma_wait3A_446] : memref<40x125xi32, #tpu.memory_space<vmem>> -> memref<1x125xi32, #tpu.memory_space<vmem>>
      %dma_wait3A_448 = tpu.memref_squeeze %dma_wait3A_447 : memref<1x125xi32, #tpu.memory_space<vmem>> -> memref<125xi32, #tpu.memory_space<vmem>>
      %dma_wait3A_449 = arith.constant 0 : i32
      %dma_wait3A_450 = arith.constant 0 : i32
      %dma_wait3A_451 = tpu.memref_slice %arg13[%dma_wait3A_449, %dma_wait3A_450] : memref<10240x128xf32, #tpu.memory_space<vmem_shared>> -> memref<10240x128xf32, #tpu.memory_space<vmem_shared>>
      tpu.wait_indirect_dma semaphore(%arg16 : memref<!tpu.dma_semaphore, #tpu.memory_space<semaphore_mem>>) src(%arg11 : memref<125x128xf32, #tpu.memory_space<vmem>>) dst(%dma_wait3A_451 : memref<10240x128xf32, #tpu.memory_space<vmem_shared>>)
      %add3A_452 = arith.constant 1 : i32
      %add3A_453 = arith.addi %add3A_431, %add3A_452 : i32
      %dma_start3A_454 = arith.constant 0 : i32
      %dma_start3A_455 = tpu.memref_slice %arg9[%add3A_453, %dma_start3A_454] : memref<40x125xi32, #tpu.memory_space<vmem>> -> memref<1x125xi32, #tpu.memory_space<vmem>>
      %dma_start3A_456 = tpu.memref_squeeze %dma_start3A_455 : memref<1x125xi32, #tpu.memory_space<vmem>> -> memref<125xi32, #tpu.memory_space<vmem>>
      %dma_start3A_457 = arith.constant 0 : i32
      %dma_start3A_458 = arith.constant 0 : i32
      %dma_start3A_459 = tpu.memref_slice %arg3[%dma_start3A_457, %dma_start3A_458] : memref<10240x128xf32, #tpu.memory_space<hbm>> -> memref<10240x128xf32, #tpu.memory_space<hbm>>
      tpu.enqueue_indirect_dma source(%dma_start3A_459 : memref<10240x128xf32, #tpu.memory_space<hbm>>) target(%arg11 : memref<125x128xf32, #tpu.memory_space<vmem>>) offsets(%dma_start3A_456 : memref<125xi32, #tpu.memory_space<vmem>>) semaphore(%arg14 : memref<!tpu.dma_semaphore, #tpu.memory_space<semaphore_mem>>)
      %mul3A_460 = arith.constant 2 : i32
      %mul3A_461 = arith.muli %mul3A_460, %scan3A_427 : i32
      %add3A_462 = arith.constant 2 : i32
      %add3A_463 = arith.addi %mul3A_461, %add3A_462 : i32
      %dma_wait3A_464 = arith.constant 0 : i32
      %dma_wait3A_465 = arith.constant 0 : i32
      %dma_wait3A_466 = tpu.memref_slice %arg9[%dma_wait3A_464, %dma_wait3A_465] : memref<40x125xi32, #tpu.memory_space<vmem>> -> memref<1x125xi32, #tpu.memory_space<vmem>>
      %dma_wait3A_467 = tpu.memref_squeeze %dma_wait3A_466 : memref<1x125xi32, #tpu.memory_space<vmem>> -> memref<125xi32, #tpu.memory_space<vmem>>
      %dma_wait3A_468 = arith.constant 0 : i32
      %dma_wait3A_469 = arith.constant 0 : i32
      %dma_wait3A_470 = tpu.memref_slice %arg3[%dma_wait3A_468, %dma_wait3A_469] : memref<10240x128xf32, #tpu.memory_space<hbm>> -> memref<10240x128xf32, #tpu.memory_space<hbm>>
      tpu.wait_indirect_dma semaphore(%arg14 : memref<!tpu.dma_semaphore, #tpu.memory_space<semaphore_mem>>) src(%dma_wait3A_470 : memref<10240x128xf32, #tpu.memory_space<hbm>>) dst(%arg11 : memref<125x128xf32, #tpu.memory_space<vmem>>)
      %dma_start3A_471 = arith.constant 0 : i32
      %dma_start3A_472 = tpu.memref_slice %arg10[%add3A_463, %dma_start3A_471] : memref<40x125xi32, #tpu.memory_space<vmem>> -> memref<1x125xi32, #tpu.memory_space<vmem>>
      %dma_start3A_473 = tpu.memref_squeeze %dma_start3A_472 : memref<1x125xi32, #tpu.memory_space<vmem>> -> memref<125xi32, #tpu.memory_space<vmem>>
      %dma_start3A_474 = arith.constant 0 : i32
      %dma_start3A_475 = arith.constant 0 : i32
      %dma_start3A_476 = tpu.memref_slice %arg13[%dma_start3A_474, %dma_start3A_475] : memref<10240x128xf32, #tpu.memory_space<vmem_shared>> -> memref<10240x128xf32, #tpu.memory_space<vmem_shared>>
      tpu.enqueue_indirect_dma source(%arg11 : memref<125x128xf32, #tpu.memory_space<vmem>>) target(%dma_start3A_476 : memref<10240x128xf32, #tpu.memory_space<vmem_shared>>) offsets(%dma_start3A_473 : memref<125xi32, #tpu.memory_space<vmem>>) semaphore(%arg16 : memref<!tpu.dma_semaphore, #tpu.memory_space<semaphore_mem>>) {add = true}
      %dma_wait3A_477 = arith.constant 0 : i32
      %dma_wait3A_478 = arith.constant 0 : i32
      %dma_wait3A_479 = tpu.memref_slice %arg10[%dma_wait3A_477, %dma_wait3A_478] : memref<40x125xi32, #tpu.memory_space<vmem>> -> memref<1x125xi32, #tpu.memory_space<vmem>>
      %dma_wait3A_480 = tpu.memref_squeeze %dma_wait3A_479 : memref<1x125xi32, #tpu.memory_space<vmem>> -> memref<125xi32, #tpu.memory_space<vmem>>
      %dma_wait3A_481 = arith.constant 0 : i32
      %dma_wait3A_482 = arith.constant 0 : i32
      %dma_wait3A_483 = tpu.memref_slice %arg13[%dma_wait3A_481, %dma_wait3A_482] : memref<10240x128xf32, #tpu.memory_space<vmem_shared>> -> memref<10240x128xf32, #tpu.memory_space<vmem_shared>>
      tpu.wait_indirect_dma semaphore(%arg17 : memref<!tpu.dma_semaphore, #tpu.memory_space<semaphore_mem>>) src(%arg12 : memref<125x128xf32, #tpu.memory_space<vmem>>) dst(%dma_wait3A_483 : memref<10240x128xf32, #tpu.memory_space<vmem_shared>>)
      %add3A_484 = arith.constant 1 : i32
      %add3A_485 = arith.addi %add3A_463, %add3A_484 : i32
      %dma_start3A_486 = arith.constant 0 : i32
      %dma_start3A_487 = tpu.memref_slice %arg9[%add3A_485, %dma_start3A_486] : memref<40x125xi32, #tpu.memory_space<vmem>> -> memref<1x125xi32, #tpu.memory_space<vmem>>
      %dma_start3A_488 = tpu.memref_squeeze %dma_start3A_487 : memref<1x125xi32, #tpu.memory_space<vmem>> -> memref<125xi32, #tpu.memory_space<vmem>>
      %dma_start3A_489 = arith.constant 0 : i32
      %dma_start3A_490 = arith.constant 0 : i32
      %dma_start3A_491 = tpu.memref_slice %arg3[%dma_start3A_489, %dma_start3A_490] : memref<10240x128xf32, #tpu.memory_space<hbm>> -> memref<10240x128xf32, #tpu.memory_space<hbm>>
      tpu.enqueue_indirect_dma source(%dma_start3A_491 : memref<10240x128xf32, #tpu.memory_space<hbm>>) target(%arg12 : memref<125x128xf32, #tpu.memory_space<vmem>>) offsets(%dma_start3A_488 : memref<125xi32, #tpu.memory_space<vmem>>) semaphore(%arg15 : memref<!tpu.dma_semaphore, #tpu.memory_space<semaphore_mem>>)
    }
    %scan3A_187 = arith.constant 19 : i32
    %dma_wait3A_188 = arith.constant 0 : i32
    %dma_wait3A_189 = arith.constant 0 : i32
    %dma_wait3A_190 = tpu.memref_slice %arg9[%dma_wait3A_188, %dma_wait3A_189] : memref<40x125xi32, #tpu.memory_space<vmem>> -> memref<1x125xi32, #tpu.memory_space<vmem>>
    %dma_wait3A_191 = tpu.memref_squeeze %dma_wait3A_190 : memref<1x125xi32, #tpu.memory_space<vmem>> -> memref<125xi32, #tpu.memory_space<vmem>>
    %dma_wait3A_192 = arith.constant 0 : i32
    %dma_wait3A_193 = arith.constant 0 : i32
    %dma_wait3A_194 = tpu.memref_slice %arg3[%dma_wait3A_192, %dma_wait3A_193] : memref<10240x128xf32, #tpu.memory_space<hbm>> -> memref<10240x128xf32, #tpu.memory_space<hbm>>
    tpu.wait_indirect_dma semaphore(%arg15 : memref<!tpu.dma_semaphore, #tpu.memory_space<semaphore_mem>>) src(%dma_wait3A_194 : memref<10240x128xf32, #tpu.memory_space<hbm>>) dst(%arg12 : memref<125x128xf32, #tpu.memory_space<vmem>>)
    %dma_start3A_195 = arith.constant 39 : i32
    %dma_start3A_196 = arith.constant 0 : i32
    %dma_start3A_197 = tpu.memref_slice %arg10[%dma_start3A_195, %dma_start3A_196] : memref<40x125xi32, #tpu.memory_space<vmem>> -> memref<1x125xi32, #tpu.memory_space<vmem>>
    %dma_start3A_198 = tpu.memref_squeeze %dma_start3A_197 : memref<1x125xi32, #tpu.memory_space<vmem>> -> memref<125xi32, #tpu.memory_space<vmem>>
    %dma_start3A_199 = arith.constant 0 : i32
    %dma_start3A_200 = arith.constant 0 : i32
    %dma_start3A_201 = tpu.memref_slice %arg13[%dma_start3A_199, %dma_start3A_200] : memref<10240x128xf32, #tpu.memory_space<vmem_shared>> -> memref<10240x128xf32, #tpu.memory_space<vmem_shared>>
    tpu.enqueue_indirect_dma source(%arg12 : memref<125x128xf32, #tpu.memory_space<vmem>>) target(%dma_start3A_201 : memref<10240x128xf32, #tpu.memory_space<vmem_shared>>) offsets(%dma_start3A_198 : memref<125xi32, #tpu.memory_space<vmem>>) semaphore(%arg17 : memref<!tpu.dma_semaphore, #tpu.memory_space<semaphore_mem>>) {add = true}
    %dma_wait3A_202 = arith.constant 0 : i32
    %dma_wait3A_203 = arith.constant 0 : i32
    %dma_wait3A_204 = tpu.memref_slice %arg10[%dma_wait3A_202, %dma_wait3A_203] : memref<40x125xi32, #tpu.memory_space<vmem>> -> memref<1x125xi32, #tpu.memory_space<vmem>>
    %dma_wait3A_205 = tpu.memref_squeeze %dma_wait3A_204 : memref<1x125xi32, #tpu.memory_space<vmem>> -> memref<125xi32, #tpu.memory_space<vmem>>
    %dma_wait3A_206 = arith.constant 0 : i32
    %dma_wait3A_207 = arith.constant 0 : i32
    %dma_wait3A_208 = tpu.memref_slice %arg13[%dma_wait3A_206, %dma_wait3A_207] : memref<10240x128xf32, #tpu.memory_space<vmem_shared>> -> memref<10240x128xf32, #tpu.memory_space<vmem_shared>>
    tpu.wait_indirect_dma semaphore(%arg16 : memref<!tpu.dma_semaphore, #tpu.memory_space<semaphore_mem>>) src(%arg11 : memref<125x128xf32, #tpu.memory_space<vmem>>) dst(%dma_wait3A_208 : memref<10240x128xf32, #tpu.memory_space<vmem_shared>>)
    %dma_wait3A_209 = arith.constant 0 : i32
    %dma_wait3A_210 = arith.constant 0 : i32
    %dma_wait3A_211 = tpu.memref_slice %arg10[%dma_wait3A_209, %dma_wait3A_210] : memref<40x125xi32, #tpu.memory_space<vmem>> -> memref<1x125xi32, #tpu.memory_space<vmem>>
    %dma_wait3A_212 = tpu.memref_squeeze %dma_wait3A_211 : memref<1x125xi32, #tpu.memory_space<vmem>> -> memref<125xi32, #tpu.memory_space<vmem>>
    %dma_wait3A_213 = arith.constant 0 : i32
    %dma_wait3A_214 = arith.constant 0 : i32
    %dma_wait3A_215 = tpu.memref_slice %arg13[%dma_wait3A_213, %dma_wait3A_214] : memref<10240x128xf32, #tpu.memory_space<vmem_shared>> -> memref<10240x128xf32, #tpu.memory_space<vmem_shared>>
    tpu.wait_indirect_dma semaphore(%arg17 : memref<!tpu.dma_semaphore, #tpu.memory_space<semaphore_mem>>) src(%arg12 : memref<125x128xf32, #tpu.memory_space<vmem>>) dst(%dma_wait3A_215 : memref<10240x128xf32, #tpu.memory_space<vmem_shared>>)
    %run_scoped3A_216 = arith.constant 1 : i32
    "tpu.region"() ({
      %run_scoped3A_427 = tpu.sem_alloc : memref<!tpu.dma_semaphore, #tpu.memory_space<semaphore_mem>>
      %dma_start3A_428 = arith.constant 40 : i32
      %dma_start3A_429 = arith.constant 0 : i32
      %dma_start3A_430 = tpu.memref_slice %arg5[%run_scoped3A_216, %arg0, %arg1, %dma_start3A_428, %dma_start3A_429] : memref<3x2x16x80x125xi32, #tpu.memory_space<hbm>> -> memref<1x1x1x40x125xi32, #tpu.memory_space<hbm>>
      %dma_start3A_431 = tpu.memref_squeeze %dma_start3A_430 : memref<1x1x1x40x125xi32, #tpu.memory_space<hbm>> -> memref<40x125xi32, #tpu.memory_space<hbm>>
      %dma_start3A_432 = arith.constant 40 : i32
      %dma_start3A_433 = arith.constant 0 : i32
      %dma_start3A_434 = tpu.memref_slice %arg5[%run_scoped3A_216, %arg0, %arg1, %dma_start3A_432, %dma_start3A_433] : memref<3x2x16x80x125xi32, #tpu.memory_space<hbm>> -> memref<1x1x1x40x125xi32, #tpu.memory_space<hbm>>
      %dma_start3A_435 = tpu.memref_squeeze %dma_start3A_434 : memref<1x1x1x40x125xi32, #tpu.memory_space<hbm>> -> memref<40x125xi32, #tpu.memory_space<hbm>>
      tpu.enqueue_dma source(%dma_start3A_435 : memref<40x125xi32, #tpu.memory_space<hbm>>) target(%arg9 : memref<40x125xi32, #tpu.memory_space<vmem>>) target_semaphore(%run_scoped3A_427 : memref<!tpu.dma_semaphore, #tpu.memory_space<semaphore_mem>>)
      %dma_wait3A_436 = arith.constant 40 : i32
      %dma_wait3A_437 = arith.constant 0 : i32
      %dma_wait3A_438 = tpu.memref_slice %arg5[%run_scoped3A_216, %arg0, %arg1, %dma_wait3A_436, %dma_wait3A_437] : memref<3x2x16x80x125xi32, #tpu.memory_space<hbm>> -> memref<1x1x1x40x125xi32, #tpu.memory_space<hbm>>
      %dma_wait3A_439 = tpu.memref_squeeze %dma_wait3A_438 : memref<1x1x1x40x125xi32, #tpu.memory_space<hbm>> -> memref<40x125xi32, #tpu.memory_space<hbm>>
      %dma_wait3A_440 = arith.constant 40 : i32
      %dma_wait3A_441 = arith.constant 0 : i32
      %dma_wait3A_442 = tpu.memref_slice %arg5[%run_scoped3A_216, %arg0, %arg1, %dma_wait3A_440, %dma_wait3A_441] : memref<3x2x16x80x125xi32, #tpu.memory_space<hbm>> -> memref<1x1x1x40x125xi32, #tpu.memory_space<hbm>>
      %dma_wait3A_443 = tpu.memref_squeeze %dma_wait3A_442 : memref<1x1x1x40x125xi32, #tpu.memory_space<hbm>> -> memref<40x125xi32, #tpu.memory_space<hbm>>
      tpu.wait_dma2 semaphore(%run_scoped3A_427 : memref<!tpu.dma_semaphore, #tpu.memory_space<semaphore_mem>>) src(%dma_wait3A_443 : memref<40x125xi32, #tpu.memory_space<hbm>>) dst(%arg9 : memref<40x125xi32, #tpu.memory_space<vmem>>)
      tpu.yield
    }) : () -> ()
    %run_scoped3A_217 = arith.constant 1 : i32
    "tpu.region"() ({
      %run_scoped3A_427 = tpu.sem_alloc : memref<!tpu.dma_semaphore, #tpu.memory_space<semaphore_mem>>
      %dma_start3A_428 = arith.constant 40 : i32
      %dma_start3A_429 = arith.constant 0 : i32
      %dma_start3A_430 = tpu.memref_slice %arg6[%run_scoped3A_217, %arg0, %arg1, %dma_start3A_428, %dma_start3A_429] : memref<3x2x16x80x125xi32, #tpu.memory_space<hbm>> -> memref<1x1x1x40x125xi32, #tpu.memory_space<hbm>>
      %dma_start3A_431 = tpu.memref_squeeze %dma_start3A_430 : memref<1x1x1x40x125xi32, #tpu.memory_space<hbm>> -> memref<40x125xi32, #tpu.memory_space<hbm>>
      %dma_start3A_432 = arith.constant 40 : i32
      %dma_start3A_433 = arith.constant 0 : i32
      %dma_start3A_434 = tpu.memref_slice %arg6[%run_scoped3A_217, %arg0, %arg1, %dma_start3A_432, %dma_start3A_433] : memref<3x2x16x80x125xi32, #tpu.memory_space<hbm>> -> memref<1x1x1x40x125xi32, #tpu.memory_space<hbm>>
      %dma_start3A_435 = tpu.memref_squeeze %dma_start3A_434 : memref<1x1x1x40x125xi32, #tpu.memory_space<hbm>> -> memref<40x125xi32, #tpu.memory_space<hbm>>
      tpu.enqueue_dma source(%dma_start3A_435 : memref<40x125xi32, #tpu.memory_space<hbm>>) target(%arg10 : memref<40x125xi32, #tpu.memory_space<vmem>>) target_semaphore(%run_scoped3A_427 : memref<!tpu.dma_semaphore, #tpu.memory_space<semaphore_mem>>)
      %dma_wait3A_436 = arith.constant 40 : i32
      %dma_wait3A_437 = arith.constant 0 : i32
      %dma_wait3A_438 = tpu.memref_slice %arg6[%run_scoped3A_217, %arg0, %arg1, %dma_wait3A_436, %dma_wait3A_437] : memref<3x2x16x80x125xi32, #tpu.memory_space<hbm>> -> memref<1x1x1x40x125xi32, #tpu.memory_space<hbm>>
      %dma_wait3A_439 = tpu.memref_squeeze %dma_wait3A_438 : memref<1x1x1x40x125xi32, #tpu.memory_space<hbm>> -> memref<40x125xi32, #tpu.memory_space<hbm>>
      %dma_wait3A_440 = arith.constant 40 : i32
      %dma_wait3A_441 = arith.constant 0 : i32
      %dma_wait3A_442 = tpu.memref_slice %arg6[%run_scoped3A_217, %arg0, %arg1, %dma_wait3A_440, %dma_wait3A_441] : memref<3x2x16x80x125xi32, #tpu.memory_space<hbm>> -> memref<1x1x1x40x125xi32, #tpu.memory_space<hbm>>
      %dma_wait3A_443 = tpu.memref_squeeze %dma_wait3A_442 : memref<1x1x1x40x125xi32, #tpu.memory_space<hbm>> -> memref<40x125xi32, #tpu.memory_space<hbm>>
      tpu.wait_dma2 semaphore(%run_scoped3A_427 : memref<!tpu.dma_semaphore, #tpu.memory_space<semaphore_mem>>) src(%dma_wait3A_443 : memref<40x125xi32, #tpu.memory_space<hbm>>) dst(%arg10 : memref<40x125xi32, #tpu.memory_space<vmem>>)
      tpu.yield
    }) : () -> ()
    %dma_start3A_218 = arith.constant 0 : i32
    %dma_start3A_219 = arith.constant 0 : i32
    %dma_start3A_220 = tpu.memref_slice %arg9[%dma_start3A_218, %dma_start3A_219] : memref<40x125xi32, #tpu.memory_space<vmem>> -> memref<1x125xi32, #tpu.memory_space<vmem>>
    %dma_start3A_221 = tpu.memref_squeeze %dma_start3A_220 : memref<1x125xi32, #tpu.memory_space<vmem>> -> memref<125xi32, #tpu.memory_space<vmem>>
    %dma_start3A_222 = arith.constant 0 : i32
    %dma_start3A_223 = arith.constant 0 : i32
    %dma_start3A_224 = tpu.memref_slice %arg3[%dma_start3A_222, %dma_start3A_223] : memref<10240x128xf32, #tpu.memory_space<hbm>> -> memref<10240x128xf32, #tpu.memory_space<hbm>>
    tpu.enqueue_indirect_dma source(%dma_start3A_224 : memref<10240x128xf32, #tpu.memory_space<hbm>>) target(%arg11 : memref<125x128xf32, #tpu.memory_space<vmem>>) offsets(%dma_start3A_221 : memref<125xi32, #tpu.memory_space<vmem>>) semaphore(%arg14 : memref<!tpu.dma_semaphore, #tpu.memory_space<semaphore_mem>>)
    %dma_wait3A_225 = arith.constant 0 : i32
    %dma_wait3A_226 = arith.constant 0 : i32
    %dma_wait3A_227 = tpu.memref_slice %arg9[%dma_wait3A_225, %dma_wait3A_226] : memref<40x125xi32, #tpu.memory_space<vmem>> -> memref<1x125xi32, #tpu.memory_space<vmem>>
    %dma_wait3A_228 = tpu.memref_squeeze %dma_wait3A_227 : memref<1x125xi32, #tpu.memory_space<vmem>> -> memref<125xi32, #tpu.memory_space<vmem>>
    %dma_wait3A_229 = arith.constant 0 : i32
    %dma_wait3A_230 = arith.constant 0 : i32
    %dma_wait3A_231 = tpu.memref_slice %arg3[%dma_wait3A_229, %dma_wait3A_230] : memref<10240x128xf32, #tpu.memory_space<hbm>> -> memref<10240x128xf32, #tpu.memory_space<hbm>>
    tpu.wait_indirect_dma semaphore(%arg14 : memref<!tpu.dma_semaphore, #tpu.memory_space<semaphore_mem>>) src(%dma_wait3A_231 : memref<10240x128xf32, #tpu.memory_space<hbm>>) dst(%arg11 : memref<125x128xf32, #tpu.memory_space<vmem>>)
    %dma_start3A_232 = arith.constant 0 : i32
    %dma_start3A_233 = arith.constant 0 : i32
    %dma_start3A_234 = tpu.memref_slice %arg10[%dma_start3A_232, %dma_start3A_233] : memref<40x125xi32, #tpu.memory_space<vmem>> -> memref<1x125xi32, #tpu.memory_space<vmem>>
    %dma_start3A_235 = tpu.memref_squeeze %dma_start3A_234 : memref<1x125xi32, #tpu.memory_space<vmem>> -> memref<125xi32, #tpu.memory_space<vmem>>
    %dma_start3A_236 = arith.constant 0 : i32
    %dma_start3A_237 = arith.constant 0 : i32
    %dma_start3A_238 = tpu.memref_slice %arg13[%dma_start3A_236, %dma_start3A_237] : memref<10240x128xf32, #tpu.memory_space<vmem_shared>> -> memref<10240x128xf32, #tpu.memory_space<vmem_shared>>
    tpu.enqueue_indirect_dma source(%arg11 : memref<125x128xf32, #tpu.memory_space<vmem>>) target(%dma_start3A_238 : memref<10240x128xf32, #tpu.memory_space<vmem_shared>>) offsets(%dma_start3A_235 : memref<125xi32, #tpu.memory_space<vmem>>) semaphore(%arg16 : memref<!tpu.dma_semaphore, #tpu.memory_space<semaphore_mem>>) {add = true}
    %dma_start3A_239 = arith.constant 1 : i32
    %dma_start3A_240 = arith.constant 0 : i32
    %dma_start3A_241 = tpu.memref_slice %arg9[%dma_start3A_239, %dma_start3A_240] : memref<40x125xi32, #tpu.memory_space<vmem>> -> memref<1x125xi32, #tpu.memory_space<vmem>>
    %dma_start3A_242 = tpu.memref_squeeze %dma_start3A_241 : memref<1x125xi32, #tpu.memory_space<vmem>> -> memref<125xi32, #tpu.memory_space<vmem>>
    %dma_start3A_243 = arith.constant 0 : i32
    %dma_start3A_244 = arith.constant 0 : i32
    %dma_start3A_245 = tpu.memref_slice %arg3[%dma_start3A_243, %dma_start3A_244] : memref<10240x128xf32, #tpu.memory_space<hbm>> -> memref<10240x128xf32, #tpu.memory_space<hbm>>
    tpu.enqueue_indirect_dma source(%dma_start3A_245 : memref<10240x128xf32, #tpu.memory_space<hbm>>) target(%arg12 : memref<125x128xf32, #tpu.memory_space<vmem>>) offsets(%dma_start3A_242 : memref<125xi32, #tpu.memory_space<vmem>>) semaphore(%arg15 : memref<!tpu.dma_semaphore, #tpu.memory_space<semaphore_mem>>)
    %scan3A_246 = arith.constant 0 : i32
    %scan3A_247 = arith.constant 0 : i32
    %scan3A_248 = arith.constant 19 : i32
    %scan3A_249 = arith.addi %scan3A_247, %scan3A_248 : i32
    %scan3A_250 = arith.constant 1 : i32
    scf.for %scan3A_427 = %scan3A_247 to %scan3A_249 step %scan3A_250  : i32 {
      %mul3A_428 = arith.constant 2 : i32
      %mul3A_429 = arith.muli %mul3A_428, %scan3A_427 : i32
      %add3A_430 = arith.constant 1 : i32
      %add3A_431 = arith.addi %mul3A_429, %add3A_430 : i32
      %dma_wait3A_432 = arith.constant 0 : i32
      %dma_wait3A_433 = arith.constant 0 : i32
      %dma_wait3A_434 = tpu.memref_slice %arg9[%dma_wait3A_432, %dma_wait3A_433] : memref<40x125xi32, #tpu.memory_space<vmem>> -> memref<1x125xi32, #tpu.memory_space<vmem>>
      %dma_wait3A_435 = tpu.memref_squeeze %dma_wait3A_434 : memref<1x125xi32, #tpu.memory_space<vmem>> -> memref<125xi32, #tpu.memory_space<vmem>>
      %dma_wait3A_436 = arith.constant 0 : i32
      %dma_wait3A_437 = arith.constant 0 : i32
      %dma_wait3A_438 = tpu.memref_slice %arg3[%dma_wait3A_436, %dma_wait3A_437] : memref<10240x128xf32, #tpu.memory_space<hbm>> -> memref<10240x128xf32, #tpu.memory_space<hbm>>
      tpu.wait_indirect_dma semaphore(%arg15 : memref<!tpu.dma_semaphore, #tpu.memory_space<semaphore_mem>>) src(%dma_wait3A_438 : memref<10240x128xf32, #tpu.memory_space<hbm>>) dst(%arg12 : memref<125x128xf32, #tpu.memory_space<vmem>>)
      %dma_start3A_439 = arith.constant 0 : i32
      %dma_start3A_440 = tpu.memref_slice %arg10[%add3A_431, %dma_start3A_439] : memref<40x125xi32, #tpu.memory_space<vmem>> -> memref<1x125xi32, #tpu.memory_space<vmem>>
      %dma_start3A_441 = tpu.memref_squeeze %dma_start3A_440 : memref<1x125xi32, #tpu.memory_space<vmem>> -> memref<125xi32, #tpu.memory_space<vmem>>
      %dma_start3A_442 = arith.constant 0 : i32
      %dma_start3A_443 = arith.constant 0 : i32
      %dma_start3A_444 = tpu.memref_slice %arg13[%dma_start3A_442, %dma_start3A_443] : memref<10240x128xf32, #tpu.memory_space<vmem_shared>> -> memref<10240x128xf32, #tpu.memory_space<vmem_shared>>
      tpu.enqueue_indirect_dma source(%arg12 : memref<125x128xf32, #tpu.memory_space<vmem>>) target(%dma_start3A_444 : memref<10240x128xf32, #tpu.memory_space<vmem_shared>>) offsets(%dma_start3A_441 : memref<125xi32, #tpu.memory_space<vmem>>) semaphore(%arg17 : memref<!tpu.dma_semaphore, #tpu.memory_space<semaphore_mem>>) {add = true}
      %dma_wait3A_445 = arith.constant 0 : i32
      %dma_wait3A_446 = arith.constant 0 : i32
      %dma_wait3A_447 = tpu.memref_slice %arg10[%dma_wait3A_445, %dma_wait3A_446] : memref<40x125xi32, #tpu.memory_space<vmem>> -> memref<1x125xi32, #tpu.memory_space<vmem>>
      %dma_wait3A_448 = tpu.memref_squeeze %dma_wait3A_447 : memref<1x125xi32, #tpu.memory_space<vmem>> -> memref<125xi32, #tpu.memory_space<vmem>>
      %dma_wait3A_449 = arith.constant 0 : i32
      %dma_wait3A_450 = arith.constant 0 : i32
      %dma_wait3A_451 = tpu.memref_slice %arg13[%dma_wait3A_449, %dma_wait3A_450] : memref<10240x128xf32, #tpu.memory_space<vmem_shared>> -> memref<10240x128xf32, #tpu.memory_space<vmem_shared>>
      tpu.wait_indirect_dma semaphore(%arg16 : memref<!tpu.dma_semaphore, #tpu.memory_space<semaphore_mem>>) src(%arg11 : memref<125x128xf32, #tpu.memory_space<vmem>>) dst(%dma_wait3A_451 : memref<10240x128xf32, #tpu.memory_space<vmem_shared>>)
      %add3A_452 = arith.constant 1 : i32
      %add3A_453 = arith.addi %add3A_431, %add3A_452 : i32
      %dma_start3A_454 = arith.constant 0 : i32
      %dma_start3A_455 = tpu.memref_slice %arg9[%add3A_453, %dma_start3A_454] : memref<40x125xi32, #tpu.memory_space<vmem>> -> memref<1x125xi32, #tpu.memory_space<vmem>>
      %dma_start3A_456 = tpu.memref_squeeze %dma_start3A_455 : memref<1x125xi32, #tpu.memory_space<vmem>> -> memref<125xi32, #tpu.memory_space<vmem>>
      %dma_start3A_457 = arith.constant 0 : i32
      %dma_start3A_458 = arith.constant 0 : i32
      %dma_start3A_459 = tpu.memref_slice %arg3[%dma_start3A_457, %dma_start3A_458] : memref<10240x128xf32, #tpu.memory_space<hbm>> -> memref<10240x128xf32, #tpu.memory_space<hbm>>
      tpu.enqueue_indirect_dma source(%dma_start3A_459 : memref<10240x128xf32, #tpu.memory_space<hbm>>) target(%arg11 : memref<125x128xf32, #tpu.memory_space<vmem>>) offsets(%dma_start3A_456 : memref<125xi32, #tpu.memory_space<vmem>>) semaphore(%arg14 : memref<!tpu.dma_semaphore, #tpu.memory_space<semaphore_mem>>)
      %mul3A_460 = arith.constant 2 : i32
      %mul3A_461 = arith.muli %mul3A_460, %scan3A_427 : i32
      %add3A_462 = arith.constant 2 : i32
      %add3A_463 = arith.addi %mul3A_461, %add3A_462 : i32
      %dma_wait3A_464 = arith.constant 0 : i32
      %dma_wait3A_465 = arith.constant 0 : i32
      %dma_wait3A_466 = tpu.memref_slice %arg9[%dma_wait3A_464, %dma_wait3A_465] : memref<40x125xi32, #tpu.memory_space<vmem>> -> memref<1x125xi32, #tpu.memory_space<vmem>>
      %dma_wait3A_467 = tpu.memref_squeeze %dma_wait3A_466 : memref<1x125xi32, #tpu.memory_space<vmem>> -> memref<125xi32, #tpu.memory_space<vmem>>
      %dma_wait3A_468 = arith.constant 0 : i32
      %dma_wait3A_469 = arith.constant 0 : i32
      %dma_wait3A_470 = tpu.memref_slice %arg3[%dma_wait3A_468, %dma_wait3A_469] : memref<10240x128xf32, #tpu.memory_space<hbm>> -> memref<10240x128xf32, #tpu.memory_space<hbm>>
      tpu.wait_indirect_dma semaphore(%arg14 : memref<!tpu.dma_semaphore, #tpu.memory_space<semaphore_mem>>) src(%dma_wait3A_470 : memref<10240x128xf32, #tpu.memory_space<hbm>>) dst(%arg11 : memref<125x128xf32, #tpu.memory_space<vmem>>)
      %dma_start3A_471 = arith.constant 0 : i32
      %dma_start3A_472 = tpu.memref_slice %arg10[%add3A_463, %dma_start3A_471] : memref<40x125xi32, #tpu.memory_space<vmem>> -> memref<1x125xi32, #tpu.memory_space<vmem>>
      %dma_start3A_473 = tpu.memref_squeeze %dma_start3A_472 : memref<1x125xi32, #tpu.memory_space<vmem>> -> memref<125xi32, #tpu.memory_space<vmem>>
      %dma_start3A_474 = arith.constant 0 : i32
      %dma_start3A_475 = arith.constant 0 : i32
      %dma_start3A_476 = tpu.memref_slice %arg13[%dma_start3A_474, %dma_start3A_475] : memref<10240x128xf32, #tpu.memory_space<vmem_shared>> -> memref<10240x128xf32, #tpu.memory_space<vmem_shared>>
      tpu.enqueue_indirect_dma source(%arg11 : memref<125x128xf32, #tpu.memory_space<vmem>>) target(%dma_start3A_476 : memref<10240x128xf32, #tpu.memory_space<vmem_shared>>) offsets(%dma_start3A_473 : memref<125xi32, #tpu.memory_space<vmem>>) semaphore(%arg16 : memref<!tpu.dma_semaphore, #tpu.memory_space<semaphore_mem>>) {add = true}
      %dma_wait3A_477 = arith.constant 0 : i32
      %dma_wait3A_478 = arith.constant 0 : i32
      %dma_wait3A_479 = tpu.memref_slice %arg10[%dma_wait3A_477, %dma_wait3A_478] : memref<40x125xi32, #tpu.memory_space<vmem>> -> memref<1x125xi32, #tpu.memory_space<vmem>>
      %dma_wait3A_480 = tpu.memref_squeeze %dma_wait3A_479 : memref<1x125xi32, #tpu.memory_space<vmem>> -> memref<125xi32, #tpu.memory_space<vmem>>
      %dma_wait3A_481 = arith.constant 0 : i32
      %dma_wait3A_482 = arith.constant 0 : i32
      %dma_wait3A_483 = tpu.memref_slice %arg13[%dma_wait3A_481, %dma_wait3A_482] : memref<10240x128xf32, #tpu.memory_space<vmem_shared>> -> memref<10240x128xf32, #tpu.memory_space<vmem_shared>>
      tpu.wait_indirect_dma semaphore(%arg17 : memref<!tpu.dma_semaphore, #tpu.memory_space<semaphore_mem>>) src(%arg12 : memref<125x128xf32, #tpu.memory_space<vmem>>) dst(%dma_wait3A_483 : memref<10240x128xf32, #tpu.memory_space<vmem_shared>>)
      %add3A_484 = arith.constant 1 : i32
      %add3A_485 = arith.addi %add3A_463, %add3A_484 : i32
      %dma_start3A_486 = arith.constant 0 : i32
      %dma_start3A_487 = tpu.memref_slice %arg9[%add3A_485, %dma_start3A_486] : memref<40x125xi32, #tpu.memory_space<vmem>> -> memref<1x125xi32, #tpu.memory_space<vmem>>
      %dma_start3A_488 = tpu.memref_squeeze %dma_start3A_487 : memref<1x125xi32, #tpu.memory_space<vmem>> -> memref<125xi32, #tpu.memory_space<vmem>>
      %dma_start3A_489 = arith.constant 0 : i32
      %dma_start3A_490 = arith.constant 0 : i32
      %dma_start3A_491 = tpu.memref_slice %arg3[%dma_start3A_489, %dma_start3A_490] : memref<10240x128xf32, #tpu.memory_space<hbm>> -> memref<10240x128xf32, #tpu.memory_space<hbm>>
      tpu.enqueue_indirect_dma source(%dma_start3A_491 : memref<10240x128xf32, #tpu.memory_space<hbm>>) target(%arg12 : memref<125x128xf32, #tpu.memory_space<vmem>>) offsets(%dma_start3A_488 : memref<125xi32, #tpu.memory_space<vmem>>) semaphore(%arg15 : memref<!tpu.dma_semaphore, #tpu.memory_space<semaphore_mem>>)
    }
    %scan3A_251 = arith.constant 19 : i32
    %dma_wait3A_252 = arith.constant 0 : i32
    %dma_wait3A_253 = arith.constant 0 : i32
    %dma_wait3A_254 = tpu.memref_slice %arg9[%dma_wait3A_252, %dma_wait3A_253] : memref<40x125xi32, #tpu.memory_space<vmem>> -> memref<1x125xi32, #tpu.memory_space<vmem>>
    %dma_wait3A_255 = tpu.memref_squeeze %dma_wait3A_254 : memref<1x125xi32, #tpu.memory_space<vmem>> -> memref<125xi32, #tpu.memory_space<vmem>>
    %dma_wait3A_256 = arith.constant 0 : i32
    %dma_wait3A_257 = arith.constant 0 : i32
    %dma_wait3A_258 = tpu.memref_slice %arg3[%dma_wait3A_256, %dma_wait3A_257] : memref<10240x128xf32, #tpu.memory_space<hbm>> -> memref<10240x128xf32, #tpu.memory_space<hbm>>
    tpu.wait_indirect_dma semaphore(%arg15 : memref<!tpu.dma_semaphore, #tpu.memory_space<semaphore_mem>>) src(%dma_wait3A_258 : memref<10240x128xf32, #tpu.memory_space<hbm>>) dst(%arg12 : memref<125x128xf32, #tpu.memory_space<vmem>>)
    %dma_start3A_259 = arith.constant 39 : i32
    %dma_start3A_260 = arith.constant 0 : i32
    %dma_start3A_261 = tpu.memref_slice %arg10[%dma_start3A_259, %dma_start3A_260] : memref<40x125xi32, #tpu.memory_space<vmem>> -> memref<1x125xi32, #tpu.memory_space<vmem>>
    %dma_start3A_262 = tpu.memref_squeeze %dma_start3A_261 : memref<1x125xi32, #tpu.memory_space<vmem>> -> memref<125xi32, #tpu.memory_space<vmem>>
    %dma_start3A_263 = arith.constant 0 : i32
    %dma_start3A_264 = arith.constant 0 : i32
    %dma_start3A_265 = tpu.memref_slice %arg13[%dma_start3A_263, %dma_start3A_264] : memref<10240x128xf32, #tpu.memory_space<vmem_shared>> -> memref<10240x128xf32, #tpu.memory_space<vmem_shared>>
    tpu.enqueue_indirect_dma source(%arg12 : memref<125x128xf32, #tpu.memory_space<vmem>>) target(%dma_start3A_265 : memref<10240x128xf32, #tpu.memory_space<vmem_shared>>) offsets(%dma_start3A_262 : memref<125xi32, #tpu.memory_space<vmem>>) semaphore(%arg17 : memref<!tpu.dma_semaphore, #tpu.memory_space<semaphore_mem>>) {add = true}
    %dma_wait3A_266 = arith.constant 0 : i32
    %dma_wait3A_267 = arith.constant 0 : i32
    %dma_wait3A_268 = tpu.memref_slice %arg10[%dma_wait3A_266, %dma_wait3A_267] : memref<40x125xi32, #tpu.memory_space<vmem>> -> memref<1x125xi32, #tpu.memory_space<vmem>>
    %dma_wait3A_269 = tpu.memref_squeeze %dma_wait3A_268 : memref<1x125xi32, #tpu.memory_space<vmem>> -> memref<125xi32, #tpu.memory_space<vmem>>
    %dma_wait3A_270 = arith.constant 0 : i32
    %dma_wait3A_271 = arith.constant 0 : i32
    %dma_wait3A_272 = tpu.memref_slice %arg13[%dma_wait3A_270, %dma_wait3A_271] : memref<10240x128xf32, #tpu.memory_space<vmem_shared>> -> memref<10240x128xf32, #tpu.memory_space<vmem_shared>>
    tpu.wait_indirect_dma semaphore(%arg16 : memref<!tpu.dma_semaphore, #tpu.memory_space<semaphore_mem>>) src(%arg11 : memref<125x128xf32, #tpu.memory_space<vmem>>) dst(%dma_wait3A_272 : memref<10240x128xf32, #tpu.memory_space<vmem_shared>>)
    %dma_wait3A_273 = arith.constant 0 : i32
    %dma_wait3A_274 = arith.constant 0 : i32
    %dma_wait3A_275 = tpu.memref_slice %arg10[%dma_wait3A_273, %dma_wait3A_274] : memref<40x125xi32, #tpu.memory_space<vmem>> -> memref<1x125xi32, #tpu.memory_space<vmem>>
    %dma_wait3A_276 = tpu.memref_squeeze %dma_wait3A_275 : memref<1x125xi32, #tpu.memory_space<vmem>> -> memref<125xi32, #tpu.memory_space<vmem>>
    %dma_wait3A_277 = arith.constant 0 : i32
    %dma_wait3A_278 = arith.constant 0 : i32
    %dma_wait3A_279 = tpu.memref_slice %arg13[%dma_wait3A_277, %dma_wait3A_278] : memref<10240x128xf32, #tpu.memory_space<vmem_shared>> -> memref<10240x128xf32, #tpu.memory_space<vmem_shared>>
    tpu.wait_indirect_dma semaphore(%arg17 : memref<!tpu.dma_semaphore, #tpu.memory_space<semaphore_mem>>) src(%arg12 : memref<125x128xf32, #tpu.memory_space<vmem>>) dst(%dma_wait3A_279 : memref<10240x128xf32, #tpu.memory_space<vmem_shared>>)
    %barrier3A_280 = arith.constant 0 : index
    tpu.barrier barrier_id(%barrier3A_280)
    %run_scoped3A_281 = arith.constant 1 : i32
    "tpu.region"() ({
      %run_scoped3A_427 = tpu.sem_alloc : memref<!tpu.dma_semaphore, #tpu.memory_space<semaphore_mem>>
      %dma_start3A_428 = arith.constant 0 : i32
      %dma_start3A_429 = tpu.memref_slice %arg8[%arg0, %run_scoped3A_281, %mul3A_0, %dma_start3A_428] : memref<2x3x10240x128xf32, #tpu.memory_space<hbm>> -> memref<1x1x640x128xf32, #tpu.memory_space<hbm>>
      %dma_start3A_430 = tpu.memref_squeeze %dma_start3A_429 : memref<1x1x640x128xf32, #tpu.memory_space<hbm>> -> memref<640x128xf32, #tpu.memory_space<hbm>>
      %dma_start3A_431 = arith.constant 0 : i32
      %dma_start3A_432 = tpu.memref_slice %arg13[%mul3A_0, %dma_start3A_431] : memref<10240x128xf32, #tpu.memory_space<vmem_shared>> -> memref<640x128xf32, #tpu.memory_space<vmem_shared>>
      tpu.enqueue_dma source(%dma_start3A_432 : memref<640x128xf32, #tpu.memory_space<vmem_shared>>) target(%dma_start3A_430 : memref<640x128xf32, #tpu.memory_space<hbm>>) target_semaphore(%run_scoped3A_427 : memref<!tpu.dma_semaphore, #tpu.memory_space<semaphore_mem>>)
      %dma_wait3A_433 = arith.constant 0 : i32
      %dma_wait3A_434 = tpu.memref_slice %arg8[%arg0, %run_scoped3A_281, %mul3A_0, %dma_wait3A_433] : memref<2x3x10240x128xf32, #tpu.memory_space<hbm>> -> memref<1x1x640x128xf32, #tpu.memory_space<hbm>>
      %dma_wait3A_435 = tpu.memref_squeeze %dma_wait3A_434 : memref<1x1x640x128xf32, #tpu.memory_space<hbm>> -> memref<640x128xf32, #tpu.memory_space<hbm>>
      %dma_wait3A_436 = arith.constant 0 : i32
      %dma_wait3A_437 = tpu.memref_slice %arg13[%mul3A_0, %dma_wait3A_436] : memref<10240x128xf32, #tpu.memory_space<vmem_shared>> -> memref<640x128xf32, #tpu.memory_space<vmem_shared>>
      tpu.wait_dma2 semaphore(%run_scoped3A_427 : memref<!tpu.dma_semaphore, #tpu.memory_space<semaphore_mem>>) src(%dma_wait3A_437 : memref<640x128xf32, #tpu.memory_space<vmem_shared>>) dst(%dma_wait3A_435 : memref<640x128xf32, #tpu.memory_space<hbm>>)
      tpu.yield
    }) : () -> ()
    %barrier3A_282 = arith.constant 0 : index
    tpu.barrier barrier_id(%barrier3A_282)
    "tpu.region"() ({
      %run_scoped3A_427 = tpu.sem_alloc : memref<!tpu.dma_semaphore, #tpu.memory_space<semaphore_mem>>
      tpu.enqueue_dma source(%arg7 : memref<125x128xf32, #tpu.memory_space<hbm>>) target(%arg11 : memref<125x128xf32, #tpu.memory_space<vmem>>) target_semaphore(%run_scoped3A_427 : memref<!tpu.dma_semaphore, #tpu.memory_space<semaphore_mem>>)
      tpu.wait_dma2 semaphore(%run_scoped3A_427 : memref<!tpu.dma_semaphore, #tpu.memory_space<semaphore_mem>>) src(%arg7 : memref<125x128xf32, #tpu.memory_space<hbm>>) dst(%arg11 : memref<125x128xf32, #tpu.memory_space<vmem>>)
      tpu.yield
    }) : () -> ()
    %add3A_283 = arith.constant 0 : i32
    %add3A_284 = arith.addi %mul3A_0, %add3A_283 : i32
    "tpu.region"() ({
      %run_scoped3A_427 = tpu.sem_alloc : memref<!tpu.dma_semaphore, #tpu.memory_space<semaphore_mem>>
      %dma_start3A_428 = arith.constant 0 : i32
      %dma_start3A_429 = tpu.memref_slice %arg13[%add3A_284, %dma_start3A_428] : memref<10240x128xf32, #tpu.memory_space<vmem_shared>> -> memref<125x128xf32, #tpu.memory_space<vmem_shared>>
      %dma_start3A_430 = arith.constant 0 : i32
      %dma_start3A_431 = tpu.memref_slice %arg13[%add3A_284, %dma_start3A_430] : memref<10240x128xf32, #tpu.memory_space<vmem_shared>> -> memref<125x128xf32, #tpu.memory_space<vmem_shared>>
      tpu.enqueue_dma source(%arg11 : memref<125x128xf32, #tpu.memory_space<vmem>>) target(%dma_start3A_431 : memref<125x128xf32, #tpu.memory_space<vmem_shared>>) target_semaphore(%run_scoped3A_427 : memref<!tpu.dma_semaphore, #tpu.memory_space<semaphore_mem>>)
      %dma_wait3A_432 = arith.constant 0 : i32
      %dma_wait3A_433 = tpu.memref_slice %arg13[%add3A_284, %dma_wait3A_432] : memref<10240x128xf32, #tpu.memory_space<vmem_shared>> -> memref<125x128xf32, #tpu.memory_space<vmem_shared>>
      %dma_wait3A_434 = arith.constant 0 : i32
      %dma_wait3A_435 = tpu.memref_slice %arg13[%add3A_284, %dma_wait3A_434] : memref<10240x128xf32, #tpu.memory_space<vmem_shared>> -> memref<125x128xf32, #tpu.memory_space<vmem_shared>>
      tpu.wait_dma2 semaphore(%run_scoped3A_427 : memref<!tpu.dma_semaphore, #tpu.memory_space<semaphore_mem>>) src(%arg11 : memref<125x128xf32, #tpu.memory_space<vmem>>) dst(%dma_wait3A_435 : memref<125x128xf32, #tpu.memory_space<vmem_shared>>)
      tpu.yield
    }) : () -> ()
    %add3A_285 = arith.constant 125 : i32
    %add3A_286 = arith.addi %mul3A_0, %add3A_285 : i32
    "tpu.region"() ({
      %run_scoped3A_427 = tpu.sem_alloc : memref<!tpu.dma_semaphore, #tpu.memory_space<semaphore_mem>>
      %dma_start3A_428 = arith.constant 0 : i32
      %dma_start3A_429 = tpu.memref_slice %arg13[%add3A_286, %dma_start3A_428] : memref<10240x128xf32, #tpu.memory_space<vmem_shared>> -> memref<125x128xf32, #tpu.memory_space<vmem_shared>>
      %dma_start3A_430 = arith.constant 0 : i32
      %dma_start3A_431 = tpu.memref_slice %arg13[%add3A_286, %dma_start3A_430] : memref<10240x128xf32, #tpu.memory_space<vmem_shared>> -> memref<125x128xf32, #tpu.memory_space<vmem_shared>>
      tpu.enqueue_dma source(%arg11 : memref<125x128xf32, #tpu.memory_space<vmem>>) target(%dma_start3A_431 : memref<125x128xf32, #tpu.memory_space<vmem_shared>>) target_semaphore(%run_scoped3A_427 : memref<!tpu.dma_semaphore, #tpu.memory_space<semaphore_mem>>)
      %dma_wait3A_432 = arith.constant 0 : i32
      %dma_wait3A_433 = tpu.memref_slice %arg13[%add3A_286, %dma_wait3A_432] : memref<10240x128xf32, #tpu.memory_space<vmem_shared>> -> memref<125x128xf32, #tpu.memory_space<vmem_shared>>
      %dma_wait3A_434 = arith.constant 0 : i32
      %dma_wait3A_435 = tpu.memref_slice %arg13[%add3A_286, %dma_wait3A_434] : memref<10240x128xf32, #tpu.memory_space<vmem_shared>> -> memref<125x128xf32, #tpu.memory_space<vmem_shared>>
      tpu.wait_dma2 semaphore(%run_scoped3A_427 : memref<!tpu.dma_semaphore, #tpu.memory_space<semaphore_mem>>) src(%arg11 : memref<125x128xf32, #tpu.memory_space<vmem>>) dst(%dma_wait3A_435 : memref<125x128xf32, #tpu.memory_space<vmem_shared>>)
      tpu.yield
    }) : () -> ()
    %add3A_287 = arith.constant 250 : i32
    %add3A_288 = arith.addi %mul3A_0, %add3A_287 : i32
    "tpu.region"() ({
      %run_scoped3A_427 = tpu.sem_alloc : memref<!tpu.dma_semaphore, #tpu.memory_space<semaphore_mem>>
      %dma_start3A_428 = arith.constant 0 : i32
      %dma_start3A_429 = tpu.memref_slice %arg13[%add3A_288, %dma_start3A_428] : memref<10240x128xf32, #tpu.memory_space<vmem_shared>> -> memref<125x128xf32, #tpu.memory_space<vmem_shared>>
      %dma_start3A_430 = arith.constant 0 : i32
      %dma_start3A_431 = tpu.memref_slice %arg13[%add3A_288, %dma_start3A_430] : memref<10240x128xf32, #tpu.memory_space<vmem_shared>> -> memref<125x128xf32, #tpu.memory_space<vmem_shared>>
      tpu.enqueue_dma source(%arg11 : memref<125x128xf32, #tpu.memory_space<vmem>>) target(%dma_start3A_431 : memref<125x128xf32, #tpu.memory_space<vmem_shared>>) target_semaphore(%run_scoped3A_427 : memref<!tpu.dma_semaphore, #tpu.memory_space<semaphore_mem>>)
      %dma_wait3A_432 = arith.constant 0 : i32
      %dma_wait3A_433 = tpu.memref_slice %arg13[%add3A_288, %dma_wait3A_432] : memref<10240x128xf32, #tpu.memory_space<vmem_shared>> -> memref<125x128xf32, #tpu.memory_space<vmem_shared>>
      %dma_wait3A_434 = arith.constant 0 : i32
      %dma_wait3A_435 = tpu.memref_slice %arg13[%add3A_288, %dma_wait3A_434] : memref<10240x128xf32, #tpu.memory_space<vmem_shared>> -> memref<125x128xf32, #tpu.memory_space<vmem_shared>>
      tpu.wait_dma2 semaphore(%run_scoped3A_427 : memref<!tpu.dma_semaphore, #tpu.memory_space<semaphore_mem>>) src(%arg11 : memref<125x128xf32, #tpu.memory_space<vmem>>) dst(%dma_wait3A_435 : memref<125x128xf32, #tpu.memory_space<vmem_shared>>)
      tpu.yield
    }) : () -> ()
    %add3A_289 = arith.constant 375 : i32
    %add3A_290 = arith.addi %mul3A_0, %add3A_289 : i32
    "tpu.region"() ({
      %run_scoped3A_427 = tpu.sem_alloc : memref<!tpu.dma_semaphore, #tpu.memory_space<semaphore_mem>>
      %dma_start3A_428 = arith.constant 0 : i32
      %dma_start3A_429 = tpu.memref_slice %arg13[%add3A_290, %dma_start3A_428] : memref<10240x128xf32, #tpu.memory_space<vmem_shared>> -> memref<125x128xf32, #tpu.memory_space<vmem_shared>>
      %dma_start3A_430 = arith.constant 0 : i32
      %dma_start3A_431 = tpu.memref_slice %arg13[%add3A_290, %dma_start3A_430] : memref<10240x128xf32, #tpu.memory_space<vmem_shared>> -> memref<125x128xf32, #tpu.memory_space<vmem_shared>>
      tpu.enqueue_dma source(%arg11 : memref<125x128xf32, #tpu.memory_space<vmem>>) target(%dma_start3A_431 : memref<125x128xf32, #tpu.memory_space<vmem_shared>>) target_semaphore(%run_scoped3A_427 : memref<!tpu.dma_semaphore, #tpu.memory_space<semaphore_mem>>)
      %dma_wait3A_432 = arith.constant 0 : i32
      %dma_wait3A_433 = tpu.memref_slice %arg13[%add3A_290, %dma_wait3A_432] : memref<10240x128xf32, #tpu.memory_space<vmem_shared>> -> memref<125x128xf32, #tpu.memory_space<vmem_shared>>
      %dma_wait3A_434 = arith.constant 0 : i32
      %dma_wait3A_435 = tpu.memref_slice %arg13[%add3A_290, %dma_wait3A_434] : memref<10240x128xf32, #tpu.memory_space<vmem_shared>> -> memref<125x128xf32, #tpu.memory_space<vmem_shared>>
      tpu.wait_dma2 semaphore(%run_scoped3A_427 : memref<!tpu.dma_semaphore, #tpu.memory_space<semaphore_mem>>) src(%arg11 : memref<125x128xf32, #tpu.memory_space<vmem>>) dst(%dma_wait3A_435 : memref<125x128xf32, #tpu.memory_space<vmem_shared>>)
      tpu.yield
    }) : () -> ()
    %add3A_291 = arith.constant 500 : i32
    %add3A_292 = arith.addi %mul3A_0, %add3A_291 : i32
    "tpu.region"() ({
      %run_scoped3A_427 = tpu.sem_alloc : memref<!tpu.dma_semaphore, #tpu.memory_space<semaphore_mem>>
      %dma_start3A_428 = arith.constant 0 : i32
      %dma_start3A_429 = tpu.memref_slice %arg13[%add3A_292, %dma_start3A_428] : memref<10240x128xf32, #tpu.memory_space<vmem_shared>> -> memref<125x128xf32, #tpu.memory_space<vmem_shared>>
      %dma_start3A_430 = arith.constant 0 : i32
      %dma_start3A_431 = tpu.memref_slice %arg13[%add3A_292, %dma_start3A_430] : memref<10240x128xf32, #tpu.memory_space<vmem_shared>> -> memref<125x128xf32, #tpu.memory_space<vmem_shared>>
      tpu.enqueue_dma source(%arg11 : memref<125x128xf32, #tpu.memory_space<vmem>>) target(%dma_start3A_431 : memref<125x128xf32, #tpu.memory_space<vmem_shared>>) target_semaphore(%run_scoped3A_427 : memref<!tpu.dma_semaphore, #tpu.memory_space<semaphore_mem>>)
      %dma_wait3A_432 = arith.constant 0 : i32
      %dma_wait3A_433 = tpu.memref_slice %arg13[%add3A_292, %dma_wait3A_432] : memref<10240x128xf32, #tpu.memory_space<vmem_shared>> -> memref<125x128xf32, #tpu.memory_space<vmem_shared>>
      %dma_wait3A_434 = arith.constant 0 : i32
      %dma_wait3A_435 = tpu.memref_slice %arg13[%add3A_292, %dma_wait3A_434] : memref<10240x128xf32, #tpu.memory_space<vmem_shared>> -> memref<125x128xf32, #tpu.memory_space<vmem_shared>>
      tpu.wait_dma2 semaphore(%run_scoped3A_427 : memref<!tpu.dma_semaphore, #tpu.memory_space<semaphore_mem>>) src(%arg11 : memref<125x128xf32, #tpu.memory_space<vmem>>) dst(%dma_wait3A_435 : memref<125x128xf32, #tpu.memory_space<vmem_shared>>)
      tpu.yield
    }) : () -> ()
    %add3A_293 = arith.constant 625 : i32
    %add3A_294 = arith.addi %mul3A_0, %add3A_293 : i32
    "tpu.region"() ({
      %run_scoped3A_427 = tpu.sem_alloc : memref<!tpu.dma_semaphore, #tpu.memory_space<semaphore_mem>>
      %dma_start3A_428 = arith.constant 0 : i32
      %dma_start3A_429 = arith.constant 0 : i32
      %dma_start3A_430 = tpu.memref_slice %arg11[%dma_start3A_428, %dma_start3A_429] : memref<125x128xf32, #tpu.memory_space<vmem>> -> memref<15x128xf32, #tpu.memory_space<vmem>>
      %dma_start3A_431 = arith.constant 0 : i32
      %dma_start3A_432 = tpu.memref_slice %arg13[%add3A_294, %dma_start3A_431] : memref<10240x128xf32, #tpu.memory_space<vmem_shared>> -> memref<15x128xf32, #tpu.memory_space<vmem_shared>>
      %dma_start3A_433 = arith.constant 0 : i32
      %dma_start3A_434 = tpu.memref_slice %arg13[%add3A_294, %dma_start3A_433] : memref<10240x128xf32, #tpu.memory_space<vmem_shared>> -> memref<15x128xf32, #tpu.memory_space<vmem_shared>>
      %dma_start3A_435 = arith.constant 0 : i32
      %dma_start3A_436 = arith.constant 0 : i32
      %dma_start3A_437 = tpu.memref_slice %arg11[%dma_start3A_435, %dma_start3A_436] : memref<125x128xf32, #tpu.memory_space<vmem>> -> memref<15x128xf32, #tpu.memory_space<vmem>>
      tpu.enqueue_dma source(%dma_start3A_437 : memref<15x128xf32, #tpu.memory_space<vmem>>) target(%dma_start3A_434 : memref<15x128xf32, #tpu.memory_space<vmem_shared>>) target_semaphore(%run_scoped3A_427 : memref<!tpu.dma_semaphore, #tpu.memory_space<semaphore_mem>>)
      %dma_wait3A_438 = arith.constant 0 : i32
      %dma_wait3A_439 = arith.constant 0 : i32
      %dma_wait3A_440 = tpu.memref_slice %arg11[%dma_wait3A_438, %dma_wait3A_439] : memref<125x128xf32, #tpu.memory_space<vmem>> -> memref<15x128xf32, #tpu.memory_space<vmem>>
      %dma_wait3A_441 = arith.constant 0 : i32
      %dma_wait3A_442 = tpu.memref_slice %arg13[%add3A_294, %dma_wait3A_441] : memref<10240x128xf32, #tpu.memory_space<vmem_shared>> -> memref<15x128xf32, #tpu.memory_space<vmem_shared>>
      %dma_wait3A_443 = arith.constant 0 : i32
      %dma_wait3A_444 = tpu.memref_slice %arg13[%add3A_294, %dma_wait3A_443] : memref<10240x128xf32, #tpu.memory_space<vmem_shared>> -> memref<15x128xf32, #tpu.memory_space<vmem_shared>>
      %dma_wait3A_445 = arith.constant 0 : i32
      %dma_wait3A_446 = arith.constant 0 : i32
      %dma_wait3A_447 = tpu.memref_slice %arg11[%dma_wait3A_445, %dma_wait3A_446] : memref<125x128xf32, #tpu.memory_space<vmem>> -> memref<15x128xf32, #tpu.memory_space<vmem>>
      tpu.wait_dma2 semaphore(%run_scoped3A_427 : memref<!tpu.dma_semaphore, #tpu.memory_space<semaphore_mem>>) src(%dma_wait3A_447 : memref<15x128xf32, #tpu.memory_space<vmem>>) dst(%dma_wait3A_444 : memref<15x128xf32, #tpu.memory_space<vmem_shared>>)
      tpu.yield
    }) : () -> ()
    %barrier3A_295 = arith.constant 0 : index
    tpu.barrier barrier_id(%barrier3A_295)
    %run_scoped3A_296 = arith.constant 2 : i32
    "tpu.region"() ({
      %run_scoped3A_427 = tpu.sem_alloc : memref<!tpu.dma_semaphore, #tpu.memory_space<semaphore_mem>>
      %dma_start3A_428 = arith.constant 0 : i32
      %dma_start3A_429 = arith.constant 0 : i32
      %dma_start3A_430 = tpu.memref_slice %arg5[%run_scoped3A_296, %arg0, %arg1, %dma_start3A_428, %dma_start3A_429] : memref<3x2x16x80x125xi32, #tpu.memory_space<hbm>> -> memref<1x1x1x40x125xi32, #tpu.memory_space<hbm>>
      %dma_start3A_431 = tpu.memref_squeeze %dma_start3A_430 : memref<1x1x1x40x125xi32, #tpu.memory_space<hbm>> -> memref<40x125xi32, #tpu.memory_space<hbm>>
      %dma_start3A_432 = arith.constant 0 : i32
      %dma_start3A_433 = arith.constant 0 : i32
      %dma_start3A_434 = tpu.memref_slice %arg5[%run_scoped3A_296, %arg0, %arg1, %dma_start3A_432, %dma_start3A_433] : memref<3x2x16x80x125xi32, #tpu.memory_space<hbm>> -> memref<1x1x1x40x125xi32, #tpu.memory_space<hbm>>
      %dma_start3A_435 = tpu.memref_squeeze %dma_start3A_434 : memref<1x1x1x40x125xi32, #tpu.memory_space<hbm>> -> memref<40x125xi32, #tpu.memory_space<hbm>>
      tpu.enqueue_dma source(%dma_start3A_435 : memref<40x125xi32, #tpu.memory_space<hbm>>) target(%arg9 : memref<40x125xi32, #tpu.memory_space<vmem>>) target_semaphore(%run_scoped3A_427 : memref<!tpu.dma_semaphore, #tpu.memory_space<semaphore_mem>>)
      %dma_wait3A_436 = arith.constant 0 : i32
      %dma_wait3A_437 = arith.constant 0 : i32
      %dma_wait3A_438 = tpu.memref_slice %arg5[%run_scoped3A_296, %arg0, %arg1, %dma_wait3A_436, %dma_wait3A_437] : memref<3x2x16x80x125xi32, #tpu.memory_space<hbm>> -> memref<1x1x1x40x125xi32, #tpu.memory_space<hbm>>
      %dma_wait3A_439 = tpu.memref_squeeze %dma_wait3A_438 : memref<1x1x1x40x125xi32, #tpu.memory_space<hbm>> -> memref<40x125xi32, #tpu.memory_space<hbm>>
      %dma_wait3A_440 = arith.constant 0 : i32
      %dma_wait3A_441 = arith.constant 0 : i32
      %dma_wait3A_442 = tpu.memref_slice %arg5[%run_scoped3A_296, %arg0, %arg1, %dma_wait3A_440, %dma_wait3A_441] : memref<3x2x16x80x125xi32, #tpu.memory_space<hbm>> -> memref<1x1x1x40x125xi32, #tpu.memory_space<hbm>>
      %dma_wait3A_443 = tpu.memref_squeeze %dma_wait3A_442 : memref<1x1x1x40x125xi32, #tpu.memory_space<hbm>> -> memref<40x125xi32, #tpu.memory_space<hbm>>
      tpu.wait_dma2 semaphore(%run_scoped3A_427 : memref<!tpu.dma_semaphore, #tpu.memory_space<semaphore_mem>>) src(%dma_wait3A_443 : memref<40x125xi32, #tpu.memory_space<hbm>>) dst(%arg9 : memref<40x125xi32, #tpu.memory_space<vmem>>)
      tpu.yield
    }) : () -> ()
    %run_scoped3A_297 = arith.constant 2 : i32
    "tpu.region"() ({
      %run_scoped3A_427 = tpu.sem_alloc : memref<!tpu.dma_semaphore, #tpu.memory_space<semaphore_mem>>
      %dma_start3A_428 = arith.constant 0 : i32
      %dma_start3A_429 = arith.constant 0 : i32
      %dma_start3A_430 = tpu.memref_slice %arg6[%run_scoped3A_297, %arg0, %arg1, %dma_start3A_428, %dma_start3A_429] : memref<3x2x16x80x125xi32, #tpu.memory_space<hbm>> -> memref<1x1x1x40x125xi32, #tpu.memory_space<hbm>>
      %dma_start3A_431 = tpu.memref_squeeze %dma_start3A_430 : memref<1x1x1x40x125xi32, #tpu.memory_space<hbm>> -> memref<40x125xi32, #tpu.memory_space<hbm>>
      %dma_start3A_432 = arith.constant 0 : i32
      %dma_start3A_433 = arith.constant 0 : i32
      %dma_start3A_434 = tpu.memref_slice %arg6[%run_scoped3A_297, %arg0, %arg1, %dma_start3A_432, %dma_start3A_433] : memref<3x2x16x80x125xi32, #tpu.memory_space<hbm>> -> memref<1x1x1x40x125xi32, #tpu.memory_space<hbm>>
      %dma_start3A_435 = tpu.memref_squeeze %dma_start3A_434 : memref<1x1x1x40x125xi32, #tpu.memory_space<hbm>> -> memref<40x125xi32, #tpu.memory_space<hbm>>
      tpu.enqueue_dma source(%dma_start3A_435 : memref<40x125xi32, #tpu.memory_space<hbm>>) target(%arg10 : memref<40x125xi32, #tpu.memory_space<vmem>>) target_semaphore(%run_scoped3A_427 : memref<!tpu.dma_semaphore, #tpu.memory_space<semaphore_mem>>)
      %dma_wait3A_436 = arith.constant 0 : i32
      %dma_wait3A_437 = arith.constant 0 : i32
      %dma_wait3A_438 = tpu.memref_slice %arg6[%run_scoped3A_297, %arg0, %arg1, %dma_wait3A_436, %dma_wait3A_437] : memref<3x2x16x80x125xi32, #tpu.memory_space<hbm>> -> memref<1x1x1x40x125xi32, #tpu.memory_space<hbm>>
      %dma_wait3A_439 = tpu.memref_squeeze %dma_wait3A_438 : memref<1x1x1x40x125xi32, #tpu.memory_space<hbm>> -> memref<40x125xi32, #tpu.memory_space<hbm>>
      %dma_wait3A_440 = arith.constant 0 : i32
      %dma_wait3A_441 = arith.constant 0 : i32
      %dma_wait3A_442 = tpu.memref_slice %arg6[%run_scoped3A_297, %arg0, %arg1, %dma_wait3A_440, %dma_wait3A_441] : memref<3x2x16x80x125xi32, #tpu.memory_space<hbm>> -> memref<1x1x1x40x125xi32, #tpu.memory_space<hbm>>
      %dma_wait3A_443 = tpu.memref_squeeze %dma_wait3A_442 : memref<1x1x1x40x125xi32, #tpu.memory_space<hbm>> -> memref<40x125xi32, #tpu.memory_space<hbm>>
      tpu.wait_dma2 semaphore(%run_scoped3A_427 : memref<!tpu.dma_semaphore, #tpu.memory_space<semaphore_mem>>) src(%dma_wait3A_443 : memref<40x125xi32, #tpu.memory_space<hbm>>) dst(%arg10 : memref<40x125xi32, #tpu.memory_space<vmem>>)
      tpu.yield
    }) : () -> ()
    %dma_start3A_298 = arith.constant 0 : i32
    %dma_start3A_299 = arith.constant 0 : i32
    %dma_start3A_300 = tpu.memref_slice %arg9[%dma_start3A_298, %dma_start3A_299] : memref<40x125xi32, #tpu.memory_space<vmem>> -> memref<1x125xi32, #tpu.memory_space<vmem>>
    %dma_start3A_301 = tpu.memref_squeeze %dma_start3A_300 : memref<1x125xi32, #tpu.memory_space<vmem>> -> memref<125xi32, #tpu.memory_space<vmem>>
    %dma_start3A_302 = arith.constant 0 : i32
    %dma_start3A_303 = arith.constant 0 : i32
    %dma_start3A_304 = tpu.memref_slice %arg4[%dma_start3A_302, %dma_start3A_303] : memref<10240x128xf32, #tpu.memory_space<hbm>> -> memref<10240x128xf32, #tpu.memory_space<hbm>>
    tpu.enqueue_indirect_dma source(%dma_start3A_304 : memref<10240x128xf32, #tpu.memory_space<hbm>>) target(%arg11 : memref<125x128xf32, #tpu.memory_space<vmem>>) offsets(%dma_start3A_301 : memref<125xi32, #tpu.memory_space<vmem>>) semaphore(%arg14 : memref<!tpu.dma_semaphore, #tpu.memory_space<semaphore_mem>>)
    %dma_wait3A_305 = arith.constant 0 : i32
    %dma_wait3A_306 = arith.constant 0 : i32
    %dma_wait3A_307 = tpu.memref_slice %arg9[%dma_wait3A_305, %dma_wait3A_306] : memref<40x125xi32, #tpu.memory_space<vmem>> -> memref<1x125xi32, #tpu.memory_space<vmem>>
    %dma_wait3A_308 = tpu.memref_squeeze %dma_wait3A_307 : memref<1x125xi32, #tpu.memory_space<vmem>> -> memref<125xi32, #tpu.memory_space<vmem>>
    %dma_wait3A_309 = arith.constant 0 : i32
    %dma_wait3A_310 = arith.constant 0 : i32
    %dma_wait3A_311 = tpu.memref_slice %arg4[%dma_wait3A_309, %dma_wait3A_310] : memref<10240x128xf32, #tpu.memory_space<hbm>> -> memref<10240x128xf32, #tpu.memory_space<hbm>>
    tpu.wait_indirect_dma semaphore(%arg14 : memref<!tpu.dma_semaphore, #tpu.memory_space<semaphore_mem>>) src(%dma_wait3A_311 : memref<10240x128xf32, #tpu.memory_space<hbm>>) dst(%arg11 : memref<125x128xf32, #tpu.memory_space<vmem>>)
    %dma_start3A_312 = arith.constant 0 : i32
    %dma_start3A_313 = arith.constant 0 : i32
    %dma_start3A_314 = tpu.memref_slice %arg10[%dma_start3A_312, %dma_start3A_313] : memref<40x125xi32, #tpu.memory_space<vmem>> -> memref<1x125xi32, #tpu.memory_space<vmem>>
    %dma_start3A_315 = tpu.memref_squeeze %dma_start3A_314 : memref<1x125xi32, #tpu.memory_space<vmem>> -> memref<125xi32, #tpu.memory_space<vmem>>
    %dma_start3A_316 = arith.constant 0 : i32
    %dma_start3A_317 = arith.constant 0 : i32
    %dma_start3A_318 = tpu.memref_slice %arg13[%dma_start3A_316, %dma_start3A_317] : memref<10240x128xf32, #tpu.memory_space<vmem_shared>> -> memref<10240x128xf32, #tpu.memory_space<vmem_shared>>
    tpu.enqueue_indirect_dma source(%arg11 : memref<125x128xf32, #tpu.memory_space<vmem>>) target(%dma_start3A_318 : memref<10240x128xf32, #tpu.memory_space<vmem_shared>>) offsets(%dma_start3A_315 : memref<125xi32, #tpu.memory_space<vmem>>) semaphore(%arg16 : memref<!tpu.dma_semaphore, #tpu.memory_space<semaphore_mem>>) {add = true}
    %dma_start3A_319 = arith.constant 1 : i32
    %dma_start3A_320 = arith.constant 0 : i32
    %dma_start3A_321 = tpu.memref_slice %arg9[%dma_start3A_319, %dma_start3A_320] : memref<40x125xi32, #tpu.memory_space<vmem>> -> memref<1x125xi32, #tpu.memory_space<vmem>>
    %dma_start3A_322 = tpu.memref_squeeze %dma_start3A_321 : memref<1x125xi32, #tpu.memory_space<vmem>> -> memref<125xi32, #tpu.memory_space<vmem>>
    %dma_start3A_323 = arith.constant 0 : i32
    %dma_start3A_324 = arith.constant 0 : i32
    %dma_start3A_325 = tpu.memref_slice %arg4[%dma_start3A_323, %dma_start3A_324] : memref<10240x128xf32, #tpu.memory_space<hbm>> -> memref<10240x128xf32, #tpu.memory_space<hbm>>
    tpu.enqueue_indirect_dma source(%dma_start3A_325 : memref<10240x128xf32, #tpu.memory_space<hbm>>) target(%arg12 : memref<125x128xf32, #tpu.memory_space<vmem>>) offsets(%dma_start3A_322 : memref<125xi32, #tpu.memory_space<vmem>>) semaphore(%arg15 : memref<!tpu.dma_semaphore, #tpu.memory_space<semaphore_mem>>)
    %scan3A_326 = arith.constant 0 : i32
    %scan3A_327 = arith.constant 0 : i32
    %scan3A_328 = arith.constant 19 : i32
    %scan3A_329 = arith.addi %scan3A_327, %scan3A_328 : i32
    %scan3A_330 = arith.constant 1 : i32
    scf.for %scan3A_427 = %scan3A_327 to %scan3A_329 step %scan3A_330  : i32 {
      %mul3A_428 = arith.constant 2 : i32
      %mul3A_429 = arith.muli %mul3A_428, %scan3A_427 : i32
      %add3A_430 = arith.constant 1 : i32
      %add3A_431 = arith.addi %mul3A_429, %add3A_430 : i32
      %dma_wait3A_432 = arith.constant 0 : i32
      %dma_wait3A_433 = arith.constant 0 : i32
      %dma_wait3A_434 = tpu.memref_slice %arg9[%dma_wait3A_432, %dma_wait3A_433] : memref<40x125xi32, #tpu.memory_space<vmem>> -> memref<1x125xi32, #tpu.memory_space<vmem>>
      %dma_wait3A_435 = tpu.memref_squeeze %dma_wait3A_434 : memref<1x125xi32, #tpu.memory_space<vmem>> -> memref<125xi32, #tpu.memory_space<vmem>>
      %dma_wait3A_436 = arith.constant 0 : i32
      %dma_wait3A_437 = arith.constant 0 : i32
      %dma_wait3A_438 = tpu.memref_slice %arg4[%dma_wait3A_436, %dma_wait3A_437] : memref<10240x128xf32, #tpu.memory_space<hbm>> -> memref<10240x128xf32, #tpu.memory_space<hbm>>
      tpu.wait_indirect_dma semaphore(%arg15 : memref<!tpu.dma_semaphore, #tpu.memory_space<semaphore_mem>>) src(%dma_wait3A_438 : memref<10240x128xf32, #tpu.memory_space<hbm>>) dst(%arg12 : memref<125x128xf32, #tpu.memory_space<vmem>>)
      %dma_start3A_439 = arith.constant 0 : i32
      %dma_start3A_440 = tpu.memref_slice %arg10[%add3A_431, %dma_start3A_439] : memref<40x125xi32, #tpu.memory_space<vmem>> -> memref<1x125xi32, #tpu.memory_space<vmem>>
      %dma_start3A_441 = tpu.memref_squeeze %dma_start3A_440 : memref<1x125xi32, #tpu.memory_space<vmem>> -> memref<125xi32, #tpu.memory_space<vmem>>
      %dma_start3A_442 = arith.constant 0 : i32
      %dma_start3A_443 = arith.constant 0 : i32
      %dma_start3A_444 = tpu.memref_slice %arg13[%dma_start3A_442, %dma_start3A_443] : memref<10240x128xf32, #tpu.memory_space<vmem_shared>> -> memref<10240x128xf32, #tpu.memory_space<vmem_shared>>
      tpu.enqueue_indirect_dma source(%arg12 : memref<125x128xf32, #tpu.memory_space<vmem>>) target(%dma_start3A_444 : memref<10240x128xf32, #tpu.memory_space<vmem_shared>>) offsets(%dma_start3A_441 : memref<125xi32, #tpu.memory_space<vmem>>) semaphore(%arg17 : memref<!tpu.dma_semaphore, #tpu.memory_space<semaphore_mem>>) {add = true}
      %dma_wait3A_445 = arith.constant 0 : i32
      %dma_wait3A_446 = arith.constant 0 : i32
      %dma_wait3A_447 = tpu.memref_slice %arg10[%dma_wait3A_445, %dma_wait3A_446] : memref<40x125xi32, #tpu.memory_space<vmem>> -> memref<1x125xi32, #tpu.memory_space<vmem>>
      %dma_wait3A_448 = tpu.memref_squeeze %dma_wait3A_447 : memref<1x125xi32, #tpu.memory_space<vmem>> -> memref<125xi32, #tpu.memory_space<vmem>>
      %dma_wait3A_449 = arith.constant 0 : i32
      %dma_wait3A_450 = arith.constant 0 : i32
      %dma_wait3A_451 = tpu.memref_slice %arg13[%dma_wait3A_449, %dma_wait3A_450] : memref<10240x128xf32, #tpu.memory_space<vmem_shared>> -> memref<10240x128xf32, #tpu.memory_space<vmem_shared>>
      tpu.wait_indirect_dma semaphore(%arg16 : memref<!tpu.dma_semaphore, #tpu.memory_space<semaphore_mem>>) src(%arg11 : memref<125x128xf32, #tpu.memory_space<vmem>>) dst(%dma_wait3A_451 : memref<10240x128xf32, #tpu.memory_space<vmem_shared>>)
      %add3A_452 = arith.constant 1 : i32
      %add3A_453 = arith.addi %add3A_431, %add3A_452 : i32
      %dma_start3A_454 = arith.constant 0 : i32
      %dma_start3A_455 = tpu.memref_slice %arg9[%add3A_453, %dma_start3A_454] : memref<40x125xi32, #tpu.memory_space<vmem>> -> memref<1x125xi32, #tpu.memory_space<vmem>>
      %dma_start3A_456 = tpu.memref_squeeze %dma_start3A_455 : memref<1x125xi32, #tpu.memory_space<vmem>> -> memref<125xi32, #tpu.memory_space<vmem>>
      %dma_start3A_457 = arith.constant 0 : i32
      %dma_start3A_458 = arith.constant 0 : i32
      %dma_start3A_459 = tpu.memref_slice %arg4[%dma_start3A_457, %dma_start3A_458] : memref<10240x128xf32, #tpu.memory_space<hbm>> -> memref<10240x128xf32, #tpu.memory_space<hbm>>
      tpu.enqueue_indirect_dma source(%dma_start3A_459 : memref<10240x128xf32, #tpu.memory_space<hbm>>) target(%arg11 : memref<125x128xf32, #tpu.memory_space<vmem>>) offsets(%dma_start3A_456 : memref<125xi32, #tpu.memory_space<vmem>>) semaphore(%arg14 : memref<!tpu.dma_semaphore, #tpu.memory_space<semaphore_mem>>)
      %mul3A_460 = arith.constant 2 : i32
      %mul3A_461 = arith.muli %mul3A_460, %scan3A_427 : i32
      %add3A_462 = arith.constant 2 : i32
      %add3A_463 = arith.addi %mul3A_461, %add3A_462 : i32
      %dma_wait3A_464 = arith.constant 0 : i32
      %dma_wait3A_465 = arith.constant 0 : i32
      %dma_wait3A_466 = tpu.memref_slice %arg9[%dma_wait3A_464, %dma_wait3A_465] : memref<40x125xi32, #tpu.memory_space<vmem>> -> memref<1x125xi32, #tpu.memory_space<vmem>>
      %dma_wait3A_467 = tpu.memref_squeeze %dma_wait3A_466 : memref<1x125xi32, #tpu.memory_space<vmem>> -> memref<125xi32, #tpu.memory_space<vmem>>
      %dma_wait3A_468 = arith.constant 0 : i32
      %dma_wait3A_469 = arith.constant 0 : i32
      %dma_wait3A_470 = tpu.memref_slice %arg4[%dma_wait3A_468, %dma_wait3A_469] : memref<10240x128xf32, #tpu.memory_space<hbm>> -> memref<10240x128xf32, #tpu.memory_space<hbm>>
      tpu.wait_indirect_dma semaphore(%arg14 : memref<!tpu.dma_semaphore, #tpu.memory_space<semaphore_mem>>) src(%dma_wait3A_470 : memref<10240x128xf32, #tpu.memory_space<hbm>>) dst(%arg11 : memref<125x128xf32, #tpu.memory_space<vmem>>)
      %dma_start3A_471 = arith.constant 0 : i32
      %dma_start3A_472 = tpu.memref_slice %arg10[%add3A_463, %dma_start3A_471] : memref<40x125xi32, #tpu.memory_space<vmem>> -> memref<1x125xi32, #tpu.memory_space<vmem>>
      %dma_start3A_473 = tpu.memref_squeeze %dma_start3A_472 : memref<1x125xi32, #tpu.memory_space<vmem>> -> memref<125xi32, #tpu.memory_space<vmem>>
      %dma_start3A_474 = arith.constant 0 : i32
      %dma_start3A_475 = arith.constant 0 : i32
      %dma_start3A_476 = tpu.memref_slice %arg13[%dma_start3A_474, %dma_start3A_475] : memref<10240x128xf32, #tpu.memory_space<vmem_shared>> -> memref<10240x128xf32, #tpu.memory_space<vmem_shared>>
      tpu.enqueue_indirect_dma source(%arg11 : memref<125x128xf32, #tpu.memory_space<vmem>>) target(%dma_start3A_476 : memref<10240x128xf32, #tpu.memory_space<vmem_shared>>) offsets(%dma_start3A_473 : memref<125xi32, #tpu.memory_space<vmem>>) semaphore(%arg16 : memref<!tpu.dma_semaphore, #tpu.memory_space<semaphore_mem>>) {add = true}
      %dma_wait3A_477 = arith.constant 0 : i32
      %dma_wait3A_478 = arith.constant 0 : i32
      %dma_wait3A_479 = tpu.memref_slice %arg10[%dma_wait3A_477, %dma_wait3A_478] : memref<40x125xi32, #tpu.memory_space<vmem>> -> memref<1x125xi32, #tpu.memory_space<vmem>>
      %dma_wait3A_480 = tpu.memref_squeeze %dma_wait3A_479 : memref<1x125xi32, #tpu.memory_space<vmem>> -> memref<125xi32, #tpu.memory_space<vmem>>
      %dma_wait3A_481 = arith.constant 0 : i32
      %dma_wait3A_482 = arith.constant 0 : i32
      %dma_wait3A_483 = tpu.memref_slice %arg13[%dma_wait3A_481, %dma_wait3A_482] : memref<10240x128xf32, #tpu.memory_space<vmem_shared>> -> memref<10240x128xf32, #tpu.memory_space<vmem_shared>>
      tpu.wait_indirect_dma semaphore(%arg17 : memref<!tpu.dma_semaphore, #tpu.memory_space<semaphore_mem>>) src(%arg12 : memref<125x128xf32, #tpu.memory_space<vmem>>) dst(%dma_wait3A_483 : memref<10240x128xf32, #tpu.memory_space<vmem_shared>>)
      %add3A_484 = arith.constant 1 : i32
      %add3A_485 = arith.addi %add3A_463, %add3A_484 : i32
      %dma_start3A_486 = arith.constant 0 : i32
      %dma_start3A_487 = tpu.memref_slice %arg9[%add3A_485, %dma_start3A_486] : memref<40x125xi32, #tpu.memory_space<vmem>> -> memref<1x125xi32, #tpu.memory_space<vmem>>
      %dma_start3A_488 = tpu.memref_squeeze %dma_start3A_487 : memref<1x125xi32, #tpu.memory_space<vmem>> -> memref<125xi32, #tpu.memory_space<vmem>>
      %dma_start3A_489 = arith.constant 0 : i32
      %dma_start3A_490 = arith.constant 0 : i32
      %dma_start3A_491 = tpu.memref_slice %arg4[%dma_start3A_489, %dma_start3A_490] : memref<10240x128xf32, #tpu.memory_space<hbm>> -> memref<10240x128xf32, #tpu.memory_space<hbm>>
      tpu.enqueue_indirect_dma source(%dma_start3A_491 : memref<10240x128xf32, #tpu.memory_space<hbm>>) target(%arg12 : memref<125x128xf32, #tpu.memory_space<vmem>>) offsets(%dma_start3A_488 : memref<125xi32, #tpu.memory_space<vmem>>) semaphore(%arg15 : memref<!tpu.dma_semaphore, #tpu.memory_space<semaphore_mem>>)
    }
    %scan3A_331 = arith.constant 19 : i32
    %dma_wait3A_332 = arith.constant 0 : i32
    %dma_wait3A_333 = arith.constant 0 : i32
    %dma_wait3A_334 = tpu.memref_slice %arg9[%dma_wait3A_332, %dma_wait3A_333] : memref<40x125xi32, #tpu.memory_space<vmem>> -> memref<1x125xi32, #tpu.memory_space<vmem>>
    %dma_wait3A_335 = tpu.memref_squeeze %dma_wait3A_334 : memref<1x125xi32, #tpu.memory_space<vmem>> -> memref<125xi32, #tpu.memory_space<vmem>>
    %dma_wait3A_336 = arith.constant 0 : i32
    %dma_wait3A_337 = arith.constant 0 : i32
    %dma_wait3A_338 = tpu.memref_slice %arg4[%dma_wait3A_336, %dma_wait3A_337] : memref<10240x128xf32, #tpu.memory_space<hbm>> -> memref<10240x128xf32, #tpu.memory_space<hbm>>
    tpu.wait_indirect_dma semaphore(%arg15 : memref<!tpu.dma_semaphore, #tpu.memory_space<semaphore_mem>>) src(%dma_wait3A_338 : memref<10240x128xf32, #tpu.memory_space<hbm>>) dst(%arg12 : memref<125x128xf32, #tpu.memory_space<vmem>>)
    %dma_start3A_339 = arith.constant 39 : i32
    %dma_start3A_340 = arith.constant 0 : i32
    %dma_start3A_341 = tpu.memref_slice %arg10[%dma_start3A_339, %dma_start3A_340] : memref<40x125xi32, #tpu.memory_space<vmem>> -> memref<1x125xi32, #tpu.memory_space<vmem>>
    %dma_start3A_342 = tpu.memref_squeeze %dma_start3A_341 : memref<1x125xi32, #tpu.memory_space<vmem>> -> memref<125xi32, #tpu.memory_space<vmem>>
    %dma_start3A_343 = arith.constant 0 : i32
    %dma_start3A_344 = arith.constant 0 : i32
    %dma_start3A_345 = tpu.memref_slice %arg13[%dma_start3A_343, %dma_start3A_344] : memref<10240x128xf32, #tpu.memory_space<vmem_shared>> -> memref<10240x128xf32, #tpu.memory_space<vmem_shared>>
    tpu.enqueue_indirect_dma source(%arg12 : memref<125x128xf32, #tpu.memory_space<vmem>>) target(%dma_start3A_345 : memref<10240x128xf32, #tpu.memory_space<vmem_shared>>) offsets(%dma_start3A_342 : memref<125xi32, #tpu.memory_space<vmem>>) semaphore(%arg17 : memref<!tpu.dma_semaphore, #tpu.memory_space<semaphore_mem>>) {add = true}
    %dma_wait3A_346 = arith.constant 0 : i32
    %dma_wait3A_347 = arith.constant 0 : i32
    %dma_wait3A_348 = tpu.memref_slice %arg10[%dma_wait3A_346, %dma_wait3A_347] : memref<40x125xi32, #tpu.memory_space<vmem>> -> memref<1x125xi32, #tpu.memory_space<vmem>>
    %dma_wait3A_349 = tpu.memref_squeeze %dma_wait3A_348 : memref<1x125xi32, #tpu.memory_space<vmem>> -> memref<125xi32, #tpu.memory_space<vmem>>
    %dma_wait3A_350 = arith.constant 0 : i32
    %dma_wait3A_351 = arith.constant 0 : i32
    %dma_wait3A_352 = tpu.memref_slice %arg13[%dma_wait3A_350, %dma_wait3A_351] : memref<10240x128xf32, #tpu.memory_space<vmem_shared>> -> memref<10240x128xf32, #tpu.memory_space<vmem_shared>>
    tpu.wait_indirect_dma semaphore(%arg16 : memref<!tpu.dma_semaphore, #tpu.memory_space<semaphore_mem>>) src(%arg11 : memref<125x128xf32, #tpu.memory_space<vmem>>) dst(%dma_wait3A_352 : memref<10240x128xf32, #tpu.memory_space<vmem_shared>>)
    %dma_wait3A_353 = arith.constant 0 : i32
    %dma_wait3A_354 = arith.constant 0 : i32
    %dma_wait3A_355 = tpu.memref_slice %arg10[%dma_wait3A_353, %dma_wait3A_354] : memref<40x125xi32, #tpu.memory_space<vmem>> -> memref<1x125xi32, #tpu.memory_space<vmem>>
    %dma_wait3A_356 = tpu.memref_squeeze %dma_wait3A_355 : memref<1x125xi32, #tpu.memory_space<vmem>> -> memref<125xi32, #tpu.memory_space<vmem>>
    %dma_wait3A_357 = arith.constant 0 : i32
    %dma_wait3A_358 = arith.constant 0 : i32
    %dma_wait3A_359 = tpu.memref_slice %arg13[%dma_wait3A_357, %dma_wait3A_358] : memref<10240x128xf32, #tpu.memory_space<vmem_shared>> -> memref<10240x128xf32, #tpu.memory_space<vmem_shared>>
    tpu.wait_indirect_dma semaphore(%arg17 : memref<!tpu.dma_semaphore, #tpu.memory_space<semaphore_mem>>) src(%arg12 : memref<125x128xf32, #tpu.memory_space<vmem>>) dst(%dma_wait3A_359 : memref<10240x128xf32, #tpu.memory_space<vmem_shared>>)
    %run_scoped3A_360 = arith.constant 2 : i32
    "tpu.region"() ({
      %run_scoped3A_427 = tpu.sem_alloc : memref<!tpu.dma_semaphore, #tpu.memory_space<semaphore_mem>>
      %dma_start3A_428 = arith.constant 40 : i32
      %dma_start3A_429 = arith.constant 0 : i32
      %dma_start3A_430 = tpu.memref_slice %arg5[%run_scoped3A_360, %arg0, %arg1, %dma_start3A_428, %dma_start3A_429] : memref<3x2x16x80x125xi32, #tpu.memory_space<hbm>> -> memref<1x1x1x40x125xi32, #tpu.memory_space<hbm>>
      %dma_start3A_431 = tpu.memref_squeeze %dma_start3A_430 : memref<1x1x1x40x125xi32, #tpu.memory_space<hbm>> -> memref<40x125xi32, #tpu.memory_space<hbm>>
      %dma_start3A_432 = arith.constant 40 : i32
      %dma_start3A_433 = arith.constant 0 : i32
      %dma_start3A_434 = tpu.memref_slice %arg5[%run_scoped3A_360, %arg0, %arg1, %dma_start3A_432, %dma_start3A_433] : memref<3x2x16x80x125xi32, #tpu.memory_space<hbm>> -> memref<1x1x1x40x125xi32, #tpu.memory_space<hbm>>
      %dma_start3A_435 = tpu.memref_squeeze %dma_start3A_434 : memref<1x1x1x40x125xi32, #tpu.memory_space<hbm>> -> memref<40x125xi32, #tpu.memory_space<hbm>>
      tpu.enqueue_dma source(%dma_start3A_435 : memref<40x125xi32, #tpu.memory_space<hbm>>) target(%arg9 : memref<40x125xi32, #tpu.memory_space<vmem>>) target_semaphore(%run_scoped3A_427 : memref<!tpu.dma_semaphore, #tpu.memory_space<semaphore_mem>>)
      %dma_wait3A_436 = arith.constant 40 : i32
      %dma_wait3A_437 = arith.constant 0 : i32
      %dma_wait3A_438 = tpu.memref_slice %arg5[%run_scoped3A_360, %arg0, %arg1, %dma_wait3A_436, %dma_wait3A_437] : memref<3x2x16x80x125xi32, #tpu.memory_space<hbm>> -> memref<1x1x1x40x125xi32, #tpu.memory_space<hbm>>
      %dma_wait3A_439 = tpu.memref_squeeze %dma_wait3A_438 : memref<1x1x1x40x125xi32, #tpu.memory_space<hbm>> -> memref<40x125xi32, #tpu.memory_space<hbm>>
      %dma_wait3A_440 = arith.constant 40 : i32
      %dma_wait3A_441 = arith.constant 0 : i32
      %dma_wait3A_442 = tpu.memref_slice %arg5[%run_scoped3A_360, %arg0, %arg1, %dma_wait3A_440, %dma_wait3A_441] : memref<3x2x16x80x125xi32, #tpu.memory_space<hbm>> -> memref<1x1x1x40x125xi32, #tpu.memory_space<hbm>>
      %dma_wait3A_443 = tpu.memref_squeeze %dma_wait3A_442 : memref<1x1x1x40x125xi32, #tpu.memory_space<hbm>> -> memref<40x125xi32, #tpu.memory_space<hbm>>
      tpu.wait_dma2 semaphore(%run_scoped3A_427 : memref<!tpu.dma_semaphore, #tpu.memory_space<semaphore_mem>>) src(%dma_wait3A_443 : memref<40x125xi32, #tpu.memory_space<hbm>>) dst(%arg9 : memref<40x125xi32, #tpu.memory_space<vmem>>)
      tpu.yield
    }) : () -> ()
    %run_scoped3A_361 = arith.constant 2 : i32
    "tpu.region"() ({
      %run_scoped3A_427 = tpu.sem_alloc : memref<!tpu.dma_semaphore, #tpu.memory_space<semaphore_mem>>
      %dma_start3A_428 = arith.constant 40 : i32
      %dma_start3A_429 = arith.constant 0 : i32
      %dma_start3A_430 = tpu.memref_slice %arg6[%run_scoped3A_361, %arg0, %arg1, %dma_start3A_428, %dma_start3A_429] : memref<3x2x16x80x125xi32, #tpu.memory_space<hbm>> -> memref<1x1x1x40x125xi32, #tpu.memory_space<hbm>>
      %dma_start3A_431 = tpu.memref_squeeze %dma_start3A_430 : memref<1x1x1x40x125xi32, #tpu.memory_space<hbm>> -> memref<40x125xi32, #tpu.memory_space<hbm>>
      %dma_start3A_432 = arith.constant 40 : i32
      %dma_start3A_433 = arith.constant 0 : i32
      %dma_start3A_434 = tpu.memref_slice %arg6[%run_scoped3A_361, %arg0, %arg1, %dma_start3A_432, %dma_start3A_433] : memref<3x2x16x80x125xi32, #tpu.memory_space<hbm>> -> memref<1x1x1x40x125xi32, #tpu.memory_space<hbm>>
      %dma_start3A_435 = tpu.memref_squeeze %dma_start3A_434 : memref<1x1x1x40x125xi32, #tpu.memory_space<hbm>> -> memref<40x125xi32, #tpu.memory_space<hbm>>
      tpu.enqueue_dma source(%dma_start3A_435 : memref<40x125xi32, #tpu.memory_space<hbm>>) target(%arg10 : memref<40x125xi32, #tpu.memory_space<vmem>>) target_semaphore(%run_scoped3A_427 : memref<!tpu.dma_semaphore, #tpu.memory_space<semaphore_mem>>)
      %dma_wait3A_436 = arith.constant 40 : i32
      %dma_wait3A_437 = arith.constant 0 : i32
      %dma_wait3A_438 = tpu.memref_slice %arg6[%run_scoped3A_361, %arg0, %arg1, %dma_wait3A_436, %dma_wait3A_437] : memref<3x2x16x80x125xi32, #tpu.memory_space<hbm>> -> memref<1x1x1x40x125xi32, #tpu.memory_space<hbm>>
      %dma_wait3A_439 = tpu.memref_squeeze %dma_wait3A_438 : memref<1x1x1x40x125xi32, #tpu.memory_space<hbm>> -> memref<40x125xi32, #tpu.memory_space<hbm>>
      %dma_wait3A_440 = arith.constant 40 : i32
      %dma_wait3A_441 = arith.constant 0 : i32
      %dma_wait3A_442 = tpu.memref_slice %arg6[%run_scoped3A_361, %arg0, %arg1, %dma_wait3A_440, %dma_wait3A_441] : memref<3x2x16x80x125xi32, #tpu.memory_space<hbm>> -> memref<1x1x1x40x125xi32, #tpu.memory_space<hbm>>
      %dma_wait3A_443 = tpu.memref_squeeze %dma_wait3A_442 : memref<1x1x1x40x125xi32, #tpu.memory_space<hbm>> -> memref<40x125xi32, #tpu.memory_space<hbm>>
      tpu.wait_dma2 semaphore(%run_scoped3A_427 : memref<!tpu.dma_semaphore, #tpu.memory_space<semaphore_mem>>) src(%dma_wait3A_443 : memref<40x125xi32, #tpu.memory_space<hbm>>) dst(%arg10 : memref<40x125xi32, #tpu.memory_space<vmem>>)
      tpu.yield
    }) : () -> ()
    %dma_start3A_362 = arith.constant 0 : i32
    %dma_start3A_363 = arith.constant 0 : i32
    %dma_start3A_364 = tpu.memref_slice %arg9[%dma_start3A_362, %dma_start3A_363] : memref<40x125xi32, #tpu.memory_space<vmem>> -> memref<1x125xi32, #tpu.memory_space<vmem>>
    %dma_start3A_365 = tpu.memref_squeeze %dma_start3A_364 : memref<1x125xi32, #tpu.memory_space<vmem>> -> memref<125xi32, #tpu.memory_space<vmem>>
    %dma_start3A_366 = arith.constant 0 : i32
    %dma_start3A_367 = arith.constant 0 : i32
    %dma_start3A_368 = tpu.memref_slice %arg4[%dma_start3A_366, %dma_start3A_367] : memref<10240x128xf32, #tpu.memory_space<hbm>> -> memref<10240x128xf32, #tpu.memory_space<hbm>>
    tpu.enqueue_indirect_dma source(%dma_start3A_368 : memref<10240x128xf32, #tpu.memory_space<hbm>>) target(%arg11 : memref<125x128xf32, #tpu.memory_space<vmem>>) offsets(%dma_start3A_365 : memref<125xi32, #tpu.memory_space<vmem>>) semaphore(%arg14 : memref<!tpu.dma_semaphore, #tpu.memory_space<semaphore_mem>>)
    %dma_wait3A_369 = arith.constant 0 : i32
    %dma_wait3A_370 = arith.constant 0 : i32
    %dma_wait3A_371 = tpu.memref_slice %arg9[%dma_wait3A_369, %dma_wait3A_370] : memref<40x125xi32, #tpu.memory_space<vmem>> -> memref<1x125xi32, #tpu.memory_space<vmem>>
    %dma_wait3A_372 = tpu.memref_squeeze %dma_wait3A_371 : memref<1x125xi32, #tpu.memory_space<vmem>> -> memref<125xi32, #tpu.memory_space<vmem>>
    %dma_wait3A_373 = arith.constant 0 : i32
    %dma_wait3A_374 = arith.constant 0 : i32
    %dma_wait3A_375 = tpu.memref_slice %arg4[%dma_wait3A_373, %dma_wait3A_374] : memref<10240x128xf32, #tpu.memory_space<hbm>> -> memref<10240x128xf32, #tpu.memory_space<hbm>>
    tpu.wait_indirect_dma semaphore(%arg14 : memref<!tpu.dma_semaphore, #tpu.memory_space<semaphore_mem>>) src(%dma_wait3A_375 : memref<10240x128xf32, #tpu.memory_space<hbm>>) dst(%arg11 : memref<125x128xf32, #tpu.memory_space<vmem>>)
    %dma_start3A_376 = arith.constant 0 : i32
    %dma_start3A_377 = arith.constant 0 : i32
    %dma_start3A_378 = tpu.memref_slice %arg10[%dma_start3A_376, %dma_start3A_377] : memref<40x125xi32, #tpu.memory_space<vmem>> -> memref<1x125xi32, #tpu.memory_space<vmem>>
    %dma_start3A_379 = tpu.memref_squeeze %dma_start3A_378 : memref<1x125xi32, #tpu.memory_space<vmem>> -> memref<125xi32, #tpu.memory_space<vmem>>
    %dma_start3A_380 = arith.constant 0 : i32
    %dma_start3A_381 = arith.constant 0 : i32
    %dma_start3A_382 = tpu.memref_slice %arg13[%dma_start3A_380, %dma_start3A_381] : memref<10240x128xf32, #tpu.memory_space<vmem_shared>> -> memref<10240x128xf32, #tpu.memory_space<vmem_shared>>
    tpu.enqueue_indirect_dma source(%arg11 : memref<125x128xf32, #tpu.memory_space<vmem>>) target(%dma_start3A_382 : memref<10240x128xf32, #tpu.memory_space<vmem_shared>>) offsets(%dma_start3A_379 : memref<125xi32, #tpu.memory_space<vmem>>) semaphore(%arg16 : memref<!tpu.dma_semaphore, #tpu.memory_space<semaphore_mem>>) {add = true}
    %dma_start3A_383 = arith.constant 1 : i32
    %dma_start3A_384 = arith.constant 0 : i32
    %dma_start3A_385 = tpu.memref_slice %arg9[%dma_start3A_383, %dma_start3A_384] : memref<40x125xi32, #tpu.memory_space<vmem>> -> memref<1x125xi32, #tpu.memory_space<vmem>>
    %dma_start3A_386 = tpu.memref_squeeze %dma_start3A_385 : memref<1x125xi32, #tpu.memory_space<vmem>> -> memref<125xi32, #tpu.memory_space<vmem>>
    %dma_start3A_387 = arith.constant 0 : i32
    %dma_start3A_388 = arith.constant 0 : i32
    %dma_start3A_389 = tpu.memref_slice %arg4[%dma_start3A_387, %dma_start3A_388] : memref<10240x128xf32, #tpu.memory_space<hbm>> -> memref<10240x128xf32, #tpu.memory_space<hbm>>
    tpu.enqueue_indirect_dma source(%dma_start3A_389 : memref<10240x128xf32, #tpu.memory_space<hbm>>) target(%arg12 : memref<125x128xf32, #tpu.memory_space<vmem>>) offsets(%dma_start3A_386 : memref<125xi32, #tpu.memory_space<vmem>>) semaphore(%arg15 : memref<!tpu.dma_semaphore, #tpu.memory_space<semaphore_mem>>)
    %scan3A_390 = arith.constant 0 : i32
    %scan3A_391 = arith.constant 0 : i32
    %scan3A_392 = arith.constant 19 : i32
    %scan3A_393 = arith.addi %scan3A_391, %scan3A_392 : i32
    %scan3A_394 = arith.constant 1 : i32
    scf.for %scan3A_427 = %scan3A_391 to %scan3A_393 step %scan3A_394  : i32 {
      %mul3A_428 = arith.constant 2 : i32
      %mul3A_429 = arith.muli %mul3A_428, %scan3A_427 : i32
      %add3A_430 = arith.constant 1 : i32
      %add3A_431 = arith.addi %mul3A_429, %add3A_430 : i32
      %dma_wait3A_432 = arith.constant 0 : i32
      %dma_wait3A_433 = arith.constant 0 : i32
      %dma_wait3A_434 = tpu.memref_slice %arg9[%dma_wait3A_432, %dma_wait3A_433] : memref<40x125xi32, #tpu.memory_space<vmem>> -> memref<1x125xi32, #tpu.memory_space<vmem>>
      %dma_wait3A_435 = tpu.memref_squeeze %dma_wait3A_434 : memref<1x125xi32, #tpu.memory_space<vmem>> -> memref<125xi32, #tpu.memory_space<vmem>>
      %dma_wait3A_436 = arith.constant 0 : i32
      %dma_wait3A_437 = arith.constant 0 : i32
      %dma_wait3A_438 = tpu.memref_slice %arg4[%dma_wait3A_436, %dma_wait3A_437] : memref<10240x128xf32, #tpu.memory_space<hbm>> -> memref<10240x128xf32, #tpu.memory_space<hbm>>
      tpu.wait_indirect_dma semaphore(%arg15 : memref<!tpu.dma_semaphore, #tpu.memory_space<semaphore_mem>>) src(%dma_wait3A_438 : memref<10240x128xf32, #tpu.memory_space<hbm>>) dst(%arg12 : memref<125x128xf32, #tpu.memory_space<vmem>>)
      %dma_start3A_439 = arith.constant 0 : i32
      %dma_start3A_440 = tpu.memref_slice %arg10[%add3A_431, %dma_start3A_439] : memref<40x125xi32, #tpu.memory_space<vmem>> -> memref<1x125xi32, #tpu.memory_space<vmem>>
      %dma_start3A_441 = tpu.memref_squeeze %dma_start3A_440 : memref<1x125xi32, #tpu.memory_space<vmem>> -> memref<125xi32, #tpu.memory_space<vmem>>
      %dma_start3A_442 = arith.constant 0 : i32
      %dma_start3A_443 = arith.constant 0 : i32
      %dma_start3A_444 = tpu.memref_slice %arg13[%dma_start3A_442, %dma_start3A_443] : memref<10240x128xf32, #tpu.memory_space<vmem_shared>> -> memref<10240x128xf32, #tpu.memory_space<vmem_shared>>
      tpu.enqueue_indirect_dma source(%arg12 : memref<125x128xf32, #tpu.memory_space<vmem>>) target(%dma_start3A_444 : memref<10240x128xf32, #tpu.memory_space<vmem_shared>>) offsets(%dma_start3A_441 : memref<125xi32, #tpu.memory_space<vmem>>) semaphore(%arg17 : memref<!tpu.dma_semaphore, #tpu.memory_space<semaphore_mem>>) {add = true}
      %dma_wait3A_445 = arith.constant 0 : i32
      %dma_wait3A_446 = arith.constant 0 : i32
      %dma_wait3A_447 = tpu.memref_slice %arg10[%dma_wait3A_445, %dma_wait3A_446] : memref<40x125xi32, #tpu.memory_space<vmem>> -> memref<1x125xi32, #tpu.memory_space<vmem>>
      %dma_wait3A_448 = tpu.memref_squeeze %dma_wait3A_447 : memref<1x125xi32, #tpu.memory_space<vmem>> -> memref<125xi32, #tpu.memory_space<vmem>>
      %dma_wait3A_449 = arith.constant 0 : i32
      %dma_wait3A_450 = arith.constant 0 : i32
      %dma_wait3A_451 = tpu.memref_slice %arg13[%dma_wait3A_449, %dma_wait3A_450] : memref<10240x128xf32, #tpu.memory_space<vmem_shared>> -> memref<10240x128xf32, #tpu.memory_space<vmem_shared>>
      tpu.wait_indirect_dma semaphore(%arg16 : memref<!tpu.dma_semaphore, #tpu.memory_space<semaphore_mem>>) src(%arg11 : memref<125x128xf32, #tpu.memory_space<vmem>>) dst(%dma_wait3A_451 : memref<10240x128xf32, #tpu.memory_space<vmem_shared>>)
      %add3A_452 = arith.constant 1 : i32
      %add3A_453 = arith.addi %add3A_431, %add3A_452 : i32
      %dma_start3A_454 = arith.constant 0 : i32
      %dma_start3A_455 = tpu.memref_slice %arg9[%add3A_453, %dma_start3A_454] : memref<40x125xi32, #tpu.memory_space<vmem>> -> memref<1x125xi32, #tpu.memory_space<vmem>>
      %dma_start3A_456 = tpu.memref_squeeze %dma_start3A_455 : memref<1x125xi32, #tpu.memory_space<vmem>> -> memref<125xi32, #tpu.memory_space<vmem>>
      %dma_start3A_457 = arith.constant 0 : i32
      %dma_start3A_458 = arith.constant 0 : i32
      %dma_start3A_459 = tpu.memref_slice %arg4[%dma_start3A_457, %dma_start3A_458] : memref<10240x128xf32, #tpu.memory_space<hbm>> -> memref<10240x128xf32, #tpu.memory_space<hbm>>
      tpu.enqueue_indirect_dma source(%dma_start3A_459 : memref<10240x128xf32, #tpu.memory_space<hbm>>) target(%arg11 : memref<125x128xf32, #tpu.memory_space<vmem>>) offsets(%dma_start3A_456 : memref<125xi32, #tpu.memory_space<vmem>>) semaphore(%arg14 : memref<!tpu.dma_semaphore, #tpu.memory_space<semaphore_mem>>)
      %mul3A_460 = arith.constant 2 : i32
      %mul3A_461 = arith.muli %mul3A_460, %scan3A_427 : i32
      %add3A_462 = arith.constant 2 : i32
      %add3A_463 = arith.addi %mul3A_461, %add3A_462 : i32
      %dma_wait3A_464 = arith.constant 0 : i32
      %dma_wait3A_465 = arith.constant 0 : i32
      %dma_wait3A_466 = tpu.memref_slice %arg9[%dma_wait3A_464, %dma_wait3A_465] : memref<40x125xi32, #tpu.memory_space<vmem>> -> memref<1x125xi32, #tpu.memory_space<vmem>>
      %dma_wait3A_467 = tpu.memref_squeeze %dma_wait3A_466 : memref<1x125xi32, #tpu.memory_space<vmem>> -> memref<125xi32, #tpu.memory_space<vmem>>
      %dma_wait3A_468 = arith.constant 0 : i32
      %dma_wait3A_469 = arith.constant 0 : i32
      %dma_wait3A_470 = tpu.memref_slice %arg4[%dma_wait3A_468, %dma_wait3A_469] : memref<10240x128xf32, #tpu.memory_space<hbm>> -> memref<10240x128xf32, #tpu.memory_space<hbm>>
      tpu.wait_indirect_dma semaphore(%arg14 : memref<!tpu.dma_semaphore, #tpu.memory_space<semaphore_mem>>) src(%dma_wait3A_470 : memref<10240x128xf32, #tpu.memory_space<hbm>>) dst(%arg11 : memref<125x128xf32, #tpu.memory_space<vmem>>)
      %dma_start3A_471 = arith.constant 0 : i32
      %dma_start3A_472 = tpu.memref_slice %arg10[%add3A_463, %dma_start3A_471] : memref<40x125xi32, #tpu.memory_space<vmem>> -> memref<1x125xi32, #tpu.memory_space<vmem>>
      %dma_start3A_473 = tpu.memref_squeeze %dma_start3A_472 : memref<1x125xi32, #tpu.memory_space<vmem>> -> memref<125xi32, #tpu.memory_space<vmem>>
      %dma_start3A_474 = arith.constant 0 : i32
      %dma_start3A_475 = arith.constant 0 : i32
      %dma_start3A_476 = tpu.memref_slice %arg13[%dma_start3A_474, %dma_start3A_475] : memref<10240x128xf32, #tpu.memory_space<vmem_shared>> -> memref<10240x128xf32, #tpu.memory_space<vmem_shared>>
      tpu.enqueue_indirect_dma source(%arg11 : memref<125x128xf32, #tpu.memory_space<vmem>>) target(%dma_start3A_476 : memref<10240x128xf32, #tpu.memory_space<vmem_shared>>) offsets(%dma_start3A_473 : memref<125xi32, #tpu.memory_space<vmem>>) semaphore(%arg16 : memref<!tpu.dma_semaphore, #tpu.memory_space<semaphore_mem>>) {add = true}
      %dma_wait3A_477 = arith.constant 0 : i32
      %dma_wait3A_478 = arith.constant 0 : i32
      %dma_wait3A_479 = tpu.memref_slice %arg10[%dma_wait3A_477, %dma_wait3A_478] : memref<40x125xi32, #tpu.memory_space<vmem>> -> memref<1x125xi32, #tpu.memory_space<vmem>>
      %dma_wait3A_480 = tpu.memref_squeeze %dma_wait3A_479 : memref<1x125xi32, #tpu.memory_space<vmem>> -> memref<125xi32, #tpu.memory_space<vmem>>
      %dma_wait3A_481 = arith.constant 0 : i32
      %dma_wait3A_482 = arith.constant 0 : i32
      %dma_wait3A_483 = tpu.memref_slice %arg13[%dma_wait3A_481, %dma_wait3A_482] : memref<10240x128xf32, #tpu.memory_space<vmem_shared>> -> memref<10240x128xf32, #tpu.memory_space<vmem_shared>>
      tpu.wait_indirect_dma semaphore(%arg17 : memref<!tpu.dma_semaphore, #tpu.memory_space<semaphore_mem>>) src(%arg12 : memref<125x128xf32, #tpu.memory_space<vmem>>) dst(%dma_wait3A_483 : memref<10240x128xf32, #tpu.memory_space<vmem_shared>>)
      %add3A_484 = arith.constant 1 : i32
      %add3A_485 = arith.addi %add3A_463, %add3A_484 : i32
      %dma_start3A_486 = arith.constant 0 : i32
      %dma_start3A_487 = tpu.memref_slice %arg9[%add3A_485, %dma_start3A_486] : memref<40x125xi32, #tpu.memory_space<vmem>> -> memref<1x125xi32, #tpu.memory_space<vmem>>
      %dma_start3A_488 = tpu.memref_squeeze %dma_start3A_487 : memref<1x125xi32, #tpu.memory_space<vmem>> -> memref<125xi32, #tpu.memory_space<vmem>>
      %dma_start3A_489 = arith.constant 0 : i32
      %dma_start3A_490 = arith.constant 0 : i32
      %dma_start3A_491 = tpu.memref_slice %arg4[%dma_start3A_489, %dma_start3A_490] : memref<10240x128xf32, #tpu.memory_space<hbm>> -> memref<10240x128xf32, #tpu.memory_space<hbm>>
      tpu.enqueue_indirect_dma source(%dma_start3A_491 : memref<10240x128xf32, #tpu.memory_space<hbm>>) target(%arg12 : memref<125x128xf32, #tpu.memory_space<vmem>>) offsets(%dma_start3A_488 : memref<125xi32, #tpu.memory_space<vmem>>) semaphore(%arg15 : memref<!tpu.dma_semaphore, #tpu.memory_space<semaphore_mem>>)
    }
    %scan3A_395 = arith.constant 19 : i32
    %dma_wait3A_396 = arith.constant 0 : i32
    %dma_wait3A_397 = arith.constant 0 : i32
    %dma_wait3A_398 = tpu.memref_slice %arg9[%dma_wait3A_396, %dma_wait3A_397] : memref<40x125xi32, #tpu.memory_space<vmem>> -> memref<1x125xi32, #tpu.memory_space<vmem>>
    %dma_wait3A_399 = tpu.memref_squeeze %dma_wait3A_398 : memref<1x125xi32, #tpu.memory_space<vmem>> -> memref<125xi32, #tpu.memory_space<vmem>>
    %dma_wait3A_400 = arith.constant 0 : i32
    %dma_wait3A_401 = arith.constant 0 : i32
    %dma_wait3A_402 = tpu.memref_slice %arg4[%dma_wait3A_400, %dma_wait3A_401] : memref<10240x128xf32, #tpu.memory_space<hbm>> -> memref<10240x128xf32, #tpu.memory_space<hbm>>
    tpu.wait_indirect_dma semaphore(%arg15 : memref<!tpu.dma_semaphore, #tpu.memory_space<semaphore_mem>>) src(%dma_wait3A_402 : memref<10240x128xf32, #tpu.memory_space<hbm>>) dst(%arg12 : memref<125x128xf32, #tpu.memory_space<vmem>>)
    %dma_start3A_403 = arith.constant 39 : i32
    %dma_start3A_404 = arith.constant 0 : i32
    %dma_start3A_405 = tpu.memref_slice %arg10[%dma_start3A_403, %dma_start3A_404] : memref<40x125xi32, #tpu.memory_space<vmem>> -> memref<1x125xi32, #tpu.memory_space<vmem>>
    %dma_start3A_406 = tpu.memref_squeeze %dma_start3A_405 : memref<1x125xi32, #tpu.memory_space<vmem>> -> memref<125xi32, #tpu.memory_space<vmem>>
    %dma_start3A_407 = arith.constant 0 : i32
    %dma_start3A_408 = arith.constant 0 : i32
    %dma_start3A_409 = tpu.memref_slice %arg13[%dma_start3A_407, %dma_start3A_408] : memref<10240x128xf32, #tpu.memory_space<vmem_shared>> -> memref<10240x128xf32, #tpu.memory_space<vmem_shared>>
    tpu.enqueue_indirect_dma source(%arg12 : memref<125x128xf32, #tpu.memory_space<vmem>>) target(%dma_start3A_409 : memref<10240x128xf32, #tpu.memory_space<vmem_shared>>) offsets(%dma_start3A_406 : memref<125xi32, #tpu.memory_space<vmem>>) semaphore(%arg17 : memref<!tpu.dma_semaphore, #tpu.memory_space<semaphore_mem>>) {add = true}
    %dma_wait3A_410 = arith.constant 0 : i32
    %dma_wait3A_411 = arith.constant 0 : i32
    %dma_wait3A_412 = tpu.memref_slice %arg10[%dma_wait3A_410, %dma_wait3A_411] : memref<40x125xi32, #tpu.memory_space<vmem>> -> memref<1x125xi32, #tpu.memory_space<vmem>>
    %dma_wait3A_413 = tpu.memref_squeeze %dma_wait3A_412 : memref<1x125xi32, #tpu.memory_space<vmem>> -> memref<125xi32, #tpu.memory_space<vmem>>
    %dma_wait3A_414 = arith.constant 0 : i32
    %dma_wait3A_415 = arith.constant 0 : i32
    %dma_wait3A_416 = tpu.memref_slice %arg13[%dma_wait3A_414, %dma_wait3A_415] : memref<10240x128xf32, #tpu.memory_space<vmem_shared>> -> memref<10240x128xf32, #tpu.memory_space<vmem_shared>>
    tpu.wait_indirect_dma semaphore(%arg16 : memref<!tpu.dma_semaphore, #tpu.memory_space<semaphore_mem>>) src(%arg11 : memref<125x128xf32, #tpu.memory_space<vmem>>) dst(%dma_wait3A_416 : memref<10240x128xf32, #tpu.memory_space<vmem_shared>>)
    %dma_wait3A_417 = arith.constant 0 : i32
    %dma_wait3A_418 = arith.constant 0 : i32
    %dma_wait3A_419 = tpu.memref_slice %arg10[%dma_wait3A_417, %dma_wait3A_418] : memref<40x125xi32, #tpu.memory_space<vmem>> -> memref<1x125xi32, #tpu.memory_space<vmem>>
    %dma_wait3A_420 = tpu.memref_squeeze %dma_wait3A_419 : memref<1x125xi32, #tpu.memory_space<vmem>> -> memref<125xi32, #tpu.memory_space<vmem>>
    %dma_wait3A_421 = arith.constant 0 : i32
    %dma_wait3A_422 = arith.constant 0 : i32
    %dma_wait3A_423 = tpu.memref_slice %arg13[%dma_wait3A_421, %dma_wait3A_422] : memref<10240x128xf32, #tpu.memory_space<vmem_shared>> -> memref<10240x128xf32, #tpu.memory_space<vmem_shared>>
    tpu.wait_indirect_dma semaphore(%arg17 : memref<!tpu.dma_semaphore, #tpu.memory_space<semaphore_mem>>) src(%arg12 : memref<125x128xf32, #tpu.memory_space<vmem>>) dst(%dma_wait3A_423 : memref<10240x128xf32, #tpu.memory_space<vmem_shared>>)
    %barrier3A_424 = arith.constant 0 : index
    tpu.barrier barrier_id(%barrier3A_424)
    %run_scoped3A_425 = arith.constant 2 : i32
    "tpu.region"() ({
      %run_scoped3A_427 = tpu.sem_alloc : memref<!tpu.dma_semaphore, #tpu.memory_space<semaphore_mem>>
      %dma_start3A_428 = arith.constant 0 : i32
      %dma_start3A_429 = tpu.memref_slice %arg8[%arg0, %run_scoped3A_425, %mul3A_0, %dma_start3A_428] : memref<2x3x10240x128xf32, #tpu.memory_space<hbm>> -> memref<1x1x640x128xf32, #tpu.memory_space<hbm>>
      %dma_start3A_430 = tpu.memref_squeeze %dma_start3A_429 : memref<1x1x640x128xf32, #tpu.memory_space<hbm>> -> memref<640x128xf32, #tpu.memory_space<hbm>>
      %dma_start3A_431 = arith.constant 0 : i32
      %dma_start3A_432 = tpu.memref_slice %arg13[%mul3A_0, %dma_start3A_431] : memref<10240x128xf32, #tpu.memory_space<vmem_shared>> -> memref<640x128xf32, #tpu.memory_space<vmem_shared>>
      tpu.enqueue_dma source(%dma_start3A_432 : memref<640x128xf32, #tpu.memory_space<vmem_shared>>) target(%dma_start3A_430 : memref<640x128xf32, #tpu.memory_space<hbm>>) target_semaphore(%run_scoped3A_427 : memref<!tpu.dma_semaphore, #tpu.memory_space<semaphore_mem>>)
      %dma_wait3A_433 = arith.constant 0 : i32
      %dma_wait3A_434 = tpu.memref_slice %arg8[%arg0, %run_scoped3A_425, %mul3A_0, %dma_wait3A_433] : memref<2x3x10240x128xf32, #tpu.memory_space<hbm>> -> memref<1x1x640x128xf32, #tpu.memory_space<hbm>>
      %dma_wait3A_435 = tpu.memref_squeeze %dma_wait3A_434 : memref<1x1x640x128xf32, #tpu.memory_space<hbm>> -> memref<640x128xf32, #tpu.memory_space<hbm>>
      %dma_wait3A_436 = arith.constant 0 : i32
      %dma_wait3A_437 = tpu.memref_slice %arg13[%mul3A_0, %dma_wait3A_436] : memref<10240x128xf32, #tpu.memory_space<vmem_shared>> -> memref<640x128xf32, #tpu.memory_space<vmem_shared>>
      tpu.wait_dma2 semaphore(%run_scoped3A_427 : memref<!tpu.dma_semaphore, #tpu.memory_space<semaphore_mem>>) src(%dma_wait3A_437 : memref<640x128xf32, #tpu.memory_space<vmem_shared>>) dst(%dma_wait3A_435 : memref<640x128xf32, #tpu.memory_space<hbm>>)
      tpu.yield
    }) : () -> ()
    %barrier3A_426 = arith.constant 0 : index
    tpu.barrier barrier_id(%barrier3A_426)
    return
  }
}

module attributes {stable_mosaic.version = 14 : i64} {
  func.func @_prep_body(%arg0: i32, %arg1: memref<1280x128xf32, #tpu.memory_space<vmem>>, %arg2: memref<128x128xf32, #tpu.memory_space<vmem>>, %arg3: memref<128x128xf32, #tpu.memory_space<vmem>>, %arg4: memref<128x128xf32, #tpu.memory_space<vmem>>, %arg5: memref<2x3x1280xf32, #tpu.memory_space<vmem>>, %arg6: memref<1280x128xf32, #tpu.memory_space<vmem>>, %arg7: memref<1280x128xf32, #tpu.memory_space<vmem>>, %arg8: memref<1280x128xf32, #tpu.memory_space<vmem>>, %arg9: memref<3x1280xf32, #tpu.memory_space<vmem>>) attributes {dimension_semantics = [#tpu.dimension_semantics<arbitrary>], iteration_bounds = array<i64: 8>, scalar_prefetch = 0 : i64, scratch_operands = 0 : i64, tpu.core_type = #tpu.core_type<tc>, window_params = [{transform_indices = @transform_0, window_bounds = array<i64: 1280, 128>}, {pipeline_mode = #tpu.pipeline_mode<synchronous>, transform_indices = @transform_1, window_bounds = array<i64: 128, 128>}, {pipeline_mode = #tpu.pipeline_mode<synchronous>, transform_indices = @transform_2, window_bounds = array<i64: 128, 128>}, {pipeline_mode = #tpu.pipeline_mode<synchronous>, transform_indices = @transform_3, window_bounds = array<i64: 128, 128>}, {transform_indices = @transform_4, window_bounds = array<i64: 2, 3, 1280>}, {transform_indices = @transform_5, window_bounds = array<i64: 1280, 128>}, {transform_indices = @transform_6, window_bounds = array<i64: 1280, 128>}, {transform_indices = @transform_7, window_bounds = array<i64: 1280, 128>}, {transform_indices = @transform_8, window_bounds = array<i64: 3, 1280>}]} {
    %get3A = arith.constant 0 : index
    %get3A_0 = arith.constant 0 : index
    %get3A_1 = arith.constant 0 : index
    %get3A_2 = vector.load %arg5[%get3A, %get3A_0, %get3A_1] : memref<2x3x1280xf32, #tpu.memory_space<vmem>>, vector<2x3x1280xf32>
    %slice3A = vector.extract_strided_slice %get3A_2 {offsets = [0, 0, 0], sizes = [1, 3, 1280], strides = [1, 1, 1]} : vector<2x3x1280xf32> to vector<1x3x1280xf32>
    %squeeze3A = vector.shape_cast %slice3A : vector<1x3x1280xf32> to vector<3x1280xf32>
    %slice3A_3 = vector.extract_strided_slice %get3A_2 {offsets = [1, 0, 0], sizes = [1, 3, 1280], strides = [1, 1, 1]} : vector<2x3x1280xf32> to vector<1x3x1280xf32>
    %squeeze3A_4 = vector.shape_cast %slice3A_3 : vector<1x3x1280xf32> to vector<3x1280xf32>
    %add3A = arith.addf %squeeze3A, %squeeze3A_4 : vector<3x1280xf32>
    %add3A_5 = arith.constant 1.000000e+00 : f32
    %add3A_6 = vector.broadcast %add3A_5 : f32 to vector<3x1280xf32>
    %add3A_7 = arith.addf %add3A, %add3A_6 : vector<3x1280xf32>
    %rsqrt3A = math.rsqrt %add3A_7 : vector<3x1280xf32>
    %swap3A = arith.constant 0 : index
    %swap3A_8 = arith.constant 0 : index
    %swap3A_9 = vector.load %arg9[%swap3A, %swap3A_8] : memref<3x1280xf32, #tpu.memory_space<vmem>>, vector<3x1280xf32>
    tpu.vector_store %arg9[%swap3A, %swap3A_8], %rsqrt3A {strides = array<i32>} : memref<3x1280xf32, #tpu.memory_space<vmem>>, vector<3x1280xf32>,
    %get3A_10 = arith.constant 0 : index
    %get3A_11 = arith.constant 0 : index
    %get3A_12 = vector.load %arg1[%get3A_10, %get3A_11] : memref<1280x128xf32, #tpu.memory_space<vmem>>, vector<1280x128xf32>
    %get3A_13 = arith.constant 0 : index
    %get3A_14 = arith.constant 0 : index
    %get3A_15 = vector.load %arg2[%get3A_13, %get3A_14] : memref<128x128xf32, #tpu.memory_space<vmem>>, vector<128x128xf32>
    %dot_general3A = arith.constant dense<0.000000e+00> : vector<1280x128xf32>
    %dot_general3A_16 = tpu.matmul %get3A_12, %get3A_15, %dot_general3A {dimension_numbers = #tpu.dot_dimension_numbers<[1], [0], [0], [1], [0, 0, 1, 1], [], []>, transpose_lhs_hint = false} : vector<1280x128xf32>, vector<128x128xf32>, vector<1280x128xf32> -> vector<1280x128xf32>
    %slice3A_17 = vector.extract_strided_slice %rsqrt3A {offsets = [0, 0], sizes = [1, 1280], strides = [1, 1]} : vector<3x1280xf32> to vector<1x1280xf32>
    %squeeze3A_18 = vector.shape_cast %slice3A_17 : vector<1x1280xf32> to vector<1280xf32>
    %broadcast_in_dim3A = vector.shape_cast %squeeze3A_18 : vector<1280xf32> to vector<1280x1xf32>
    %mul3A = vector.broadcast %broadcast_in_dim3A : vector<1280x1xf32> to vector<1280x128xf32>
    %mul3A_19 = arith.mulf %dot_general3A_16, %mul3A : vector<1280x128xf32>
    %swap3A_20 = arith.constant 0 : index
    %swap3A_21 = arith.constant 0 : index
    %swap3A_22 = vector.load %arg6[%swap3A_20, %swap3A_21] : memref<1280x128xf32, #tpu.memory_space<vmem>>, vector<1280x128xf32>
    tpu.vector_store %arg6[%swap3A_20, %swap3A_21], %mul3A_19 {strides = array<i32>} : memref<1280x128xf32, #tpu.memory_space<vmem>>, vector<1280x128xf32>,
    %get3A_23 = arith.constant 0 : index
    %get3A_24 = arith.constant 0 : index
    %get3A_25 = vector.load %arg1[%get3A_23, %get3A_24] : memref<1280x128xf32, #tpu.memory_space<vmem>>, vector<1280x128xf32>
    %get3A_26 = arith.constant 0 : index
    %get3A_27 = arith.constant 0 : index
    %get3A_28 = vector.load %arg3[%get3A_26, %get3A_27] : memref<128x128xf32, #tpu.memory_space<vmem>>, vector<128x128xf32>
    %dot_general3A_29 = arith.constant dense<0.000000e+00> : vector<1280x128xf32>
    %dot_general3A_30 = tpu.matmul %get3A_25, %get3A_28, %dot_general3A_29 {dimension_numbers = #tpu.dot_dimension_numbers<[1], [0], [0], [1], [0, 0, 1, 1], [], []>, transpose_lhs_hint = false} : vector<1280x128xf32>, vector<128x128xf32>, vector<1280x128xf32> -> vector<1280x128xf32>
    %slice3A_31 = vector.extract_strided_slice %rsqrt3A {offsets = [1, 0], sizes = [1, 1280], strides = [1, 1]} : vector<3x1280xf32> to vector<1x1280xf32>
    %squeeze3A_32 = vector.shape_cast %slice3A_31 : vector<1x1280xf32> to vector<1280xf32>
    %broadcast_in_dim3A_33 = vector.shape_cast %squeeze3A_32 : vector<1280xf32> to vector<1280x1xf32>
    %mul3A_34 = vector.broadcast %broadcast_in_dim3A_33 : vector<1280x1xf32> to vector<1280x128xf32>
    %mul3A_35 = arith.mulf %dot_general3A_30, %mul3A_34 : vector<1280x128xf32>
    %swap3A_36 = arith.constant 0 : index
    %swap3A_37 = arith.constant 0 : index
    %swap3A_38 = vector.load %arg7[%swap3A_36, %swap3A_37] : memref<1280x128xf32, #tpu.memory_space<vmem>>, vector<1280x128xf32>
    tpu.vector_store %arg7[%swap3A_36, %swap3A_37], %mul3A_35 {strides = array<i32>} : memref<1280x128xf32, #tpu.memory_space<vmem>>, vector<1280x128xf32>,
    %get3A_39 = arith.constant 0 : index
    %get3A_40 = arith.constant 0 : index
    %get3A_41 = vector.load %arg1[%get3A_39, %get3A_40] : memref<1280x128xf32, #tpu.memory_space<vmem>>, vector<1280x128xf32>
    %get3A_42 = arith.constant 0 : index
    %get3A_43 = arith.constant 0 : index
    %get3A_44 = vector.load %arg4[%get3A_42, %get3A_43] : memref<128x128xf32, #tpu.memory_space<vmem>>, vector<128x128xf32>
    %dot_general3A_45 = arith.constant dense<0.000000e+00> : vector<1280x128xf32>
    %dot_general3A_46 = tpu.matmul %get3A_41, %get3A_44, %dot_general3A_45 {dimension_numbers = #tpu.dot_dimension_numbers<[1], [0], [0], [1], [0, 0, 1, 1], [], []>, transpose_lhs_hint = false} : vector<1280x128xf32>, vector<128x128xf32>, vector<1280x128xf32> -> vector<1280x128xf32>
    %slice3A_47 = vector.extract_strided_slice %rsqrt3A {offsets = [2, 0], sizes = [1, 1280], strides = [1, 1]} : vector<3x1280xf32> to vector<1x1280xf32>
    %squeeze3A_48 = vector.shape_cast %slice3A_47 : vector<1x1280xf32> to vector<1280xf32>
    %broadcast_in_dim3A_49 = vector.shape_cast %squeeze3A_48 : vector<1280xf32> to vector<1280x1xf32>
    %mul3A_50 = vector.broadcast %broadcast_in_dim3A_49 : vector<1280x1xf32> to vector<1280x128xf32>
    %mul3A_51 = arith.mulf %dot_general3A_46, %mul3A_50 : vector<1280x128xf32>
    %swap3A_52 = arith.constant 0 : index
    %swap3A_53 = arith.constant 0 : index
    %swap3A_54 = vector.load %arg8[%swap3A_52, %swap3A_53] : memref<1280x128xf32, #tpu.memory_space<vmem>>, vector<1280x128xf32>
    tpu.vector_store %arg8[%swap3A_52, %swap3A_53], %mul3A_51 {strides = array<i32>} : memref<1280x128xf32, #tpu.memory_space<vmem>>, vector<1280x128xf32>,
    return
  }
  func.func @transform_0(%arg0: i32) -> (i32, i32) {
    %c0_i32 = arith.constant 0 : i32
    %c0_i32_0 = arith.constant 0 : i32
    return %arg0, %c0_i32 : i32, i32
  }
  func.func @transform_1(%arg0: i32) -> (i32, i32) {
    %c0_i32 = arith.constant 0 : i32
    %c0_i32_0 = arith.constant 0 : i32
    %c0_i32_1 = arith.constant 0 : i32
    return %c0_i32, %c0_i32_0 : i32, i32
  }
  func.func @transform_2(%arg0: i32) -> (i32, i32) {
    %c0_i32 = arith.constant 0 : i32
    %c0_i32_0 = arith.constant 0 : i32
    %c0_i32_1 = arith.constant 0 : i32
    return %c0_i32, %c0_i32_0 : i32, i32
  }
  func.func @transform_3(%arg0: i32) -> (i32, i32) {
    %c0_i32 = arith.constant 0 : i32
    %c0_i32_0 = arith.constant 0 : i32
    %c0_i32_1 = arith.constant 0 : i32
    return %c0_i32, %c0_i32_0 : i32, i32
  }
  func.func @transform_4(%arg0: i32) -> (i32, i32, i32) {
    %c0_i32 = arith.constant 0 : i32
    %c0_i32_0 = arith.constant 0 : i32
    %c0_i32_1 = arith.constant 0 : i32
    return %c0_i32, %c0_i32_0, %arg0 : i32, i32, i32
  }
  func.func @transform_5(%arg0: i32) -> (i32, i32) {
    %c0_i32 = arith.constant 0 : i32
    %c0_i32_0 = arith.constant 0 : i32
    return %arg0, %c0_i32 : i32, i32
  }
  func.func @transform_6(%arg0: i32) -> (i32, i32) {
    %c0_i32 = arith.constant 0 : i32
    %c0_i32_0 = arith.constant 0 : i32
    return %arg0, %c0_i32 : i32, i32
  }
  func.func @transform_7(%arg0: i32) -> (i32, i32) {
    %c0_i32 = arith.constant 0 : i32
    %c0_i32_0 = arith.constant 0 : i32
    return %arg0, %c0_i32 : i32, i32
  }
  func.func @transform_8(%arg0: i32) -> (i32, i32) {
    %c0_i32 = arith.constant 0 : i32
    %c0_i32_0 = arith.constant 0 : i32
    return %c0_i32, %arg0 : i32, i32
  }
}

module attributes {stable_mosaic.version = 14 : i64} {
  func.func @_final_body(%arg0: i32, %arg1: memref<2x3x1280x128xf32, #tpu.memory_space<vmem>>, %arg2: memref<1280x128xf32, #tpu.memory_space<vmem>>, %arg3: memref<1280x128xf32, #tpu.memory_space<vmem>>, %arg4: memref<1280x128xf32, #tpu.memory_space<vmem>>, %arg5: memref<3x1280xf32, #tpu.memory_space<vmem>>, %arg6: memref<1280x128xf32, #tpu.memory_space<vmem>>) attributes {dimension_semantics = [#tpu.dimension_semantics<arbitrary>], iteration_bounds = array<i64: 8>, scalar_prefetch = 0 : i64, scratch_operands = 0 : i64, tpu.core_type = #tpu.core_type<tc>, window_params = [{transform_indices = @transform_0, window_bounds = array<i64: 2, 3, 1280, 128>}, {transform_indices = @transform_1, window_bounds = array<i64: 1280, 128>}, {transform_indices = @transform_2, window_bounds = array<i64: 1280, 128>}, {transform_indices = @transform_3, window_bounds = array<i64: 1280, 128>}, {transform_indices = @transform_4, window_bounds = array<i64: 3, 1280>}, {transform_indices = @transform_5, window_bounds = array<i64: 1280, 128>}]} {
    %get3A = arith.constant 0 : index
    %get3A_0 = arith.constant 0 : index
    %get3A_1 = vector.load %arg5[%get3A, %get3A_0] : memref<3x1280xf32, #tpu.memory_space<vmem>>, vector<3x1280xf32>
    %get3A_2 = arith.constant 0 : index
    %get3A_3 = arith.constant 0 : index
    %get3A_4 = arith.constant 0 : index
    %get3A_5 = arith.constant 0 : index
    %get3A_6 = vector.load %arg1[%get3A_2, %get3A_3, %get3A_4, %get3A_5] : memref<2x3x1280x128xf32, #tpu.memory_space<vmem>>, vector<2x3x1280x128xf32>
    %broadcast_in_dim3A = arith.constant 0.000000e+00 : f32
    %broadcast_in_dim3A_7 = vector.broadcast %broadcast_in_dim3A : f32 to vector<1280x128xf32>
    %slice3A = vector.extract_strided_slice %get3A_1 {offsets = [0, 0], sizes = [1, 1280], strides = [1, 1]} : vector<3x1280xf32> to vector<1x1280xf32>
    %squeeze3A = vector.shape_cast %slice3A : vector<1x1280xf32> to vector<1280xf32>
    %broadcast_in_dim3A_8 = vector.shape_cast %squeeze3A : vector<1280xf32> to vector<1280x1xf32>
    %slice3A_9 = vector.extract_strided_slice %get3A_6 {offsets = [0, 0, 0, 0], sizes = [1, 1, 1280, 128], strides = [1, 1, 1, 1]} : vector<2x3x1280x128xf32> to vector<1x1x1280x128xf32>
    %squeeze3A_10 = vector.shape_cast %slice3A_9 : vector<1x1x1280x128xf32> to vector<1280x128xf32>
    %slice3A_11 = vector.extract_strided_slice %get3A_6 {offsets = [1, 0, 0, 0], sizes = [1, 1, 1280, 128], strides = [1, 1, 1, 1]} : vector<2x3x1280x128xf32> to vector<1x1x1280x128xf32>
    %squeeze3A_12 = vector.shape_cast %slice3A_11 : vector<1x1x1280x128xf32> to vector<1280x128xf32>
    %add3A = arith.addf %squeeze3A_10, %squeeze3A_12 : vector<1280x128xf32>
    %get3A_13 = arith.constant 0 : index
    %get3A_14 = arith.constant 0 : index
    %get3A_15 = vector.load %arg2[%get3A_13, %get3A_14] : memref<1280x128xf32, #tpu.memory_space<vmem>>, vector<1280x128xf32>
    %add3A_16 = arith.addf %add3A, %get3A_15 : vector<1280x128xf32>
    %mul3A = vector.broadcast %broadcast_in_dim3A_8 : vector<1280x1xf32> to vector<1280x128xf32>
    %mul3A_17 = arith.mulf %mul3A, %add3A_16 : vector<1280x128xf32>
    %add3A_18 = arith.addf %broadcast_in_dim3A_7, %mul3A_17 : vector<1280x128xf32>
    %slice3A_19 = vector.extract_strided_slice %get3A_1 {offsets = [1, 0], sizes = [1, 1280], strides = [1, 1]} : vector<3x1280xf32> to vector<1x1280xf32>
    %squeeze3A_20 = vector.shape_cast %slice3A_19 : vector<1x1280xf32> to vector<1280xf32>
    %broadcast_in_dim3A_21 = vector.shape_cast %squeeze3A_20 : vector<1280xf32> to vector<1280x1xf32>
    %slice3A_22 = vector.extract_strided_slice %get3A_6 {offsets = [0, 1, 0, 0], sizes = [1, 1, 1280, 128], strides = [1, 1, 1, 1]} : vector<2x3x1280x128xf32> to vector<1x1x1280x128xf32>
    %squeeze3A_23 = vector.shape_cast %slice3A_22 : vector<1x1x1280x128xf32> to vector<1280x128xf32>
    %slice3A_24 = vector.extract_strided_slice %get3A_6 {offsets = [1, 1, 0, 0], sizes = [1, 1, 1280, 128], strides = [1, 1, 1, 1]} : vector<2x3x1280x128xf32> to vector<1x1x1280x128xf32>
    %squeeze3A_25 = vector.shape_cast %slice3A_24 : vector<1x1x1280x128xf32> to vector<1280x128xf32>
    %add3A_26 = arith.addf %squeeze3A_23, %squeeze3A_25 : vector<1280x128xf32>
    %get3A_27 = arith.constant 0 : index
    %get3A_28 = arith.constant 0 : index
    %get3A_29 = vector.load %arg3[%get3A_27, %get3A_28] : memref<1280x128xf32, #tpu.memory_space<vmem>>, vector<1280x128xf32>
    %add3A_30 = arith.addf %add3A_26, %get3A_29 : vector<1280x128xf32>
    %mul3A_31 = vector.broadcast %broadcast_in_dim3A_21 : vector<1280x1xf32> to vector<1280x128xf32>
    %mul3A_32 = arith.mulf %mul3A_31, %add3A_30 : vector<1280x128xf32>
    %add3A_33 = arith.addf %add3A_18, %mul3A_32 : vector<1280x128xf32>
    %slice3A_34 = vector.extract_strided_slice %get3A_1 {offsets = [2, 0], sizes = [1, 1280], strides = [1, 1]} : vector<3x1280xf32> to vector<1x1280xf32>
    %squeeze3A_35 = vector.shape_cast %slice3A_34 : vector<1x1280xf32> to vector<1280xf32>
    %broadcast_in_dim3A_36 = vector.shape_cast %squeeze3A_35 : vector<1280xf32> to vector<1280x1xf32>
    %slice3A_37 = vector.extract_strided_slice %get3A_6 {offsets = [0, 2, 0, 0], sizes = [1, 1, 1280, 128], strides = [1, 1, 1, 1]} : vector<2x3x1280x128xf32> to vector<1x1x1280x128xf32>
    %squeeze3A_38 = vector.shape_cast %slice3A_37 : vector<1x1x1280x128xf32> to vector<1280x128xf32>
    %slice3A_39 = vector.extract_strided_slice %get3A_6 {offsets = [1, 2, 0, 0], sizes = [1, 1, 1280, 128], strides = [1, 1, 1, 1]} : vector<2x3x1280x128xf32> to vector<1x1x1280x128xf32>
    %squeeze3A_40 = vector.shape_cast %slice3A_39 : vector<1x1x1280x128xf32> to vector<1280x128xf32>
    %add3A_41 = arith.addf %squeeze3A_38, %squeeze3A_40 : vector<1280x128xf32>
    %get3A_42 = arith.constant 0 : index
    %get3A_43 = arith.constant 0 : index
    %get3A_44 = vector.load %arg4[%get3A_42, %get3A_43] : memref<1280x128xf32, #tpu.memory_space<vmem>>, vector<1280x128xf32>
    %add3A_45 = arith.addf %add3A_41, %get3A_44 : vector<1280x128xf32>
    %mul3A_46 = vector.broadcast %broadcast_in_dim3A_36 : vector<1280x1xf32> to vector<1280x128xf32>
    %mul3A_47 = arith.mulf %mul3A_46, %add3A_45 : vector<1280x128xf32>
    %add3A_48 = arith.addf %add3A_33, %mul3A_47 : vector<1280x128xf32>
    %swap3A = arith.constant 0 : index
    %swap3A_49 = arith.constant 0 : index
    %swap3A_50 = vector.load %arg6[%swap3A, %swap3A_49] : memref<1280x128xf32, #tpu.memory_space<vmem>>, vector<1280x128xf32>
    tpu.vector_store %arg6[%swap3A, %swap3A_49], %add3A_48 {strides = array<i32>} : memref<1280x128xf32, #tpu.memory_space<vmem>>, vector<1280x128xf32>,
    return
  }
  func.func @transform_0(%arg0: i32) -> (i32, i32, i32, i32) {
    %c0_i32 = arith.constant 0 : i32
    %c0_i32_0 = arith.constant 0 : i32
    %c0_i32_1 = arith.constant 0 : i32
    %c0_i32_2 = arith.constant 0 : i32
    return %c0_i32, %c0_i32_0, %arg0, %c0_i32_1 : i32, i32, i32, i32
  }
  func.func @transform_1(%arg0: i32) -> (i32, i32) {
    %c0_i32 = arith.constant 0 : i32
    %c0_i32_0 = arith.constant 0 : i32
    return %arg0, %c0_i32 : i32, i32
  }
  func.func @transform_2(%arg0: i32) -> (i32, i32) {
    %c0_i32 = arith.constant 0 : i32
    %c0_i32_0 = arith.constant 0 : i32
    return %arg0, %c0_i32 : i32, i32
  }
  func.func @transform_3(%arg0: i32) -> (i32, i32) {
    %c0_i32 = arith.constant 0 : i32
    %c0_i32_0 = arith.constant 0 : i32
    return %arg0, %c0_i32 : i32, i32
  }
  func.func @transform_4(%arg0: i32) -> (i32, i32) {
    %c0_i32 = arith.constant 0 : i32
    %c0_i32_0 = arith.constant 0 : i32
    return %c0_i32, %arg0 : i32, i32
  }
  func.func @transform_5(%arg0: i32) -> (i32, i32) {
    %c0_i32 = arith.constant 0 : i32
    %c0_i32_0 = arith.constant 0 : i32
    return %arg0, %c0_i32 : i32, i32
  }
}

</mosaic_0001>

<sc_bundles>
// kernel: kernel.6.cloned.1.call-start
scs
__scs_entry_jumppad:
0x0: {  	(pc) =	sbr.rel $0x88, $3  }
0x1: {  	(tag) =	ssettag $0x0;
	lr =	simm.s32 $0x1  }
0x2: {  	[smem:$0x3F9A] =	sst lr;
	_ =	strace $0xD0000000  }
0x3: {  	_ = 	snop  }
0x4: {  	_ = 	snop  }
0x5: {  	_ = 	snop  }
0x6: {  	_ = 	snop  }
0x7: {  	_ = 	snop  }
__scs_overlays_trampoline_lowered:
0x8: {  	[smem:$0x3FA9] =	sst s0  }
0x9: {  	[smem:$0x3FAA] =	sst s1  }
0xa: {  	[smem:$0x3FAB] =	sst s2  }
0xb: {  	[smem:$0x3FAC] =	sst s3  }
0xc: {  	[smem:$0x3FAD] =	sst s4  }
0xd: {  	[smem:$0x3FAE] =	sst s5  }
0xe: {  	[smem:$0x3FAF] =	sst s6  }
0xf: {  	[smem:$0x3FB0] =	sst s7  }
0x10: {  	[smem:$0x3FB1] =	sst s8  }
0x11: {  	[smem:$0x3FB2] =	sst s9;
	s0 =	simm.s32 @!p0 $0x0  }
0x12: {  	s1 =	sld [smem:$0x3F98];
	s0 =	simm.s32 @p0 $0x1  }
0x13: {  	[smem:$0x3FB3] =	sst s0;
	s0 =	simm.s32 @!p1 $0x0  }
0x14: {  	s2 =	sld [smem:$0x3F97];
	s0 =	simm.s32 @p1 $0x1  }
0x15: {  	[smem:$0x3FB4] =	sst s0;
	s0 =	simm.s32 @!p2 $0x0  }
0x16: {  	s3 =	sld [smem:$0x3FDB];
	s0 =	simm.s32 @p2 $0x1  }
0x17: {  	s4 =	simm.s32 $0x1BF5;
	[smem:$0x3FB6] =	sst s0  }
0x18: {  	s0 =	sld [smem:$0x3F99];
	_ =	swait.ge [sflag:s4], $0x0  }
0x19: {  	s7 =	sld [smem:$0x3F9A]  }
0x1a: {  	s8 =	sadd.s32 $0xFFFFE003, lr  }
0x1b: {  	s9 =	sadd.s32 $0xFFFFFEF7, lr;
	s5 =	simm.s32 $0xFFFFFFFF;
	p2 =	slt.u32 s8, $0xFFFFF086  }
0x1c: {  	p1 =	slt.u32 s9, $0xF7A;
	s5 =	simm.s32 @!p2 $0x0  }
0x1d: {  	s5 =	simm.s32 @p1 $0x1;
	p0 =	seq.s32 s7, s2  }
0x1e: {  	s7 =	smul.u32 @!p0 $0xF7A, s2;
	p2 =	seq.s32 @!p0 s5, $0x0  }
0x1f: {  	s9 =	smul.u32 $0xF7A, s1;
	s8 =	simm.s32 @!p0 $0x1BF5;
	p2 =	por !p2, p0  }
0x20: {  	[sflag:s8] =	ssyncset.s32 @!p0 $0xFFFFF086;
	s6 =	sadd.s32 @!p0 s3, s7;
	s7 =	simm.s32 @!p0 $0x108  }
0x21: {  	s3 =	sadd.s32 s3, s9;
	s6 =	sadd.s32 @!p0 $0x88, s6;
	s7 =	simm.s32 @p2 $0x1082  }
0x22: {  	[simem:s7], [sflag:s8] =	dma.local @!p0 [hbm:s6], $0xF7A  }
0x23: {  	s9 =	sor.u32 $0xD0000000, s2;
	s6 =	simm.s32 $0x108;
	_ =	swait.ge @!p0 [sflag:s8], $0x0  }
0x24: {  	s3 =	sadd.s32 $0x88, s3;
	s6 =	simm.s32 @!p1 $0x1082;
	[sflag:s4] =	ssyncset.s32 $0xFFFFF086  }
0x25: {  	[simem:s6], [sflag:s4] =	dma.local [hbm:s3], $0xF7A  }
0x26: {  	[smem:$0x3F9A] =	sst s1;
	(tag) =	ssettag s2;
	_ =	strace s9  }
0x27: {  	s1 =	sld [smem:$0x3FAA]  }
0x28: {  	s2 =	sld [smem:$0x3FAB]  }
0x29: {  	s4 =	sld [smem:$0x3FAD]  }
0x2a: {  	p0 =	seq.s32 s5, $0x0;
	s5 =	sld [smem:$0x3FAE]  }
0x2b: {  	s6 =	sld [smem:$0x3FAF]  }
0x2c: {  	s7 =	sld [smem:$0x3FB0]  }
0x2d: {  	s3 =	simm.s32 $0x108;
	s8 =	sld [smem:$0x3FB1]  }
0x2e: {  	s3 =	simm.s32 @!p0 $0x1082;
	s9 =	sld [smem:$0x3FB2]  }
0x2f: {  	lr =	sadd.s32 s0, s3;
	s0 =	sld [smem:$0x3FA9]  }
0x30: {  	s3 =	sld [smem:$0x3FAC]  }
0x31: {  	[smem:$0x3FB5] =	sst s10  }
0x32: {  	s10 =	sld [smem:$0x3FB3];
	_ =	sdelay $0x3  }
0x33: {  	p0 =	seq.s32 s10, $0x1;
	s10 =	sld [smem:$0x3FB5];
	_ =	sdelay $0x3  }
0x34: {  	[smem:$0x3FB5] =	sst s10  }
0x35: {  	s10 =	sld [smem:$0x3FB4];
	_ =	sdelay $0x3  }
0x36: {  	p1 =	seq.s32 s10, $0x1;
	s10 =	sld [smem:$0x3FB5];
	_ =	sdelay $0x3  }
0x37: {  	[smem:$0x3FB5] =	sst s10  }
0x38: {  	s10 =	sld [smem:$0x3FB6]  }
0x39: {  	_ = 	snop;
	(pc) =	sbr.ind lr, $3  }
0x3a: {  	_ = 	snop  }
0x3b: {  	_ = 	snop  }
0x3c: {  	p2 =	seq.s32 s10, $0x1;
	s10 =	sld [smem:$0x3FB5]  }
0x3d: {  	_ =	shalt  }
0x3e: {  	_ =	shalt  }
0x3f: {  	_ =	shalt  }
0x40: {  	_ =	shalt  }
0x41: {  	_ =	shalt  }
0x42: {  	_ =	shalt  }
0x43: {  	_ =	shalt  }
0x44: {  	_ =	shalt  }
0x45: {  	_ =	shalt  }
0x46: {  	_ =	shalt  }
0x47: {  	_ =	shalt  }
0x48: {  	_ =	shalt  }
0x49: {  	_ =	shalt  }
0x4a: {  	_ =	shalt  }
0x4b: {  	_ =	shalt  }
0x4c: {  	_ =	shalt  }
0x4d: {  	_ =	shalt  }
0x4e: {  	_ =	shalt  }
0x4f: {  	_ =	shalt  }
0x50: {  	_ =	shalt  }
0x51: {  	_ =	shalt  }
0x52: {  	_ =	shalt  }
0x53: {  	_ =	shalt  }
0x54: {  	_ =	shalt  }
0x55: {  	_ =	shalt  }
0x56: {  	_ =	shalt  }
0x57: {  	_ =	shalt  }
0x58: {  	_ =	shalt  }
0x59: {  	_ =	shalt  }
0x5a: {  	_ =	shalt  }
0x5b: {  	_ =	shalt  }
0x5c: {  	_ =	shalt  }
0x5d: {  	_ =	shalt  }
0x5e: {  	_ =	shalt  }
0x5f: {  	_ =	shalt  }
0x60: {  	_ =	shalt  }
0x61: {  	_ =	shalt  }
0x62: {  	_ =	shalt  }
0x63: {  	_ =	shalt  }
0x64: {  	_ =	shalt  }
0x65: {  	_ =	shalt  }
0x66: {  	_ =	shalt  }
0x67: {  	_ =	shalt  }
0x68: {  	_ =	shalt  }
0x69: {  	_ =	shalt  }
0x6a: {  	_ =	shalt  }
0x6b: {  	_ =	shalt  }
0x6c: {  	_ =	shalt  }
0x6d: {  	_ =	shalt  }
0x6e: {  	_ =	shalt  }
0x6f: {  	_ =	shalt  }
0x70: {  	_ =	shalt  }
0x71: {  	_ =	shalt  }
0x72: {  	_ =	shalt  }
0x73: {  	_ =	shalt  }
0x74: {  	_ =	shalt  }
0x75: {  	_ =	shalt  }
0x76: {  	_ =	shalt  }
0x77: {  	_ =	shalt  }
0x78: {  	_ =	shalt  }
0x79: {  	_ =	shalt  }
0x7a: {  	_ =	shalt  }
0x7b: {  	_ =	shalt  }
0x7c: {  	_ =	shalt  }
0x7d: {  	_ =	shalt  }
0x7e: {  	_ =	shalt  }
0x7f: {  	_ =	shalt  }
0x80: {  	_ =	shalt  }
0x81: {  	_ =	shalt  }
0x82: {  	_ =	shalt  }
0x83: {  	_ =	shalt  }
0x84: {  	_ =	shalt  }
0x85: {  	_ =	shalt  }
0x86: {  	_ =	shalt  }
0x87: {  	_ =	shalt  }
.Lfunc_end0:
.L_simem_size_0:
called_computation_lowered:
.L_overlay_start_0:
0x88: {  	s2 =	sld [smem:$0x3FD9]  }
0x89: {  	s3 =	sld [smem:$0x3FFE];
	_ =	sdelay $0x1  }
0x8a: {  	s1 =	srdreg.scid  }
0x8b: {  	s0 =	sand.u32 $0x1, s1  }
0x8c: {  	s17 =	sshll.u32 s0, $0xA;
	s2 =	sadd.s32 s3, s2  }
0x8d: {  	s2 =	sadd.s32 s2, s17  }
0x8e: {  	[smem:$0x3FC1] =	sst s2  }
0x8f: {  	_ = 	snop  }
0x90: {  	s2 =	sld [smem:$0x3FD0];
	(tm) =	ssettm $0x1  }
0x91: {  	s18 =	sld [smem:$0x3FFB];
	_ =	sdelay $0x3  }
0x92: {  	_ =	strace s18  }
0x93: {  	s3 =	sld [smem:$0x3FFC];
	_ =	sdelay $0x3  }
0x94: {  	_ =	strace s3  }
0x95: {  	s3 =	sld [smem:$0x3FFD];
	_ =	sdelay $0x3  }
0x96: {  	_ =	strace s3  }
0x97: {  	_ =	strace $0x8FFFFFFF  }
0x98: {  	s19 =	sld [smem:$0x3FDB];
	_ =	sdelay $0x1  }
0x99: {  	s4 =	simm.s32 $_scs_section_size  }
0x9a: {  	s5 =	simm.s32 $_size__tile_overlayer_lowered;
	s6 =	simm.s32 $_tile_overlayer_lowered  }
0x9b: {  	s22 =	simm.s32 $0x1BFF;
	s21 =	sshll.u32 s6, $0x1;
	s3 =	sadd.s32 s4, s19  }
0x9c: {  	s7 =	simm.s32 $0x0;
	s20 =	sshll.u32 s5, $0x1;
	s5 =	sadd.s32 s21, s3  }
0x9d: {  	[timem:s7], [sflag:s22] =	dma.local [hbm:s5], s20  }
0x9e: {  	_ =	swait.ge [sflag:s22], s20  }
0x9f: {  	s4 =	ssub.s32 $0x0, s20;
	[sflag:s22] =	ssyncset.done $0x0  }
0xa0: {  	[sflag:s22] =	ssyncadd.s32 s4;
	_ =	sdelay $0x1  }
0xa1: {  	s23 =	simm.s32 $0x1B8B  }
0xa2: {  	_ =	swait.ge [sflag:s23], $0x1  }
0xa3: {  	[sflag:s23] =	ssyncset.done $0x0  }
0xa4: {  	s25 =	simm.s32 $0x1B8E;
	s24 =	sld [smem:$0x3FFE];
	[sflag:s23] =	ssyncadd.s32 $0xFFFFFFFF  }
0xa5: {  	s26 =	simm.s32 $execute0_lowered;
	[smem:$0x3FD2] =	sst s25  }
0xa6: {  	s5 =	sshll.u32 s26, $0x1;
	_ =	strace $0x80000046;
	[dreg:$0x1] =	wrdreg $0xFFFFFFFF  }
0xa7: {  	s28 =	simm.s32 $_size_execute0_lowered;
	s3 =	sadd.s32 s3, s5;
	[dreg:$0x0] =	wrdreg $0x0  }
0xa8: {  	s5 =	sshll.u32 s28, $0x1;
	[dreg:$0x2] =	wrdreg s3  }
0xa9: {  	[dreg:$0x3] =	wrdreg s5  }
0xaa: {  	[dreg:$0x4] =	wrdreg $0xC0  }
0xab: {  	_ =	task [dreg:s7], $0x5FFFF  }
0xac: {  	[dreg:$0x1] =	wrdreg $0xFFFFFFFF  }
0xad: {  	[dreg:$0x0] =	wrdreg $0x60  }
0xae: {  	[dreg:$0x2] =	wrdreg s2  }
0xaf: {  	[dreg:$0x3] =	wrdreg s24  }
0xb0: {  	[dreg:$0x4] =	wrdreg $0x2B000  }
0xb1: {  	[dreg:$0x5] =	wrdreg $0x2D800  }
0xb2: {  	[dreg:$0x6] =	wrdreg $0x30000  }
0xb3: {  	[dreg:$0x7] =	wrdreg $0x9  }
0xb4: {  	_ =	task.clear_ibuf [dreg:s7], $0x8FFFF;
	_ =	strace $0x90000046  }
0xb5: {  	s29 =	simm.s32 $0x9;
	_ =	strace $0x80000048  }
0xb6: {  	_ =	swait.ge [sflag:s29], $0x1  }
0xb7: {  	[sflag:s29] =	ssyncadd.s32 $0xFFFFFFFF  }
0xb8: {  	_ =	strace $0x90000048  }
0xb9: {  	_ =	sfence  }
0xba: {  	s30 =	sld [smem:$0x0];
	_ =	sdelay $0x2  }
0xbb: {  	s31 =	sshll.u32 s1, $0xD;
	s1 =	sshrl.u32 s1, $0x2  }
0xbc: {  	s3 =	sand.u32 $0x4000, s31;
	s1 =	sadd.s32 s1, s30  }
0xbd: {  	s0 =	sor.u32 s3, s0;
	s1 =	sshll.u32 s1, $0x11  }
0xbe: {  	s0 =	sor.u32 s1, s0  }
0xbf: {  	s0 =	sadd.s32 $0x8F2B, s0  }
0xc0: {  	[sflag:s0] =	ssyncadd.remote.s32 $0x1  }
0xc1: {  	_ =	sfence.sel $0xFFFF  }
0xc2: {  	[dreg:$0x0] =	wrdreg $0xFFFFFFFF;
	(pc) =	sbr.abs _section_cstart, $3  }
0xc3: {  	[dreg:$0x1] =	wrdreg $0xFFFFFFFF  }
0xc4: {  	_ =	task.clear_ibuf [dreg:s7], $0x2FFFF;
	_ =	strace $0x9FFFFFFF  }
0xc5: {  	(tm) =	ssettm $0x7FFFFFFF  }
tec
execute0_lowered:
.L_overlay_start_1:
0x0: {  	(tag) =	ssettag $0x1  }
0x1: {  	s11 =	rddreg [dreg:$0x0]  }
0x2: {  	s8 =	rddreg [dreg:$0x1]  }
0x3: {  	s1 =	rddreg [dreg:$0x2]  }
0x4: {  	s3 =	rddreg [dreg:$0x3]  }
0x5: {  	s4 =	rddreg [dreg:$0x4]  }
0x6: {  	s0 =	rddreg [dreg:$0x5]  }
0x7: {  	s6 =	srdreg.scid;
	s2 =	stileid.u32;
	s5 =	simm.s32 $0x0  }
0x8: {  	s18 =	simm.s32 $0x2800;
	s19 =	simm.s32 $0x2;
	s20 =	simm.s32 $0x2880  }
0x9: {  	s21 =	simm.s32 $0x7D;
	s22 =	simm.s32 $0x1;
	s10 =	smul.u32 $0x280, s2  }
0xa: {  	s23 =	simm.s32 $0x0;
	s9 =	sand.u32 $0x1, s6;
	s14 =	smul.u32 $0x2800, s2  }
0xb: {  	[smem:$0x7FF] =	sst s5;
	s6 =	sadd.s32 $0x4200, s8;
	s7 =	smul.u32 $0x7800, s9  }
0xc: {  	_ =	strace $0x80000047;
	s12 =	smul.u32 $0x28000, s9;
	s9 =	ssub.s32 $0x2, s9  }
0xd: {  	s31 =	sshrl.u32 s9, $0x1;
	s13 =	sadd.s32 s10, s7;
	s7 =	sadd.s32 $0x4400, s8  }
0xe: {  	s12 =	sadd.s32 s14, s12;
	s17 =	ssub.s32 s9, s31;
	s9 =	sadd.s32 s10, s3  }
0xf: {  	s13 =	sshrl.u32 s13, $0x3;
	s12 =	sshrl.u32 s12, $0x3;
	s17 =	smax.u32 s17, $0x1  }
0x10: {  	s16 =	sadd.s32 s13, s8;
	s8 =	sadd.s32 s10, s1;
	s11 =	sadd.s32 s11, s12  }
0x11: {  	s10 =	sadd.s32 s10, s4;
	s12 =	sadd.s32 $0xA000, s11;
	s13 =	sadd.s32 $0x14000, s11  }
0x12: {  	s14 =	sadd.s32 $0x4600, s16;
	s15 =	sadd.s32 $0x4B00, s16;
	s16 =	sadd.s32 $0x5000, s16  }
.LBB2_1:
0x13: {  	[tilespmem:s18], [sflag:$0x2] =	stream.linear.gather [hbm4b:s6+s5], $0x80, $0x38;
	[tilespmem:$0x3280] =	vst v63  }
0x14: {  	_ =	swait.ge [sflag:s19], $0x80  }
0x15: {  	[sflag:s19] =	ssyncset.done $0x0  }
0x16: {  	[sflag:s19] =	ssyncadd.s32 $0xFFFFFF80  }
0x17: {  	[tilespmem:s20], [sflag:$0x2] =	stream.linear.gather [hbm4b:s7+s5], $0x280, $0x38;
	[tilespmem:$0x3280] =	vst v63  }
0x18: {  	_ =	swait.ge [sflag:s19], $0x280  }
0x19: {  	[sflag:s19] =	ssyncset.done $0x0  }
0x1a: {  	[sflag:s19] =	ssyncadd.s32 $0xFFFFFD80  }
0x1b: {  	[spmem:s8] =	stream.linear.scatter [tilespmem:s20], [sflag:$0x2], $0x280, $0x38;
	[tilespmem:$0x3280] =	vst v63  }
0x1c: {  	_ =	swait.ge [sflag:s19], $0x280  }
0x1d: {  	[sflag:s19] =	ssyncset.done $0x0  }
0x1e: {  	[sflag:s19] =	ssyncadd.s32 $0xFFFFFD80  }
0x1f: {  	[spmem:s9] =	stream.linear.scatter [tilespmem:s20], [sflag:$0x2], $0x280, $0x38;
	[tilespmem:$0x3280] =	vst v63  }
0x20: {  	_ =	swait.ge [sflag:s19], $0x280  }
0x21: {  	[sflag:s19] =	ssyncset.done $0x0  }
0x22: {  	[sflag:s19] =	ssyncadd.s32 $0xFFFFFD80  }
0x23: {  	[spmem:s10] =	stream.linear.scatter [tilespmem:s20], [sflag:$0x2], $0x280, $0x38;
	[tilespmem:$0x3280] =	vst v63  }
0x24: {  	_ =	swait.ge [sflag:s19], $0x280  }
0x25: {  	[sflag:s19] =	ssyncset.done $0x0  }
0x26: {  	[sflag:s19] =	ssyncadd.s32 $0xFFFFFD80  }
0x27: {  	[bflag:$0x0] =	sbarrier.arrive $0xFFFF  }
0x28: {  	[tilespmem:s5], [sflag:$0x2] =	stream.linear.gather [hbm4b:s11+s5], $0x2800, $0x38;
	[tilespmem:$0x3280] =	vst v63  }
0x29: {  	_ =	swait.ge [sflag:s19], $0x2800  }
0x2a: {  	[sflag:s19] =	ssyncset.done $0x0  }
0x2b: {  	s24 =	simm.s32 $0x0;
	[sflag:s19] =	ssyncadd.s32 $0xFFFFD800  }
.LBB2_2:
0x2c: {  	p0 =	sne.s32 s24, $0x9E00  }
.Ltmp0:
0x2d: {  	_ = 	snop;
	(pc) =	sbr.rel @p0 .LBB2_2-.Ltmp0, $3  }
0x2e: {  	_ =	sdelay $0x1  }
0x2f: {  	s25 =	sshra.s32 s24, $0x2;
	s24 =	sadd.s32 $0x200, s24  }
0x30: {  	[spmem:s1] =	stream.indirect.scatter.add.f32 [tilespmem:s18], [sflag:$0x1], $0x1, s25, s21, $0xb8;
	[tilespmem:$0x3280] =	vst v63  }
0x31: {  	_ =	swait.ge [sflag:s22], $0x7D  }
0x32: {  	s24 =	simm.s32 $0x4F;
	[sflag:s22] =	ssyncset.done $0x0  }
.LBB2_4:
0x33: {  	p0 =	sne.s32 s24, $0x1;
	s24 =	sadd.s32 $0xFFFFFFFF, s24;
	[sflag:s22] =	ssyncadd.s32 $0xFFFFFF83  }
.Ltmp1:
0x34: {  	(pc) =	sbr.rel @p0 .LBB2_4-.Ltmp1, $3  }
0x35: {  	_ =	sdelay $0x1  }
0x36: {  	_ =	swait.ge [sflag:s22], $0x7D  }
0x37: {  	[sflag:s22] =	ssyncset.done $0x0  }
0x38: {  	[sflag:s22] =	ssyncadd.s32 $0xFFFFFF83;
	s24 =	simm.s32 $0x0  }
0x39: {  	[tilespmem:s24], [sflag:$0x2] =	stream.linear.gather [hbm4b:s12+s24], $0x2800, $0x38;
	[tilespmem:$0x3280] =	vst v63  }
0x3a: {  	_ =	swait.ge [sflag:s19], $0x2800  }
0x3b: {  	[sflag:s19] =	ssyncset.done $0x0  }
0x3c: {  	[sflag:s19] =	ssyncadd.s32 $0xFFFFD800  }
.LBB2_6:
0x3d: {  	p0 =	sne.s32 s24, $0x9E00  }
.Ltmp2:
0x3e: {  	_ = 	snop;
	(pc) =	sbr.rel @p0 .LBB2_6-.Ltmp2, $3  }
0x3f: {  	_ =	sdelay $0x1  }
0x40: {  	s25 =	sshra.s32 s24, $0x2;
	s24 =	sadd.s32 $0x200, s24  }
0x41: {  	[spmem:s3] =	stream.indirect.scatter.add.f32 [tilespmem:s18], [sflag:$0x1], $0x1, s25, s21, $0xb8;
	[tilespmem:$0x3280] =	vst v63  }
0x42: {  	_ =	swait.ge [sflag:s22], $0x7D  }
0x43: {  	s24 =	simm.s32 $0x4F;
	[sflag:s22] =	ssyncset.done $0x0  }
.LBB2_8:
0x44: {  	p0 =	sne.s32 s24, $0x1;
	s24 =	sadd.s32 $0xFFFFFFFF, s24;
	[sflag:s22] =	ssyncadd.s32 $0xFFFFFF83  }
.Ltmp3:
0x45: {  	(pc) =	sbr.rel @p0 .LBB2_8-.Ltmp3, $3  }
0x46: {  	_ =	sdelay $0x1  }
0x47: {  	_ =	swait.ge [sflag:s22], $0x7D  }
0x48: {  	[sflag:s22] =	ssyncset.done $0x0  }
0x49: {  	[sflag:s22] =	ssyncadd.s32 $0xFFFFFF83;
	s24 =	simm.s32 $0x0  }
0x4a: {  	[tilespmem:s24], [sflag:$0x2] =	stream.linear.gather [hbm4b:s13+s24], $0x2800, $0x38;
	[tilespmem:$0x3280] =	vst v63  }
0x4b: {  	_ =	swait.ge [sflag:s19], $0x2800  }
0x4c: {  	[sflag:s19] =	ssyncset.done $0x0  }
0x4d: {  	[sflag:s19] =	ssyncadd.s32 $0xFFFFD800  }
.LBB2_10:
0x4e: {  	p0 =	sne.s32 s24, $0x9E00  }
.Ltmp4:
0x4f: {  	_ = 	snop;
	(pc) =	sbr.rel @p0 .LBB2_10-.Ltmp4, $3  }
0x50: {  	_ =	sdelay $0x1  }
0x51: {  	s25 =	sshra.s32 s24, $0x2;
	s24 =	sadd.s32 $0x200, s24  }
0x52: {  	[spmem:s4] =	stream.indirect.scatter.add.f32 [tilespmem:s18], [sflag:$0x1], $0x1, s25, s21, $0xb8;
	[tilespmem:$0x3280] =	vst v63  }
0x53: {  	_ =	swait.ge [sflag:s22], $0x7D  }
0x54: {  	s24 =	simm.s32 $0x4F;
	[sflag:s22] =	ssyncset.done $0x0  }
.LBB2_12:
0x55: {  	p0 =	sne.s32 s24, $0x1;
	s24 =	sadd.s32 $0xFFFFFFFF, s24;
	[sflag:s22] =	ssyncadd.s32 $0xFFFFFF83  }
.Ltmp5:
0x56: {  	(pc) =	sbr.rel @p0 .LBB2_12-.Ltmp5, $3  }
0x57: {  	_ =	sdelay $0x1  }
0x58: {  	_ =	swait.ge [sflag:s22], $0x7D  }
0x59: {  	[sflag:s22] =	ssyncset.done $0x0  }
0x5a: {  	[sflag:s22] =	ssyncadd.s32 $0xFFFFFF83;
	s24 =	sshll.u32 s2, $0x6  }
0x5b: {  	s25 =	sshrl.u32 s8, $0x3;
	[bflag:$0x0] =	sbarrier.arrive $0xFFFF;
	s24 =	sor.u32 $0x1C02, s24  }
0x5c: {  	[hbm:s14], [sflag:s24] =	dma.local [spmem:s25], $0x50  }
0x5d: {  	_ =	swait.ge [sflag:s19], $0x50  }
0x5e: {  	[sflag:s19] =	ssyncset.done $0x0  }
0x5f: {  	s30 =	sshrl.u32 s9, $0x3;
	[sflag:s19] =	ssyncadd.s32 $0xFFFFFFB0  }
0x60: {  	[hbm:s15], [sflag:s24] =	dma.local [spmem:s30], $0x50  }
0x61: {  	s23 =	sadd.s32 $0x1, s23;
	_ =	swait.ge [sflag:s19], $0x50  }
0x62: {  	p0 =	sne.s32 s23, s17;
	[sflag:s19] =	ssyncset.done $0x0  }
.Ltmp6:
0x63: {  	s31 =	sshrl.u32 s10, $0x3;
	[sflag:s19] =	ssyncadd.s32 $0xFFFFFFB0;
	(pc) =	sbr.rel @p0 .LBB2_1-.Ltmp6, $4  }
0x64: {  	[hbm:s16], [sflag:s24] =	dma.local [spmem:s31], $0x50  }
0x65: {  	_ =	swait.ge [sflag:s19], $0x50  }
0x66: {  	[sflag:s19] =	ssyncset.done $0x0  }
0x67: {  	[sflag:s19] =	ssyncadd.s32 $0xFFFFFFB0  }
0x68: {  	_ =	sfence.sel $0x180000  }
0x69: {  	[bflag:$0x0] =	sbarrier.arrive $0xFFFF  }
0x6a: {  	p0 =	sne.s32 s2, $0x0;
	_ =	strace $0x90000047  }
0x6b: {  	s0 =	sadd.s32 @!p0 $0x100000, s0;
	[bflag:$0x2] =	sbarrier.arrive $0xFFFF  }
0x6c: {  	[sflag:s0] =	ssyncadd.tile.s32 @!p0 $0x1;
	_ =	shalt  }
.Lfunc_end2:
_tile_overlayer_lowered:
.L_overlay_start_2:
0x6d: {  	(tag) =	ssettag $0x2  }
0x6e: {  	s0 =	rddreg [dreg:$0x0];
	s2 =	stileid.u32  }
0x6f: {  	s1 =	rddreg [dreg:$0x1];
	p0 =	sne.s32 s2, $0x0  }
0x70: {  	s3 =	rddreg [dreg:$0x2];
	[bflag:$0x3] =	sbarrier.arrive $0xFFFF;
	s2 =	simm.s32 @!p0 $0x1C02  }
0x71: {  	[timem:s3], [sflag:s2] =	dma.local @!p0 [hbm:s0], s1  }
0x72: {  	s0 =	simm.s32 @!p0 $0x2  }
0x73: {  	_ =	swait.ge @!p0 [sflag:s0], s1  }
0x74: {  	s1 =	ssub.s32 @!p0 $0x0, s1;
	[sflag:s0] =	ssyncset.done @!p0 $0x0  }
0x75: {  	[sflag:s0] =	ssyncadd.s32 @!p0 s1  }
0x76: {  	[bflag:$0x3] =	sbarrier.arrive $0xFFFF  }
0x77: {  	_ =	shalt  }

// kernel: kernel.9.cloned.1.call-start
scs
__scs_entry_jumppad:
0x0: {  	(pc) =	sbr.rel $0x88, $3  }
0x1: {  	(tag) =	ssettag $0x0;
	lr =	simm.s32 $0x1  }
0x2: {  	[smem:$0x3F9A] =	sst lr;
	_ =	strace $0xD0000000  }
0x3: {  	_ = 	snop  }
0x4: {  	_ = 	snop  }
0x5: {  	_ = 	snop  }
0x6: {  	_ = 	snop  }
0x7: {  	_ = 	snop  }
__scs_overlays_trampoline_lowered:
0x8: {  	[smem:$0x3FA9] =	sst s0  }
0x9: {  	[smem:$0x3FAA] =	sst s1  }
0xa: {  	[smem:$0x3FAB] =	sst s2  }
0xb: {  	[smem:$0x3FAC] =	sst s3  }
0xc: {  	[smem:$0x3FAD] =	sst s4  }
0xd: {  	[smem:$0x3FAE] =	sst s5  }
0xe: {  	[smem:$0x3FAF] =	sst s6  }
0xf: {  	[smem:$0x3FB0] =	sst s7  }
0x10: {  	[smem:$0x3FB1] =	sst s8  }
0x11: {  	[smem:$0x3FB2] =	sst s9;
	s0 =	simm.s32 @!p0 $0x0  }
0x12: {  	s1 =	sld [smem:$0x3F98];
	s0 =	simm.s32 @p0 $0x1  }
0x13: {  	[smem:$0x3FB3] =	sst s0;
	s0 =	simm.s32 @!p1 $0x0  }
0x14: {  	s2 =	sld [smem:$0x3F97];
	s0 =	simm.s32 @p1 $0x1  }
0x15: {  	[smem:$0x3FB4] =	sst s0;
	s0 =	simm.s32 @!p2 $0x0  }
0x16: {  	s3 =	sld [smem:$0x3FDB];
	s0 =	simm.s32 @p2 $0x1  }
0x17: {  	s4 =	simm.s32 $0x1BF5;
	[smem:$0x3FB6] =	sst s0  }
0x18: {  	s0 =	sld [smem:$0x3F99];
	_ =	swait.ge [sflag:s4], $0x0  }
0x19: {  	s7 =	sld [smem:$0x3F9A]  }
0x1a: {  	s8 =	sadd.s32 $0xFFFFE003, lr  }
0x1b: {  	s9 =	sadd.s32 $0xFFFFFEF7, lr;
	s5 =	simm.s32 $0xFFFFFFFF;
	p2 =	slt.u32 s8, $0xFFFFF086  }
0x1c: {  	p1 =	slt.u32 s9, $0xF7A;
	s5 =	simm.s32 @!p2 $0x0  }
0x1d: {  	s5 =	simm.s32 @p1 $0x1;
	p0 =	seq.s32 s7, s2  }
0x1e: {  	s7 =	smul.u32 @!p0 $0xF7A, s2;
	p2 =	seq.s32 @!p0 s5, $0x0  }
0x1f: {  	s9 =	smul.u32 $0xF7A, s1;
	s8 =	simm.s32 @!p0 $0x1BF5;
	p2 =	por !p2, p0  }
0x20: {  	[sflag:s8] =	ssyncset.s32 @!p0 $0xFFFFF086;
	s6 =	sadd.s32 @!p0 s3, s7;
	s7 =	simm.s32 @!p0 $0x108  }
0x21: {  	s3 =	sadd.s32 s3, s9;
	s6 =	sadd.s32 @!p0 $0x88, s6;
	s7 =	simm.s32 @p2 $0x1082  }
0x22: {  	[simem:s7], [sflag:s8] =	dma.local @!p0 [hbm:s6], $0xF7A  }
0x23: {  	s9 =	sor.u32 $0xD0000000, s2;
	s6 =	simm.s32 $0x108;
	_ =	swait.ge @!p0 [sflag:s8], $0x0  }
0x24: {  	s3 =	sadd.s32 $0x88, s3;
	s6 =	simm.s32 @!p1 $0x1082;
	[sflag:s4] =	ssyncset.s32 $0xFFFFF086  }
0x25: {  	[simem:s6], [sflag:s4] =	dma.local [hbm:s3], $0xF7A  }
0x26: {  	[smem:$0x3F9A] =	sst s1;
	(tag) =	ssettag s2;
	_ =	strace s9  }
0x27: {  	s1 =	sld [smem:$0x3FAA]  }
0x28: {  	s2 =	sld [smem:$0x3FAB]  }
0x29: {  	s4 =	sld [smem:$0x3FAD]  }
0x2a: {  	p0 =	seq.s32 s5, $0x0;
	s5 =	sld [smem:$0x3FAE]  }
0x2b: {  	s6 =	sld [smem:$0x3FAF]  }
0x2c: {  	s7 =	sld [smem:$0x3FB0]  }
0x2d: {  	s3 =	simm.s32 $0x108;
	s8 =	sld [smem:$0x3FB1]  }
0x2e: {  	s3 =	simm.s32 @!p0 $0x1082;
	s9 =	sld [smem:$0x3FB2]  }
0x2f: {  	lr =	sadd.s32 s0, s3;
	s0 =	sld [smem:$0x3FA9]  }
0x30: {  	s3 =	sld [smem:$0x3FAC]  }
0x31: {  	[smem:$0x3FB5] =	sst s10  }
0x32: {  	s10 =	sld [smem:$0x3FB3];
	_ =	sdelay $0x3  }
0x33: {  	p0 =	seq.s32 s10, $0x1;
	s10 =	sld [smem:$0x3FB5];
	_ =	sdelay $0x3  }
0x34: {  	[smem:$0x3FB5] =	sst s10  }
0x35: {  	s10 =	sld [smem:$0x3FB4];
	_ =	sdelay $0x3  }
0x36: {  	p1 =	seq.s32 s10, $0x1;
	s10 =	sld [smem:$0x3FB5];
	_ =	sdelay $0x3  }
0x37: {  	[smem:$0x3FB5] =	sst s10  }
0x38: {  	s10 =	sld [smem:$0x3FB6]  }
0x39: {  	_ = 	snop;
	(pc) =	sbr.ind lr, $3  }
0x3a: {  	_ = 	snop  }
0x3b: {  	_ = 	snop  }
0x3c: {  	p2 =	seq.s32 s10, $0x1;
	s10 =	sld [smem:$0x3FB5]  }
0x3d: {  	_ =	shalt  }
0x3e: {  	_ =	shalt  }
0x3f: {  	_ =	shalt  }
0x40: {  	_ =	shalt  }
0x41: {  	_ =	shalt  }
0x42: {  	_ =	shalt  }
0x43: {  	_ =	shalt  }
0x44: {  	_ =	shalt  }
0x45: {  	_ =	shalt  }
0x46: {  	_ =	shalt  }
0x47: {  	_ =	shalt  }
0x48: {  	_ =	shalt  }
0x49: {  	_ =	shalt  }
0x4a: {  	_ =	shalt  }
0x4b: {  	_ =	shalt  }
0x4c: {  	_ =	shalt  }
0x4d: {  	_ =	shalt  }
0x4e: {  	_ =	shalt  }
0x4f: {  	_ =	shalt  }
0x50: {  	_ =	shalt  }
0x51: {  	_ =	shalt  }
0x52: {  	_ =	shalt  }
0x53: {  	_ =	shalt  }
0x54: {  	_ =	shalt  }
0x55: {  	_ =	shalt  }
0x56: {  	_ =	shalt  }
0x57: {  	_ =	shalt  }
0x58: {  	_ =	shalt  }
0x59: {  	_ =	shalt  }
0x5a: {  	_ =	shalt  }
0x5b: {  	_ =	shalt  }
0x5c: {  	_ =	shalt  }
0x5d: {  	_ =	shalt  }
0x5e: {  	_ =	shalt  }
0x5f: {  	_ =	shalt  }
0x60: {  	_ =	shalt  }
0x61: {  	_ =	shalt  }
0x62: {  	_ =	shalt  }
0x63: {  	_ =	shalt  }
0x64: {  	_ =	shalt  }
0x65: {  	_ =	shalt  }
0x66: {  	_ =	shalt  }
0x67: {  	_ =	shalt  }
0x68: {  	_ =	shalt  }
0x69: {  	_ =	shalt  }
0x6a: {  	_ =	shalt  }
0x6b: {  	_ =	shalt  }
0x6c: {  	_ =	shalt  }
0x6d: {  	_ =	shalt  }
0x6e: {  	_ =	shalt  }
0x6f: {  	_ =	shalt  }
0x70: {  	_ =	shalt  }
0x71: {  	_ =	shalt  }
0x72: {  	_ =	shalt  }
0x73: {  	_ =	shalt  }
0x74: {  	_ =	shalt  }
0x75: {  	_ =	shalt  }
0x76: {  	_ =	shalt  }
0x77: {  	_ =	shalt  }
0x78: {  	_ =	shalt  }
0x79: {  	_ =	shalt  }
0x7a: {  	_ =	shalt  }
0x7b: {  	_ =	shalt  }
0x7c: {  	_ =	shalt  }
0x7d: {  	_ =	shalt  }
0x7e: {  	_ =	shalt  }
0x7f: {  	_ =	shalt  }
0x80: {  	_ =	shalt  }
0x81: {  	_ =	shalt  }
0x82: {  	_ =	shalt  }
0x83: {  	_ =	shalt  }
0x84: {  	_ =	shalt  }
0x85: {  	_ =	shalt  }
0x86: {  	_ =	shalt  }
0x87: {  	_ =	shalt  }
.Lfunc_end0:
.L_simem_size_0:
called_computation.1_lowered:
.L_overlay_start_0:
0x88: {  	s2 =	sld [smem:$0x3FD9]  }
0x89: {  	s3 =	sld [smem:$0x3FFE];
	_ =	sdelay $0x1  }
0x8a: {  	s1 =	srdreg.scid  }
0x8b: {  	s0 =	sand.u32 $0x1, s1  }
0x8c: {  	s17 =	sshll.u32 s0, $0xA;
	s2 =	sadd.s32 s3, s2  }
0x8d: {  	s2 =	sadd.s32 s2, s17  }
0x8e: {  	[smem:$0x3FC1] =	sst s2  }
0x8f: {  	_ = 	snop  }
0x90: {  	s2 =	sld [smem:$0x3FD0];
	(tm) =	ssettm $0x1  }
0x91: {  	s18 =	sld [smem:$0x3FFB];
	_ =	sdelay $0x3  }
0x92: {  	_ =	strace s18  }
0x93: {  	s3 =	sld [smem:$0x3FFC];
	_ =	sdelay $0x3  }
0x94: {  	_ =	strace s3  }
0x95: {  	s3 =	sld [smem:$0x3FFD];
	_ =	sdelay $0x3  }
0x96: {  	_ =	strace s3  }
0x97: {  	_ =	strace $0x8FFFFFFF  }
0x98: {  	s19 =	sld [smem:$0x3FDB];
	_ =	sdelay $0x1  }
0x99: {  	s4 =	simm.s32 $_scs_section_size  }
0x9a: {  	s5 =	simm.s32 $_size__tile_overlayer_lowered;
	s6 =	simm.s32 $_tile_overlayer_lowered  }
0x9b: {  	s22 =	simm.s32 $0x1BFF;
	s21 =	sshll.u32 s6, $0x1;
	s3 =	sadd.s32 s4, s19  }
0x9c: {  	s7 =	simm.s32 $0x0;
	s20 =	sshll.u32 s5, $0x1;
	s5 =	sadd.s32 s21, s3  }
0x9d: {  	[timem:s7], [sflag:s22] =	dma.local [hbm:s5], s20  }
0x9e: {  	_ =	swait.ge [sflag:s22], s20  }
0x9f: {  	s4 =	ssub.s32 $0x0, s20;
	[sflag:s22] =	ssyncset.done $0x0  }
0xa0: {  	[sflag:s22] =	ssyncadd.s32 s4;
	_ =	sdelay $0x1  }
0xa1: {  	s23 =	simm.s32 $0x1B8B  }
0xa2: {  	_ =	swait.ge [sflag:s23], $0x1  }
0xa3: {  	[sflag:s23] =	ssyncset.done $0x0  }
0xa4: {  	s25 =	simm.s32 $0x1B8E;
	s24 =	sld [smem:$0x3FFE];
	[sflag:s23] =	ssyncadd.s32 $0xFFFFFFFF  }
0xa5: {  	s26 =	simm.s32 $execute0_lowered;
	[smem:$0x3FD2] =	sst s25  }
0xa6: {  	s5 =	sshll.u32 s26, $0x1;
	_ =	strace $0x80000049;
	[dreg:$0x1] =	wrdreg $0xFFFFFFFF  }
0xa7: {  	s28 =	simm.s32 $_size_execute0_lowered;
	s3 =	sadd.s32 s3, s5;
	[dreg:$0x0] =	wrdreg $0x0  }
0xa8: {  	s5 =	sshll.u32 s28, $0x1;
	[dreg:$0x2] =	wrdreg s3  }
0xa9: {  	[dreg:$0x3] =	wrdreg s5  }
0xaa: {  	[dreg:$0x4] =	wrdreg $0xC0  }
0xab: {  	_ =	task [dreg:s7], $0x5FFFF  }
0xac: {  	[dreg:$0x1] =	wrdreg $0xFFFFFFFF  }
0xad: {  	[dreg:$0x0] =	wrdreg $0x60  }
0xae: {  	[dreg:$0x2] =	wrdreg s24  }
0xaf: {  	[dreg:$0x3] =	wrdreg s2  }
0xb0: {  	[dreg:$0x4] =	wrdreg $0xA8000  }
0xb1: {  	[dreg:$0x5] =	wrdreg $0x9  }
0xb2: {  	_ =	task.clear_ibuf [dreg:s7], $0x6FFFF;
	_ =	strace $0x90000049  }
0xb3: {  	s29 =	simm.s32 $0x9;
	_ =	strace $0x8000004B  }
0xb4: {  	_ =	swait.ge [sflag:s29], $0x1  }
0xb5: {  	[sflag:s29] =	ssyncadd.s32 $0xFFFFFFFF  }
0xb6: {  	_ =	strace $0x9000004B  }
0xb7: {  	_ =	sfence  }
0xb8: {  	s30 =	sld [smem:$0x0];
	_ =	sdelay $0x2  }
0xb9: {  	s31 =	sshll.u32 s1, $0xD;
	s1 =	sshrl.u32 s1, $0x2  }
0xba: {  	s3 =	sand.u32 $0x4000, s31;
	s1 =	sadd.s32 s1, s30  }
0xbb: {  	s0 =	sor.u32 s3, s0;
	s1 =	sshll.u32 s1, $0x11  }
0xbc: {  	s0 =	sor.u32 s1, s0  }
0xbd: {  	s0 =	sadd.s32 $0x8F2B, s0  }
0xbe: {  	[sflag:s0] =	ssyncadd.remote.s32 $0x1  }
0xbf: {  	_ =	sfence.sel $0xFFFF  }
0xc0: {  	[dreg:$0x0] =	wrdreg $0xFFFFFFFF;
	(pc) =	sbr.abs _section_cstart, $3  }
0xc1: {  	[dreg:$0x1] =	wrdreg $0xFFFFFFFF  }
0xc2: {  	_ =	task.clear_ibuf [dreg:s7], $0x2FFFF;
	_ =	strace $0x9FFFFFFF  }
0xc3: {  	(tm) =	ssettm $0x7FFFFFFF  }
tec
execute0_lowered:
.L_overlay_start_1:
0x0: {  	(tag) =	ssettag $0x1  }
0x1: {  	s0 =	rddreg [dreg:$0x0]  }
0x2: {  	s2 =	rddreg [dreg:$0x1]  }
0x3: {  	s1 =	rddreg [dreg:$0x2];
	s12 =	stileid.u32  }
0x4: {  	s3 =	srdreg.scid;
	s7 =	smul.u32 $0x14000, s12  }
0x5: {  	s31 =	simm.s32 $0x2800;
	s8 =	sand.u32 $0x1, s3;
	s9 =	smul.u32 $0x50000, s12  }
0x6: {  	s3 =	simm.s32 $0x0;
	s4 =	sadd.s32 $0x24400, s0;
	s12 =	smul.u32 $0x2800, s12  }
0x7: {  	s5 =	sadd.s32 $0x4C400, s0;
	s13 =	sadd.s32 $0x6400, s0;
	s6 =	smul.u32 $0x3C0000, s8  }
0x8: {  	[smem:$0x7FF] =	sst s3;
	s10 =	smul.u32 $0x28000, s8;
	s26 =	ssub.s32 $0x2, s8  }
0x9: {  	_ =	strace $0x8000004A;
	s9 =	sshrl.u32 s9, $0x2;
	s14 =	sshrl.u32 s26, $0x1  }
0xa: {  	s7 =	sadd.s32 s7, s6;
	s6 =	sadd.s32 $0x74400, s0;
	s12 =	sadd.s32 s12, s10  }
0xb: {  	s8 =	sadd.s32 s9, s1;
	s10 =	ssub.s32 s26, s14;
	s11 =	sshrl.u32 s7, $0x3  }
0xc: {  	s7 =	sadd.s32 $0x4200, s0;
	s12 =	sshrl.u32 s12, $0x3;
	s9 =	sadd.s32 $0x3E80, s8  }
0xd: {  	s28 =	sadd.s32 $0xBB80, s8;
	s29 =	sadd.s32 $0xFA00, s8;
	s30 =	sadd.s32 $0x13880, s8  }
0xe: {  	s0 =	sadd.s32 s11, s0;
	s15 =	sadd.s32 $0x280, s12;
	s14 =	sadd.s32 s13, s12  }
0xf: {  	s16 =	sadd.s32 s2, s12;
	s19 =	sadd.s32 $0xA000, s12;
	[dreg:$0x4] =	wrdreg s14  }
0x10: {  	s21 =	sadd.s32 $0xA280, s12;
	[dreg:$0x5] =	wrdreg s16;
	s17 =	sadd.s32 s13, s15  }
0x11: {  	s23 =	sadd.s32 $0x14000, s12;
	s11 =	sadd.s32 s2, s15;
	[dreg:$0x6] =	wrdreg s17  }
0x12: {  	s25 =	sadd.s32 $0x14280, s12;
	s18 =	sadd.s32 $0x9C400, s0;
	[dreg:$0x7] =	wrdreg s11  }
0x13: {  	s20 =	sadd.s32 s13, s19;
	s22 =	sadd.s32 s13, s21;
	[dreg:$0x8] =	wrdreg s18  }
0x14: {  	s24 =	sadd.s32 s13, s23;
	s12 =	sadd.s32 s13, s25;
	[dreg:$0x9] =	wrdreg s20  }
0x15: {  	s26 =	sadd.s32 $0xC4400, s0;
	s13 =	simm.s32 $0x6800;
	[dreg:$0xb] =	wrdreg s22  }
0x16: {  	s14 =	simm.s32 $0x2;
	s15 =	simm.s32 $0x3;
	[dreg:$0xd] =	wrdreg s24  }
0x17: {  	s16 =	simm.s32 $0x4;
	s11 =	sadd.s32 s2, s19;
	[dreg:$0xf] =	wrdreg s12  }
0x18: {  	[dreg:$0x11] =	wrdreg s26;
	s24 =	sadd.s32 $0xEC400, s0;
	s26 =	sadd.s32 $0x7D00, s8  }
0x19: {  	s0 =	simm.s32 $0x5;
	s12 =	simm.s32 $0x80;
	s17 =	simm.s32 $0x2780  }
0x1a: {  	s18 =	simm.s32 $0x0;
	[dreg:$0xa] =	wrdreg s11;
	s11 =	sadd.s32 s2, s21  }
0x1b: {  	[dreg:$0xc] =	wrdreg s11;
	s11 =	sadd.s32 s2, s23;
	s2 =	sadd.s32 s2, s25  }
0x1c: {  	s25 =	smax.u32 s10, $0x1;
	s10 =	simm.s32 $0x7D;
	[dreg:$0xe] =	wrdreg s11  }
0x1d: {  	[dreg:$0x10] =	wrdreg s2;
	s2 =	simm.s32 $0x1400;
	s11 =	simm.s32 $0x1  }
.LBB2_1:
0x1e: {  	[tilespmem:s31], [sflag:$0x5] =	stream.linear.gather [hbm4b:s7+s3], $0x3E80, $0x38;
	[tilespmem:$0x1E800] =	vst v63  }
0x1f: {  	_ =	swait.ge [sflag:s0], $0x3E80  }
0x20: {  	[sflag:s0] =	ssyncset.done $0x0  }
0x21: {  	[sflag:s0] =	ssyncadd.s32 $0xFFFFC180  }
0x22: {  	[spmem:s8] =	stream.linear.scatter [tilespmem:s31], [sflag:$0x5], $0x3E80, $0x38;
	[tilespmem:$0x1E800] =	vst v63  }
0x23: {  	_ =	swait.ge [sflag:s0], $0x3E80  }
0x24: {  	[sflag:s0] =	ssyncset.done $0x0  }
0x25: {  	[sflag:s0] =	ssyncadd.s32 $0xFFFFC180  }
0x26: {  	[spmem:s9] =	stream.linear.scatter [tilespmem:s31], [sflag:$0x5], $0x3E80, $0x38;
	[tilespmem:$0x1E800] =	vst v63  }
0x27: {  	_ =	swait.ge [sflag:s0], $0x3E80  }
0x28: {  	[sflag:s0] =	ssyncset.done $0x0  }
0x29: {  	[sflag:s0] =	ssyncadd.s32 $0xFFFFC180  }
0x2a: {  	[spmem:s26] =	stream.linear.scatter [tilespmem:s31], [sflag:$0x5], $0x3E80, $0x38;
	[tilespmem:$0x1E800] =	vst v63  }
0x2b: {  	_ =	swait.ge [sflag:s0], $0x3E80  }
0x2c: {  	[sflag:s0] =	ssyncset.done $0x0  }
0x2d: {  	[sflag:s0] =	ssyncadd.s32 $0xFFFFC180  }
0x2e: {  	[spmem:s28] =	stream.linear.scatter [tilespmem:s31], [sflag:$0x5], $0x3E80, $0x38;
	[tilespmem:$0x1E800] =	vst v63  }
0x2f: {  	_ =	swait.ge [sflag:s0], $0x3E80  }
0x30: {  	[sflag:s0] =	ssyncset.done $0x0  }
0x31: {  	[sflag:s0] =	ssyncadd.s32 $0xFFFFC180  }
0x32: {  	[spmem:s29] =	stream.linear.scatter [tilespmem:s31], [sflag:$0x5], $0x3E80, $0x38;
	[tilespmem:$0x1E800] =	vst v63  }
0x33: {  	_ =	swait.ge [sflag:s0], $0x3E80  }
0x34: {  	[sflag:s0] =	ssyncset.done $0x0  }
0x35: {  	[sflag:s0] =	ssyncadd.s32 $0xFFFFC180  }
0x36: {  	[spmem:s30] =	stream.linear.scatter [tilespmem:s31], [sflag:$0x5], $0x780, $0x38;
	[tilespmem:$0x1E800] =	vst v63  }
0x37: {  	_ =	swait.ge [sflag:s0], $0x780  }
0x38: {  	[sflag:s0] =	ssyncset.done $0x0  }
0x39: {  	[sflag:s0] =	ssyncadd.s32 $0xFFFFF880  }
0x3a: {  	[bflag:$0x0] =	sbarrier.arrive $0xFFFF  }
0x3b: {  	s19 =	rddreg [dreg:$0x4]  }
0x3c: {  	[tilespmem:s3], [sflag:$0x5] =	stream.linear.gather [hbm4b:s19+s3], $0x1400, $0x38;
	[tilespmem:$0x1E800] =	vst v63  }
0x3d: {  	_ =	swait.ge [sflag:s0], $0x1400  }
0x3e: {  	[sflag:s0] =	ssyncset.done $0x0  }
0x3f: {  	s20 =	rddreg [dreg:$0x5];
	[sflag:s0] =	ssyncadd.s32 $0xFFFFEC00  }
0x40: {  	[tilespmem:s2], [sflag:$0x5] =	stream.linear.gather [hbm4b:s20+s3], $0x1400, $0x38;
	[tilespmem:$0x1E800] =	vst v63  }
0x41: {  	_ =	swait.ge [sflag:s0], $0x1400  }
0x42: {  	[sflag:s0] =	ssyncset.done $0x0  }
0x43: {  	[sflag:s0] =	ssyncadd.s32 $0xFFFFEC00  }
0x44: {  	[tilespmem:s31], [sflag:$0x1] =	stream.indirect.gather [hbm4b:s4+s10], $0x80, s3, s10, $0xb8;
	[tilespmem:$0x1E800] =	vst v63  }
0x45: {  	_ =	swait.ge [sflag:s11], $0x3E80  }
0x46: {  	[sflag:s11] =	ssyncset.done $0x0  }
0x47: {  	[sflag:s11] =	ssyncadd.s32 $0xFFFFC180  }
0x48: {  	[spmem:s1] =	stream.indirect.scatter.add.f32 [tilespmem:s31], [sflag:$0x3], $0x80, s2, s10, $0xb8;
	[tilespmem:$0x1E800] =	vst v63  }
0x49: {  	_ = 	snop  }
0x4a: {  	[tilespmem:s13], [sflag:$0x2] =	stream.indirect.gather [hbm4b:s4+s10], $0x80, s12, s10, $0xb8;
	[tilespmem:$0x1E800] =	vst v63  }
0x4b: {  	_ =	swait.ge [sflag:s14], $0x3E80  }
0x4c: {  	[sflag:s14] =	ssyncset.done $0x0  }
0x4d: {  	s21 =	simm.s32 $0x1480;
	[sflag:s14] =	ssyncadd.s32 $0xFFFFC180  }
0x4e: {  	[spmem:s1] =	stream.indirect.scatter.add.f32 [tilespmem:s13], [sflag:$0x4], $0x80, s21, s10, $0xb8;
	[tilespmem:$0x1E800] =	vst v63  }
0x4f: {  	_ =	swait.ge [sflag:s15], $0x3E80  }
0x50: {  	[sflag:s15] =	ssyncset.done $0x0  }
0x51: {  	s22 =	simm.s32 $0x100;
	[sflag:s15] =	ssyncadd.s32 $0xFFFFC180  }
0x52: {  	[tilespmem:s31], [sflag:$0x1] =	stream.indirect.gather [hbm4b:s4+s10], $0x80, s22, s10, $0xb8;
	[tilespmem:$0x1E800] =	vst v63  }
0x53: {  	_ =	swait.ge [sflag:s11], $0x3E80  }
0x54: {  	[sflag:s11] =	ssyncset.done $0x0  }
0x55: {  	s23 =	simm.s32 $0x1500;
	[sflag:s11] =	ssyncadd.s32 $0xFFFFC180  }
0x56: {  	[spmem:s1] =	stream.indirect.scatter.add.f32 [tilespmem:s31], [sflag:$0x3], $0x80, s23, s10, $0xb8;
	[tilespmem:$0x1E800] =	vst v63  }
0x57: {  	_ =	swait.ge [sflag:s16], $0x3E80  }
0x58: {  	[sflag:s16] =	ssyncset.done $0x0  }
0x59: {  	s19 =	simm.s32 $0xFFFFB800;
	s20 =	simm.s32 $0x180;
	[sflag:s16] =	ssyncadd.s32 $0xFFFFC180  }
.LBB2_2:
0x5a: {  	[tilespmem:s13], [sflag:$0x2] =	stream.indirect.gather [hbm4b:s4+s10], $0x80, s20, s10, $0xb8;
	[tilespmem:$0x1E800] =	vst v63  }
0x5b: {  	s20 =	smov.u32 s19  }
0x5c: {  	p0 =	sne.s32 s19, $0xFFFFFC00;
	s19 =	sadd.s32 $0x400, s19;
	_ =	swait.ge [sflag:s14], $0x3E80  }
0x5d: {  	s20 =	sshra.s32 s20, $0x2;
	[sflag:s14] =	ssyncset.done $0x0  }
0x5e: {  	s21 =	sadd.s32 $0x2780, s20;
	[sflag:s14] =	ssyncadd.s32 $0xFFFFC180  }
0x5f: {  	[spmem:s1] =	stream.indirect.scatter.add.f32 [tilespmem:s13], [sflag:$0x4], $0x80, s21, s10, $0xb8;
	[tilespmem:$0x1E800] =	vst v63  }
0x60: {  	_ =	swait.ge [sflag:s15], $0x3E80  }
0x61: {  	[sflag:s15] =	ssyncset.done $0x0  }
0x62: {  	s21 =	sadd.s32 $0x1400, s20;
	[sflag:s15] =	ssyncadd.s32 $0xFFFFC180  }
0x63: {  	[tilespmem:s31], [sflag:$0x1] =	stream.indirect.gather [hbm4b:s4+s10], $0x80, s21, s10, $0xb8;
	[tilespmem:$0x1E800] =	vst v63  }
0x64: {  	_ =	swait.ge [sflag:s11], $0x3E80  }
0x65: {  	[sflag:s11] =	ssyncset.done $0x0  }
.Ltmp0:
0x66: {  	s21 =	sadd.s32 $0x2800, s20;
	[sflag:s11] =	ssyncadd.s32 $0xFFFFC180;
	(pc) =	sbr.rel @p0 .LBB2_2-.Ltmp0, $4  }
0x67: {  	[spmem:s1] =	stream.indirect.scatter.add.f32 [tilespmem:s31], [sflag:$0x3], $0x80, s21, s10, $0xb8;
	[tilespmem:$0x1E800] =	vst v63  }
0x68: {  	_ =	swait.ge [sflag:s16], $0x3E80  }
0x69: {  	[sflag:s16] =	ssyncset.done $0x0  }
0x6a: {  	s20 =	sadd.s32 $0x1480, s20;
	[sflag:s16] =	ssyncadd.s32 $0xFFFFC180  }
0x6b: {  	[tilespmem:s13], [sflag:$0x2] =	stream.indirect.gather [hbm4b:s4+s10], $0x80, s20, s10, $0xb8;
	[tilespmem:$0x1E800] =	vst v63  }
0x6c: {  	_ =	swait.ge [sflag:s14], $0x3E80  }
0x6d: {  	[sflag:s14] =	ssyncset.done $0x0  }
0x6e: {  	[sflag:s14] =	ssyncadd.s32 $0xFFFFC180  }
0x6f: {  	[spmem:s1] =	stream.indirect.scatter.add.f32 [tilespmem:s13], [sflag:$0x4], $0x80, s17, s10, $0xb8;
	[tilespmem:$0x1E800] =	vst v63  }
0x70: {  	_ =	swait.ge [sflag:s15], $0x3E80  }
0x71: {  	[sflag:s15] =	ssyncset.done $0x0  }
0x72: {  	[sflag:s15] =	ssyncadd.s32 $0xFFFFC180  }
0x73: {  	_ =	swait.ge [sflag:s16], $0x3E80  }
0x74: {  	[sflag:s16] =	ssyncset.done $0x0  }
0x75: {  	s19 =	rddreg [dreg:$0x6];
	[sflag:s16] =	ssyncadd.s32 $0xFFFFC180  }
0x76: {  	[tilespmem:s3], [sflag:$0x5] =	stream.linear.gather [hbm4b:s19+s3], $0x1400, $0x38;
	[tilespmem:$0x1E800] =	vst v63  }
0x77: {  	_ =	swait.ge [sflag:s0], $0x1400  }
0x78: {  	[sflag:s0] =	ssyncset.done $0x0  }
0x79: {  	s20 =	rddreg [dreg:$0x7];
	[sflag:s0] =	ssyncadd.s32 $0xFFFFEC00  }
0x7a: {  	[tilespmem:s2], [sflag:$0x5] =	stream.linear.gather [hbm4b:s20+s3], $0x1400, $0x38;
	[tilespmem:$0x1E800] =	vst v63  }
0x7b: {  	_ =	swait.ge [sflag:s0], $0x1400  }
0x7c: {  	[sflag:s0] =	ssyncset.done $0x0  }
0x7d: {  	[sflag:s0] =	ssyncadd.s32 $0xFFFFEC00  }
0x7e: {  	[tilespmem:s31], [sflag:$0x1] =	stream.indirect.gather [hbm4b:s4+s10], $0x80, s3, s10, $0xb8;
	[tilespmem:$0x1E800] =	vst v63  }
0x7f: {  	_ =	swait.ge [sflag:s11], $0x3E80  }
0x80: {  	[sflag:s11] =	ssyncset.done $0x0  }
0x81: {  	[sflag:s11] =	ssyncadd.s32 $0xFFFFC180  }
0x82: {  	[spmem:s1] =	stream.indirect.scatter.add.f32 [tilespmem:s31], [sflag:$0x3], $0x80, s2, s10, $0xb8;
	[tilespmem:$0x1E800] =	vst v63  }
0x83: {  	_ = 	snop  }
0x84: {  	[tilespmem:s13], [sflag:$0x2] =	stream.indirect.gather [hbm4b:s4+s10], $0x80, s12, s10, $0xb8;
	[tilespmem:$0x1E800] =	vst v63  }
0x85: {  	_ =	swait.ge [sflag:s14], $0x3E80  }
0x86: {  	[sflag:s14] =	ssyncset.done $0x0  }
0x87: {  	s21 =	simm.s32 $0x1480;
	[sflag:s14] =	ssyncadd.s32 $0xFFFFC180  }
0x88: {  	[spmem:s1] =	stream.indirect.scatter.add.f32 [tilespmem:s13], [sflag:$0x4], $0x80, s21, s10, $0xb8;
	[tilespmem:$0x1E800] =	vst v63  }
0x89: {  	_ =	swait.ge [sflag:s15], $0x3E80  }
0x8a: {  	[sflag:s15] =	ssyncset.done $0x0  }
0x8b: {  	s22 =	simm.s32 $0x100;
	[sflag:s15] =	ssyncadd.s32 $0xFFFFC180  }
0x8c: {  	[tilespmem:s31], [sflag:$0x1] =	stream.indirect.gather [hbm4b:s4+s10], $0x80, s22, s10, $0xb8;
	[tilespmem:$0x1E800] =	vst v63  }
0x8d: {  	_ =	swait.ge [sflag:s11], $0x3E80  }
0x8e: {  	[sflag:s11] =	ssyncset.done $0x0  }
0x8f: {  	s23 =	simm.s32 $0x1500;
	[sflag:s11] =	ssyncadd.s32 $0xFFFFC180  }
0x90: {  	[spmem:s1] =	stream.indirect.scatter.add.f32 [tilespmem:s31], [sflag:$0x3], $0x80, s23, s10, $0xb8;
	[tilespmem:$0x1E800] =	vst v63  }
0x91: {  	_ =	swait.ge [sflag:s16], $0x3E80  }
0x92: {  	[sflag:s16] =	ssyncset.done $0x0  }
0x93: {  	s19 =	simm.s32 $0xFFFFB800;
	s20 =	simm.s32 $0x180;
	[sflag:s16] =	ssyncadd.s32 $0xFFFFC180  }
.LBB2_4:
0x94: {  	[tilespmem:s13], [sflag:$0x2] =	stream.indirect.gather [hbm4b:s4+s10], $0x80, s20, s10, $0xb8;
	[tilespmem:$0x1E800] =	vst v63  }
0x95: {  	s20 =	smov.u32 s19  }
0x96: {  	p0 =	sne.s32 s19, $0xFFFFFC00;
	s19 =	sadd.s32 $0x400, s19;
	_ =	swait.ge [sflag:s14], $0x3E80  }
0x97: {  	s20 =	sshra.s32 s20, $0x2;
	[sflag:s14] =	ssyncset.done $0x0  }
0x98: {  	s21 =	sadd.s32 $0x2780, s20;
	[sflag:s14] =	ssyncadd.s32 $0xFFFFC180  }
0x99: {  	[spmem:s1] =	stream.indirect.scatter.add.f32 [tilespmem:s13], [sflag:$0x4], $0x80, s21, s10, $0xb8;
	[tilespmem:$0x1E800] =	vst v63  }
0x9a: {  	_ =	swait.ge [sflag:s15], $0x3E80  }
0x9b: {  	[sflag:s15] =	ssyncset.done $0x0  }
0x9c: {  	s21 =	sadd.s32 $0x1400, s20;
	[sflag:s15] =	ssyncadd.s32 $0xFFFFC180  }
0x9d: {  	[tilespmem:s31], [sflag:$0x1] =	stream.indirect.gather [hbm4b:s4+s10], $0x80, s21, s10, $0xb8;
	[tilespmem:$0x1E800] =	vst v63  }
0x9e: {  	_ =	swait.ge [sflag:s11], $0x3E80  }
0x9f: {  	[sflag:s11] =	ssyncset.done $0x0  }
.Ltmp1:
0xa0: {  	s21 =	sadd.s32 $0x2800, s20;
	[sflag:s11] =	ssyncadd.s32 $0xFFFFC180;
	(pc) =	sbr.rel @p0 .LBB2_4-.Ltmp1, $4  }
0xa1: {  	[spmem:s1] =	stream.indirect.scatter.add.f32 [tilespmem:s31], [sflag:$0x3], $0x80, s21, s10, $0xb8;
	[tilespmem:$0x1E800] =	vst v63  }
0xa2: {  	_ =	swait.ge [sflag:s16], $0x3E80  }
0xa3: {  	[sflag:s16] =	ssyncset.done $0x0  }
0xa4: {  	s20 =	sadd.s32 $0x1480, s20;
	[sflag:s16] =	ssyncadd.s32 $0xFFFFC180  }
0xa5: {  	[tilespmem:s13], [sflag:$0x2] =	stream.indirect.gather [hbm4b:s4+s10], $0x80, s20, s10, $0xb8;
	[tilespmem:$0x1E800] =	vst v63  }
0xa6: {  	_ =	swait.ge [sflag:s14], $0x3E80  }
0xa7: {  	[sflag:s14] =	ssyncset.done $0x0  }
0xa8: {  	[sflag:s14] =	ssyncadd.s32 $0xFFFFC180  }
0xa9: {  	[spmem:s1] =	stream.indirect.scatter.add.f32 [tilespmem:s13], [sflag:$0x4], $0x80, s17, s10, $0xb8;
	[tilespmem:$0x1E800] =	vst v63  }
0xaa: {  	_ =	swait.ge [sflag:s15], $0x3E80  }
0xab: {  	[sflag:s15] =	ssyncset.done $0x0  }
0xac: {  	[sflag:s15] =	ssyncadd.s32 $0xFFFFC180  }
0xad: {  	_ =	swait.ge [sflag:s16], $0x3E80  }
0xae: {  	[sflag:s16] =	ssyncset.done $0x0  }
0xaf: {  	s19 =	stileid.u32;
	[sflag:s16] =	ssyncadd.s32 $0xFFFFC180  }
0xb0: {  	s19 =	sshll.u32 s19, $0x6;
	[bflag:$0x0] =	sbarrier.arrive $0xFFFF  }
0xb1: {  	s20 =	sshrl.u32 s8, $0x3;
	s19 =	sor.u32 $0x1C05, s19;
	s21 =	rddreg [dreg:$0x8]  }
0xb2: {  	[hbm:s21], [sflag:s19] =	dma.local [spmem:s20], $0x2800  }
0xb3: {  	_ =	swait.ge [sflag:s0], $0x2800  }
0xb4: {  	[sflag:s0] =	ssyncset.done $0x0  }
0xb5: {  	[sflag:s0] =	ssyncadd.s32 $0xFFFFD800  }
0xb6: {  	[bflag:$0x0] =	sbarrier.arrive $0xFFFF  }
0xb7: {  	[tilespmem:s31], [sflag:$0x5] =	stream.linear.gather [hbm4b:s7+s3], $0x3E80, $0x38;
	[tilespmem:$0x1E800] =	vst v63  }
0xb8: {  	_ =	swait.ge [sflag:s0], $0x3E80  }
0xb9: {  	[sflag:s0] =	ssyncset.done $0x0  }
0xba: {  	[sflag:s0] =	ssyncadd.s32 $0xFFFFC180  }
0xbb: {  	[spmem:s8] =	stream.linear.scatter [tilespmem:s31], [sflag:$0x5], $0x3E80, $0x38;
	[tilespmem:$0x1E800] =	vst v63  }
0xbc: {  	_ =	swait.ge [sflag:s0], $0x3E80  }
0xbd: {  	[sflag:s0] =	ssyncset.done $0x0  }
0xbe: {  	[sflag:s0] =	ssyncadd.s32 $0xFFFFC180  }
0xbf: {  	[spmem:s9] =	stream.linear.scatter [tilespmem:s31], [sflag:$0x5], $0x3E80, $0x38;
	[tilespmem:$0x1E800] =	vst v63  }
0xc0: {  	_ =	swait.ge [sflag:s0], $0x3E80  }
0xc1: {  	[sflag:s0] =	ssyncset.done $0x0  }
0xc2: {  	[sflag:s0] =	ssyncadd.s32 $0xFFFFC180  }
0xc3: {  	[spmem:s26] =	stream.linear.scatter [tilespmem:s31], [sflag:$0x5], $0x3E80, $0x38;
	[tilespmem:$0x1E800] =	vst v63  }
0xc4: {  	_ =	swait.ge [sflag:s0], $0x3E80  }
0xc5: {  	[sflag:s0] =	ssyncset.done $0x0  }
0xc6: {  	[sflag:s0] =	ssyncadd.s32 $0xFFFFC180  }
0xc7: {  	[spmem:s28] =	stream.linear.scatter [tilespmem:s31], [sflag:$0x5], $0x3E80, $0x38;
	[tilespmem:$0x1E800] =	vst v63  }
0xc8: {  	_ =	swait.ge [sflag:s0], $0x3E80  }
0xc9: {  	[sflag:s0] =	ssyncset.done $0x0  }
0xca: {  	[sflag:s0] =	ssyncadd.s32 $0xFFFFC180  }
0xcb: {  	[spmem:s29] =	stream.linear.scatter [tilespmem:s31], [sflag:$0x5], $0x3E80, $0x38;
	[tilespmem:$0x1E800] =	vst v63  }
0xcc: {  	_ =	swait.ge [sflag:s0], $0x3E80  }
0xcd: {  	[sflag:s0] =	ssyncset.done $0x0  }
0xce: {  	[sflag:s0] =	ssyncadd.s32 $0xFFFFC180  }
0xcf: {  	[spmem:s30] =	stream.linear.scatter [tilespmem:s31], [sflag:$0x5], $0x780, $0x38;
	[tilespmem:$0x1E800] =	vst v63  }
0xd0: {  	_ =	swait.ge [sflag:s0], $0x780  }
0xd1: {  	[sflag:s0] =	ssyncset.done $0x0  }
0xd2: {  	[sflag:s0] =	ssyncadd.s32 $0xFFFFF880  }
0xd3: {  	[bflag:$0x0] =	sbarrier.arrive $0xFFFF  }
0xd4: {  	s23 =	rddreg [dreg:$0x9]  }
0xd5: {  	[tilespmem:s3], [sflag:$0x5] =	stream.linear.gather [hbm4b:s23+s3], $0x1400, $0x38;
	[tilespmem:$0x1E800] =	vst v63  }
0xd6: {  	_ =	swait.ge [sflag:s0], $0x1400  }
0xd7: {  	[sflag:s0] =	ssyncset.done $0x0  }
0xd8: {  	s22 =	rddreg [dreg:$0xa];
	[sflag:s0] =	ssyncadd.s32 $0xFFFFEC00  }
0xd9: {  	[tilespmem:s2], [sflag:$0x5] =	stream.linear.gather [hbm4b:s22+s3], $0x1400, $0x38;
	[tilespmem:$0x1E800] =	vst v63  }
0xda: {  	_ =	swait.ge [sflag:s0], $0x1400  }
0xdb: {  	[sflag:s0] =	ssyncset.done $0x0  }
0xdc: {  	[sflag:s0] =	ssyncadd.s32 $0xFFFFEC00  }
0xdd: {  	[tilespmem:s31], [sflag:$0x1] =	stream.indirect.gather [hbm4b:s5+s10], $0x80, s3, s10, $0xb8;
	[tilespmem:$0x1E800] =	vst v63  }
0xde: {  	_ =	swait.ge [sflag:s11], $0x3E80  }
0xdf: {  	[sflag:s11] =	ssyncset.done $0x0  }
0xe0: {  	[sflag:s11] =	ssyncadd.s32 $0xFFFFC180  }
0xe1: {  	[spmem:s1] =	stream.indirect.scatter.add.f32 [tilespmem:s31], [sflag:$0x3], $0x80, s2, s10, $0xb8;
	[tilespmem:$0x1E800] =	vst v63  }
0xe2: {  	_ = 	snop  }
0xe3: {  	[tilespmem:s13], [sflag:$0x2] =	stream.indirect.gather [hbm4b:s5+s10], $0x80, s12, s10, $0xb8;
	[tilespmem:$0x1E800] =	vst v63  }
0xe4: {  	_ =	swait.ge [sflag:s14], $0x3E80  }
0xe5: {  	[sflag:s14] =	ssyncset.done $0x0  }
0xe6: {  	s23 =	simm.s32 $0x1480;
	[sflag:s14] =	ssyncadd.s32 $0xFFFFC180  }
0xe7: {  	[spmem:s1] =	stream.indirect.scatter.add.f32 [tilespmem:s13], [sflag:$0x4], $0x80, s23, s10, $0xb8;
	[tilespmem:$0x1E800] =	vst v63  }
0xe8: {  	_ =	swait.ge [sflag:s15], $0x3E80  }
0xe9: {  	[sflag:s15] =	ssyncset.done $0x0  }
0xea: {  	s22 =	simm.s32 $0x100;
	[sflag:s15] =	ssyncadd.s32 $0xFFFFC180  }
0xeb: {  	[tilespmem:s31], [sflag:$0x1] =	stream.indirect.gather [hbm4b:s5+s10], $0x80, s22, s10, $0xb8;
	[tilespmem:$0x1E800] =	vst v63  }
0xec: {  	_ =	swait.ge [sflag:s11], $0x3E80  }
0xed: {  	[sflag:s11] =	ssyncset.done $0x0  }
0xee: {  	s23 =	simm.s32 $0x1500;
	[sflag:s11] =	ssyncadd.s32 $0xFFFFC180  }
0xef: {  	[spmem:s1] =	stream.indirect.scatter.add.f32 [tilespmem:s31], [sflag:$0x3], $0x80, s23, s10, $0xb8;
	[tilespmem:$0x1E800] =	vst v63  }
0xf0: {  	_ =	swait.ge [sflag:s16], $0x3E80  }
0xf1: {  	[sflag:s16] =	ssyncset.done $0x0  }
0xf2: {  	s21 =	simm.s32 $0xFFFFB800;
	s22 =	simm.s32 $0x180;
	[sflag:s16] =	ssyncadd.s32 $0xFFFFC180  }
.LBB2_6:
0xf3: {  	[tilespmem:s13], [sflag:$0x2] =	stream.indirect.gather [hbm4b:s5+s10], $0x80, s22, s10, $0xb8;
	[tilespmem:$0x1E800] =	vst v63  }
0xf4: {  	s22 =	smov.u32 s21  }
0xf5: {  	p0 =	sne.s32 s21, $0xFFFFFC00;
	s21 =	sadd.s32 $0x400, s21;
	_ =	swait.ge [sflag:s14], $0x3E80  }
0xf6: {  	s22 =	sshra.s32 s22, $0x2;
	[sflag:s14] =	ssyncset.done $0x0  }
0xf7: {  	s23 =	sadd.s32 $0x2780, s22;
	[sflag:s14] =	ssyncadd.s32 $0xFFFFC180  }
0xf8: {  	[spmem:s1] =	stream.indirect.scatter.add.f32 [tilespmem:s13], [sflag:$0x4], $0x80, s23, s10, $0xb8;
	[tilespmem:$0x1E800] =	vst v63  }
0xf9: {  	_ =	swait.ge [sflag:s15], $0x3E80  }
0xfa: {  	[sflag:s15] =	ssyncset.done $0x0  }
0xfb: {  	s23 =	sadd.s32 $0x1400, s22;
	[sflag:s15] =	ssyncadd.s32 $0xFFFFC180  }
0xfc: {  	[tilespmem:s31], [sflag:$0x1] =	stream.indirect.gather [hbm4b:s5+s10], $0x80, s23, s10, $0xb8;
	[tilespmem:$0x1E800] =	vst v63  }
0xfd: {  	_ =	swait.ge [sflag:s11], $0x3E80  }
0xfe: {  	[sflag:s11] =	ssyncset.done $0x0  }
.Ltmp2:
0xff: {  	s23 =	sadd.s32 $0x2800, s22;
	[sflag:s11] =	ssyncadd.s32 $0xFFFFC180;
	(pc) =	sbr.rel @p0 .LBB2_6-.Ltmp2, $4  }
0x100: {  	[spmem:s1] =	stream.indirect.scatter.add.f32 [tilespmem:s31], [sflag:$0x3], $0x80, s23, s10, $0xb8;
	[tilespmem:$0x1E800] =	vst v63  }
0x101: {  	_ =	swait.ge [sflag:s16], $0x3E80  }
0x102: {  	[sflag:s16] =	ssyncset.done $0x0  }
0x103: {  	s22 =	sadd.s32 $0x1480, s22;
	[sflag:s16] =	ssyncadd.s32 $0xFFFFC180  }
0x104: {  	[tilespmem:s13], [sflag:$0x2] =	stream.indirect.gather [hbm4b:s5+s10], $0x80, s22, s10, $0xb8;
	[tilespmem:$0x1E800] =	vst v63  }
0x105: {  	_ =	swait.ge [sflag:s14], $0x3E80  }
0x106: {  	[sflag:s14] =	ssyncset.done $0x0  }
0x107: {  	[sflag:s14] =	ssyncadd.s32 $0xFFFFC180  }
0x108: {  	[spmem:s1] =	stream.indirect.scatter.add.f32 [tilespmem:s13], [sflag:$0x4], $0x80, s17, s10, $0xb8;
	[tilespmem:$0x1E800] =	vst v63  }
0x109: {  	_ =	swait.ge [sflag:s15], $0x3E80  }
0x10a: {  	[sflag:s15] =	ssyncset.done $0x0  }
0x10b: {  	[sflag:s15] =	ssyncadd.s32 $0xFFFFC180  }
0x10c: {  	_ =	swait.ge [sflag:s16], $0x3E80  }
0x10d: {  	[sflag:s16] =	ssyncset.done $0x0  }
0x10e: {  	s21 =	rddreg [dreg:$0xb];
	[sflag:s16] =	ssyncadd.s32 $0xFFFFC180  }
0x10f: {  	[tilespmem:s3], [sflag:$0x5] =	stream.linear.gather [hbm4b:s21+s3], $0x1400, $0x38;
	[tilespmem:$0x1E800] =	vst v63  }
0x110: {  	_ =	swait.ge [sflag:s0], $0x1400  }
0x111: {  	[sflag:s0] =	ssyncset.done $0x0  }
0x112: {  	s22 =	rddreg [dreg:$0xc];
	[sflag:s0] =	ssyncadd.s32 $0xFFFFEC00  }
0x113: {  	[tilespmem:s2], [sflag:$0x5] =	stream.linear.gather [hbm4b:s22+s3], $0x1400, $0x38;
	[tilespmem:$0x1E800] =	vst v63  }
0x114: {  	_ =	swait.ge [sflag:s0], $0x1400  }
0x115: {  	[sflag:s0] =	ssyncset.done $0x0  }
0x116: {  	[sflag:s0] =	ssyncadd.s32 $0xFFFFEC00  }
0x117: {  	[tilespmem:s31], [sflag:$0x1] =	stream.indirect.gather [hbm4b:s5+s10], $0x80, s3, s10, $0xb8;
	[tilespmem:$0x1E800] =	vst v63  }
0x118: {  	_ =	swait.ge [sflag:s11], $0x3E80  }
0x119: {  	[sflag:s11] =	ssyncset.done $0x0  }
0x11a: {  	[sflag:s11] =	ssyncadd.s32 $0xFFFFC180  }
0x11b: {  	[spmem:s1] =	stream.indirect.scatter.add.f32 [tilespmem:s31], [sflag:$0x3], $0x80, s2, s10, $0xb8;
	[tilespmem:$0x1E800] =	vst v63  }
0x11c: {  	_ = 	snop  }
0x11d: {  	[tilespmem:s13], [sflag:$0x2] =	stream.indirect.gather [hbm4b:s5+s10], $0x80, s12, s10, $0xb8;
	[tilespmem:$0x1E800] =	vst v63  }
0x11e: {  	_ =	swait.ge [sflag:s14], $0x3E80  }
0x11f: {  	[sflag:s14] =	ssyncset.done $0x0  }
0x120: {  	s23 =	simm.s32 $0x1480;
	[sflag:s14] =	ssyncadd.s32 $0xFFFFC180  }
0x121: {  	[spmem:s1] =	stream.indirect.scatter.add.f32 [tilespmem:s13], [sflag:$0x4], $0x80, s23, s10, $0xb8;
	[tilespmem:$0x1E800] =	vst v63  }
0x122: {  	_ =	swait.ge [sflag:s15], $0x3E80  }
0x123: {  	[sflag:s15] =	ssyncset.done $0x0  }
0x124: {  	s22 =	simm.s32 $0x100;
	[sflag:s15] =	ssyncadd.s32 $0xFFFFC180  }
0x125: {  	[tilespmem:s31], [sflag:$0x1] =	stream.indirect.gather [hbm4b:s5+s10], $0x80, s22, s10, $0xb8;
	[tilespmem:$0x1E800] =	vst v63  }
0x126: {  	_ =	swait.ge [sflag:s11], $0x3E80  }
0x127: {  	[sflag:s11] =	ssyncset.done $0x0  }
0x128: {  	s23 =	simm.s32 $0x1500;
	[sflag:s11] =	ssyncadd.s32 $0xFFFFC180  }
0x129: {  	[spmem:s1] =	stream.indirect.scatter.add.f32 [tilespmem:s31], [sflag:$0x3], $0x80, s23, s10, $0xb8;
	[tilespmem:$0x1E800] =	vst v63  }
0x12a: {  	_ =	swait.ge [sflag:s16], $0x3E80  }
0x12b: {  	[sflag:s16] =	ssyncset.done $0x0  }
0x12c: {  	s21 =	simm.s32 $0xFFFFB800;
	s22 =	simm.s32 $0x180;
	[sflag:s16] =	ssyncadd.s32 $0xFFFFC180  }
.LBB2_8:
0x12d: {  	[tilespmem:s13], [sflag:$0x2] =	stream.indirect.gather [hbm4b:s5+s10], $0x80, s22, s10, $0xb8;
	[tilespmem:$0x1E800] =	vst v63  }
0x12e: {  	s22 =	smov.u32 s21  }
0x12f: {  	p0 =	sne.s32 s21, $0xFFFFFC00;
	s21 =	sadd.s32 $0x400, s21;
	_ =	swait.ge [sflag:s14], $0x3E80  }
0x130: {  	s22 =	sshra.s32 s22, $0x2;
	[sflag:s14] =	ssyncset.done $0x0  }
0x131: {  	s23 =	sadd.s32 $0x2780, s22;
	[sflag:s14] =	ssyncadd.s32 $0xFFFFC180  }
0x132: {  	[spmem:s1] =	stream.indirect.scatter.add.f32 [tilespmem:s13], [sflag:$0x4], $0x80, s23, s10, $0xb8;
	[tilespmem:$0x1E800] =	vst v63  }
0x133: {  	_ =	swait.ge [sflag:s15], $0x3E80  }
0x134: {  	[sflag:s15] =	ssyncset.done $0x0  }
0x135: {  	s23 =	sadd.s32 $0x1400, s22;
	[sflag:s15] =	ssyncadd.s32 $0xFFFFC180  }
0x136: {  	[tilespmem:s31], [sflag:$0x1] =	stream.indirect.gather [hbm4b:s5+s10], $0x80, s23, s10, $0xb8;
	[tilespmem:$0x1E800] =	vst v63  }
0x137: {  	_ =	swait.ge [sflag:s11], $0x3E80  }
0x138: {  	[sflag:s11] =	ssyncset.done $0x0  }
.Ltmp3:
0x139: {  	s23 =	sadd.s32 $0x2800, s22;
	[sflag:s11] =	ssyncadd.s32 $0xFFFFC180;
	(pc) =	sbr.rel @p0 .LBB2_8-.Ltmp3, $4  }
0x13a: {  	[spmem:s1] =	stream.indirect.scatter.add.f32 [tilespmem:s31], [sflag:$0x3], $0x80, s23, s10, $0xb8;
	[tilespmem:$0x1E800] =	vst v63  }
0x13b: {  	_ =	swait.ge [sflag:s16], $0x3E80  }
0x13c: {  	[sflag:s16] =	ssyncset.done $0x0  }
0x13d: {  	s22 =	sadd.s32 $0x1480, s22;
	[sflag:s16] =	ssyncadd.s32 $0xFFFFC180  }
0x13e: {  	[tilespmem:s13], [sflag:$0x2] =	stream.indirect.gather [hbm4b:s5+s10], $0x80, s22, s10, $0xb8;
	[tilespmem:$0x1E800] =	vst v63  }
0x13f: {  	_ =	swait.ge [sflag:s14], $0x3E80  }
0x140: {  	[sflag:s14] =	ssyncset.done $0x0  }
0x141: {  	[sflag:s14] =	ssyncadd.s32 $0xFFFFC180  }
0x142: {  	[spmem:s1] =	stream.indirect.scatter.add.f32 [tilespmem:s13], [sflag:$0x4], $0x80, s17, s10, $0xb8;
	[tilespmem:$0x1E800] =	vst v63  }
0x143: {  	_ =	swait.ge [sflag:s15], $0x3E80  }
0x144: {  	[sflag:s15] =	ssyncset.done $0x0  }
0x145: {  	[sflag:s15] =	ssyncadd.s32 $0xFFFFC180  }
0x146: {  	_ =	swait.ge [sflag:s16], $0x3E80  }
0x147: {  	[sflag:s16] =	ssyncset.done $0x0  }
0x148: {  	[sflag:s16] =	ssyncadd.s32 $0xFFFFC180  }
0x149: {  	[bflag:$0x0] =	sbarrier.arrive $0xFFFF  }
0x14a: {  	s21 =	rddreg [dreg:$0x11]  }
0x14b: {  	[hbm:s21], [sflag:s19] =	dma.local [spmem:s20], $0x2800  }
0x14c: {  	_ =	swait.ge [sflag:s0], $0x2800  }
0x14d: {  	[sflag:s0] =	ssyncset.done $0x0  }
0x14e: {  	[sflag:s0] =	ssyncadd.s32 $0xFFFFD800  }
0x14f: {  	[bflag:$0x0] =	sbarrier.arrive $0xFFFF  }
0x150: {  	[tilespmem:s31], [sflag:$0x5] =	stream.linear.gather [hbm4b:s7+s3], $0x3E80, $0x38;
	[tilespmem:$0x1E800] =	vst v63  }
0x151: {  	_ =	swait.ge [sflag:s0], $0x3E80  }
0x152: {  	[sflag:s0] =	ssyncset.done $0x0  }
0x153: {  	[sflag:s0] =	ssyncadd.s32 $0xFFFFC180  }
0x154: {  	[spmem:s8] =	stream.linear.scatter [tilespmem:s31], [sflag:$0x5], $0x3E80, $0x38;
	[tilespmem:$0x1E800] =	vst v63  }
0x155: {  	_ =	swait.ge [sflag:s0], $0x3E80  }
0x156: {  	[sflag:s0] =	ssyncset.done $0x0  }
0x157: {  	[sflag:s0] =	ssyncadd.s32 $0xFFFFC180  }
0x158: {  	[spmem:s9] =	stream.linear.scatter [tilespmem:s31], [sflag:$0x5], $0x3E80, $0x38;
	[tilespmem:$0x1E800] =	vst v63  }
0x159: {  	_ =	swait.ge [sflag:s0], $0x3E80  }
0x15a: {  	[sflag:s0] =	ssyncset.done $0x0  }
0x15b: {  	[sflag:s0] =	ssyncadd.s32 $0xFFFFC180  }
0x15c: {  	[spmem:s26] =	stream.linear.scatter [tilespmem:s31], [sflag:$0x5], $0x3E80, $0x38;
	[tilespmem:$0x1E800] =	vst v63  }
0x15d: {  	_ =	swait.ge [sflag:s0], $0x3E80  }
0x15e: {  	[sflag:s0] =	ssyncset.done $0x0  }
0x15f: {  	[sflag:s0] =	ssyncadd.s32 $0xFFFFC180  }
0x160: {  	[spmem:s28] =	stream.linear.scatter [tilespmem:s31], [sflag:$0x5], $0x3E80, $0x38;
	[tilespmem:$0x1E800] =	vst v63  }
0x161: {  	_ =	swait.ge [sflag:s0], $0x3E80  }
0x162: {  	[sflag:s0] =	ssyncset.done $0x0  }
0x163: {  	[sflag:s0] =	ssyncadd.s32 $0xFFFFC180  }
0x164: {  	[spmem:s29] =	stream.linear.scatter [tilespmem:s31], [sflag:$0x5], $0x3E80, $0x38;
	[tilespmem:$0x1E800] =	vst v63  }
0x165: {  	_ =	swait.ge [sflag:s0], $0x3E80  }
0x166: {  	[sflag:s0] =	ssyncset.done $0x0  }
0x167: {  	[sflag:s0] =	ssyncadd.s32 $0xFFFFC180  }
0x168: {  	[spmem:s30] =	stream.linear.scatter [tilespmem:s31], [sflag:$0x5], $0x780, $0x38;
	[tilespmem:$0x1E800] =	vst v63  }
0x169: {  	_ =	swait.ge [sflag:s0], $0x780  }
0x16a: {  	[sflag:s0] =	ssyncset.done $0x0  }
0x16b: {  	[sflag:s0] =	ssyncadd.s32 $0xFFFFF880  }
0x16c: {  	[bflag:$0x0] =	sbarrier.arrive $0xFFFF  }
0x16d: {  	s23 =	rddreg [dreg:$0xd]  }
0x16e: {  	[tilespmem:s3], [sflag:$0x5] =	stream.linear.gather [hbm4b:s23+s3], $0x1400, $0x38;
	[tilespmem:$0x1E800] =	vst v63  }
0x16f: {  	_ =	swait.ge [sflag:s0], $0x1400  }
0x170: {  	[sflag:s0] =	ssyncset.done $0x0  }
0x171: {  	s22 =	rddreg [dreg:$0xe];
	[sflag:s0] =	ssyncadd.s32 $0xFFFFEC00  }
0x172: {  	[tilespmem:s2], [sflag:$0x5] =	stream.linear.gather [hbm4b:s22+s3], $0x1400, $0x38;
	[tilespmem:$0x1E800] =	vst v63  }
0x173: {  	_ =	swait.ge [sflag:s0], $0x1400  }
0x174: {  	[sflag:s0] =	ssyncset.done $0x0  }
0x175: {  	[sflag:s0] =	ssyncadd.s32 $0xFFFFEC00  }
0x176: {  	[tilespmem:s31], [sflag:$0x1] =	stream.indirect.gather [hbm4b:s6+s10], $0x80, s3, s10, $0xb8;
	[tilespmem:$0x1E800] =	vst v63  }
0x177: {  	_ =	swait.ge [sflag:s11], $0x3E80  }
0x178: {  	[sflag:s11] =	ssyncset.done $0x0  }
0x179: {  	[sflag:s11] =	ssyncadd.s32 $0xFFFFC180  }
0x17a: {  	[spmem:s1] =	stream.indirect.scatter.add.f32 [tilespmem:s31], [sflag:$0x3], $0x80, s2, s10, $0xb8;
	[tilespmem:$0x1E800] =	vst v63  }
0x17b: {  	_ = 	snop  }
0x17c: {  	[tilespmem:s13], [sflag:$0x2] =	stream.indirect.gather [hbm4b:s6+s10], $0x80, s12, s10, $0xb8;
	[tilespmem:$0x1E800] =	vst v63  }
0x17d: {  	_ =	swait.ge [sflag:s14], $0x3E80  }
0x17e: {  	[sflag:s14] =	ssyncset.done $0x0  }
0x17f: {  	s23 =	simm.s32 $0x1480;
	[sflag:s14] =	ssyncadd.s32 $0xFFFFC180  }
0x180: {  	[spmem:s1] =	stream.indirect.scatter.add.f32 [tilespmem:s13], [sflag:$0x4], $0x80, s23, s10, $0xb8;
	[tilespmem:$0x1E800] =	vst v63  }
0x181: {  	_ =	swait.ge [sflag:s15], $0x3E80  }
0x182: {  	[sflag:s15] =	ssyncset.done $0x0  }
0x183: {  	s22 =	simm.s32 $0x100;
	[sflag:s15] =	ssyncadd.s32 $0xFFFFC180  }
0x184: {  	[tilespmem:s31], [sflag:$0x1] =	stream.indirect.gather [hbm4b:s6+s10], $0x80, s22, s10, $0xb8;
	[tilespmem:$0x1E800] =	vst v63  }
0x185: {  	_ =	swait.ge [sflag:s11], $0x3E80  }
0x186: {  	[sflag:s11] =	ssyncset.done $0x0  }
0x187: {  	s23 =	simm.s32 $0x1500;
	[sflag:s11] =	ssyncadd.s32 $0xFFFFC180  }
0x188: {  	[spmem:s1] =	stream.indirect.scatter.add.f32 [tilespmem:s31], [sflag:$0x3], $0x80, s23, s10, $0xb8;
	[tilespmem:$0x1E800] =	vst v63  }
0x189: {  	_ =	swait.ge [sflag:s16], $0x3E80  }
0x18a: {  	[sflag:s16] =	ssyncset.done $0x0  }
0x18b: {  	s21 =	simm.s32 $0xFFFFB800;
	s22 =	simm.s32 $0x180;
	[sflag:s16] =	ssyncadd.s32 $0xFFFFC180  }
.LBB2_10:
0x18c: {  	[tilespmem:s13], [sflag:$0x2] =	stream.indirect.gather [hbm4b:s6+s10], $0x80, s22, s10, $0xb8;
	[tilespmem:$0x1E800] =	vst v63  }
0x18d: {  	s22 =	smov.u32 s21  }
0x18e: {  	p0 =	sne.s32 s21, $0xFFFFFC00;
	s21 =	sadd.s32 $0x400, s21;
	_ =	swait.ge [sflag:s14], $0x3E80  }
0x18f: {  	s22 =	sshra.s32 s22, $0x2;
	[sflag:s14] =	ssyncset.done $0x0  }
0x190: {  	s23 =	sadd.s32 $0x2780, s22;
	[sflag:s14] =	ssyncadd.s32 $0xFFFFC180  }
0x191: {  	[spmem:s1] =	stream.indirect.scatter.add.f32 [tilespmem:s13], [sflag:$0x4], $0x80, s23, s10, $0xb8;
	[tilespmem:$0x1E800] =	vst v63  }
0x192: {  	_ =	swait.ge [sflag:s15], $0x3E80  }
0x193: {  	[sflag:s15] =	ssyncset.done $0x0  }
0x194: {  	s23 =	sadd.s32 $0x1400, s22;
	[sflag:s15] =	ssyncadd.s32 $0xFFFFC180  }
0x195: {  	[tilespmem:s31], [sflag:$0x1] =	stream.indirect.gather [hbm4b:s6+s10], $0x80, s23, s10, $0xb8;
	[tilespmem:$0x1E800] =	vst v63  }
0x196: {  	_ =	swait.ge [sflag:s11], $0x3E80  }
0x197: {  	[sflag:s11] =	ssyncset.done $0x0  }
.Ltmp4:
0x198: {  	s23 =	sadd.s32 $0x2800, s22;
	[sflag:s11] =	ssyncadd.s32 $0xFFFFC180;
	(pc) =	sbr.rel @p0 .LBB2_10-.Ltmp4, $4  }
0x199: {  	[spmem:s1] =	stream.indirect.scatter.add.f32 [tilespmem:s31], [sflag:$0x3], $0x80, s23, s10, $0xb8;
	[tilespmem:$0x1E800] =	vst v63  }
0x19a: {  	_ =	swait.ge [sflag:s16], $0x3E80  }
0x19b: {  	[sflag:s16] =	ssyncset.done $0x0  }
0x19c: {  	s22 =	sadd.s32 $0x1480, s22;
	[sflag:s16] =	ssyncadd.s32 $0xFFFFC180  }
0x19d: {  	[tilespmem:s13], [sflag:$0x2] =	stream.indirect.gather [hbm4b:s6+s10], $0x80, s22, s10, $0xb8;
	[tilespmem:$0x1E800] =	vst v63  }
0x19e: {  	_ =	swait.ge [sflag:s14], $0x3E80  }
0x19f: {  	[sflag:s14] =	ssyncset.done $0x0  }
0x1a0: {  	[sflag:s14] =	ssyncadd.s32 $0xFFFFC180  }
0x1a1: {  	[spmem:s1] =	stream.indirect.scatter.add.f32 [tilespmem:s13], [sflag:$0x4], $0x80, s17, s10, $0xb8;
	[tilespmem:$0x1E800] =	vst v63  }
0x1a2: {  	_ =	swait.ge [sflag:s15], $0x3E80  }
0x1a3: {  	[sflag:s15] =	ssyncset.done $0x0  }
0x1a4: {  	[sflag:s15] =	ssyncadd.s32 $0xFFFFC180  }
0x1a5: {  	_ =	swait.ge [sflag:s16], $0x3E80  }
0x1a6: {  	[sflag:s16] =	ssyncset.done $0x0  }
0x1a7: {  	s21 =	rddreg [dreg:$0xf];
	[sflag:s16] =	ssyncadd.s32 $0xFFFFC180  }
0x1a8: {  	[tilespmem:s3], [sflag:$0x5] =	stream.linear.gather [hbm4b:s21+s3], $0x1400, $0x38;
	[tilespmem:$0x1E800] =	vst v63  }
0x1a9: {  	_ =	swait.ge [sflag:s0], $0x1400  }
0x1aa: {  	[sflag:s0] =	ssyncset.done $0x0  }
0x1ab: {  	s22 =	rddreg [dreg:$0x10];
	[sflag:s0] =	ssyncadd.s32 $0xFFFFEC00  }
0x1ac: {  	[tilespmem:s2], [sflag:$0x5] =	stream.linear.gather [hbm4b:s22+s3], $0x1400, $0x38;
	[tilespmem:$0x1E800] =	vst v63  }
0x1ad: {  	_ =	swait.ge [sflag:s0], $0x1400  }
0x1ae: {  	[sflag:s0] =	ssyncset.done $0x0  }
0x1af: {  	[sflag:s0] =	ssyncadd.s32 $0xFFFFEC00  }
0x1b0: {  	[tilespmem:s31], [sflag:$0x1] =	stream.indirect.gather [hbm4b:s6+s10], $0x80, s3, s10, $0xb8;
	[tilespmem:$0x1E800] =	vst v63  }
0x1b1: {  	_ =	swait.ge [sflag:s11], $0x3E80  }
0x1b2: {  	[sflag:s11] =	ssyncset.done $0x0  }
0x1b3: {  	[sflag:s11] =	ssyncadd.s32 $0xFFFFC180  }
0x1b4: {  	[spmem:s1] =	stream.indirect.scatter.add.f32 [tilespmem:s31], [sflag:$0x3], $0x80, s2, s10, $0xb8;
	[tilespmem:$0x1E800] =	vst v63  }
0x1b5: {  	_ = 	snop  }
0x1b6: {  	[tilespmem:s13], [sflag:$0x2] =	stream.indirect.gather [hbm4b:s6+s10], $0x80, s12, s10, $0xb8;
	[tilespmem:$0x1E800] =	vst v63  }
0x1b7: {  	_ =	swait.ge [sflag:s14], $0x3E80  }
0x1b8: {  	[sflag:s14] =	ssyncset.done $0x0  }
0x1b9: {  	s23 =	simm.s32 $0x1480;
	[sflag:s14] =	ssyncadd.s32 $0xFFFFC180  }
0x1ba: {  	[spmem:s1] =	stream.indirect.scatter.add.f32 [tilespmem:s13], [sflag:$0x4], $0x80, s23, s10, $0xb8;
	[tilespmem:$0x1E800] =	vst v63  }
0x1bb: {  	_ =	swait.ge [sflag:s15], $0x3E80  }
0x1bc: {  	[sflag:s15] =	ssyncset.done $0x0  }
0x1bd: {  	s22 =	simm.s32 $0x100;
	[sflag:s15] =	ssyncadd.s32 $0xFFFFC180  }
0x1be: {  	[tilespmem:s31], [sflag:$0x1] =	stream.indirect.gather [hbm4b:s6+s10], $0x80, s22, s10, $0xb8;
	[tilespmem:$0x1E800] =	vst v63  }
0x1bf: {  	_ =	swait.ge [sflag:s11], $0x3E80  }
0x1c0: {  	[sflag:s11] =	ssyncset.done $0x0  }
0x1c1: {  	s23 =	simm.s32 $0x1500;
	[sflag:s11] =	ssyncadd.s32 $0xFFFFC180  }
0x1c2: {  	[spmem:s1] =	stream.indirect.scatter.add.f32 [tilespmem:s31], [sflag:$0x3], $0x80, s23, s10, $0xb8;
	[tilespmem:$0x1E800] =	vst v63  }
0x1c3: {  	_ =	swait.ge [sflag:s16], $0x3E80  }
0x1c4: {  	[sflag:s16] =	ssyncset.done $0x0  }
0x1c5: {  	s21 =	simm.s32 $0xFFFFB800;
	s22 =	simm.s32 $0x180;
	[sflag:s16] =	ssyncadd.s32 $0xFFFFC180  }
.LBB2_12:
0x1c6: {  	[tilespmem:s13], [sflag:$0x2] =	stream.indirect.gather [hbm4b:s6+s10], $0x80, s22, s10, $0xb8;
	[tilespmem:$0x1E800] =	vst v63  }
0x1c7: {  	s22 =	smov.u32 s21  }
0x1c8: {  	p0 =	sne.s32 s21, $0xFFFFFC00;
	s21 =	sadd.s32 $0x400, s21;
	_ =	swait.ge [sflag:s14], $0x3E80  }
0x1c9: {  	s22 =	sshra.s32 s22, $0x2;
	[sflag:s14] =	ssyncset.done $0x0  }
0x1ca: {  	s23 =	sadd.s32 $0x2780, s22;
	[sflag:s14] =	ssyncadd.s32 $0xFFFFC180  }
0x1cb: {  	[spmem:s1] =	stream.indirect.scatter.add.f32 [tilespmem:s13], [sflag:$0x4], $0x80, s23, s10, $0xb8;
	[tilespmem:$0x1E800] =	vst v63  }
0x1cc: {  	_ =	swait.ge [sflag:s15], $0x3E80  }
0x1cd: {  	[sflag:s15] =	ssyncset.done $0x0  }
0x1ce: {  	s23 =	sadd.s32 $0x1400, s22;
	[sflag:s15] =	ssyncadd.s32 $0xFFFFC180  }
0x1cf: {  	[tilespmem:s31], [sflag:$0x1] =	stream.indirect.gather [hbm4b:s6+s10], $0x80, s23, s10, $0xb8;
	[tilespmem:$0x1E800] =	vst v63  }
0x1d0: {  	_ =	swait.ge [sflag:s11], $0x3E80  }
0x1d1: {  	[sflag:s11] =	ssyncset.done $0x0  }
.Ltmp5:
0x1d2: {  	s23 =	sadd.s32 $0x2800, s22;
	[sflag:s11] =	ssyncadd.s32 $0xFFFFC180;
	(pc) =	sbr.rel @p0 .LBB2_12-.Ltmp5, $4  }
0x1d3: {  	[spmem:s1] =	stream.indirect.scatter.add.f32 [tilespmem:s31], [sflag:$0x3], $0x80, s23, s10, $0xb8;
	[tilespmem:$0x1E800] =	vst v63  }
0x1d4: {  	_ =	swait.ge [sflag:s16], $0x3E80  }
0x1d5: {  	[sflag:s16] =	ssyncset.done $0x0  }
0x1d6: {  	s22 =	sadd.s32 $0x1480, s22;
	[sflag:s16] =	ssyncadd.s32 $0xFFFFC180  }
0x1d7: {  	[tilespmem:s13], [sflag:$0x2] =	stream.indirect.gather [hbm4b:s6+s10], $0x80, s22, s10, $0xb8;
	[tilespmem:$0x1E800] =	vst v63  }
0x1d8: {  	_ =	swait.ge [sflag:s14], $0x3E80  }
0x1d9: {  	[sflag:s14] =	ssyncset.done $0x0  }
0x1da: {  	[sflag:s14] =	ssyncadd.s32 $0xFFFFC180  }
0x1db: {  	[spmem:s1] =	stream.indirect.scatter.add.f32 [tilespmem:s13], [sflag:$0x4], $0x80, s17, s10, $0xb8;
	[tilespmem:$0x1E800] =	vst v63  }
0x1dc: {  	_ =	swait.ge [sflag:s15], $0x3E80  }
0x1dd: {  	[sflag:s15] =	ssyncset.done $0x0  }
0x1de: {  	[sflag:s15] =	ssyncadd.s32 $0xFFFFC180  }
0x1df: {  	_ =	swait.ge [sflag:s16], $0x3E80  }
0x1e0: {  	[sflag:s16] =	ssyncset.done $0x0  }
0x1e1: {  	s18 =	sadd.s32 $0x1, s18;
	[sflag:s16] =	ssyncadd.s32 $0xFFFFC180  }
0x1e2: {  	p0 =	sne.s32 s18, s25;
	[bflag:$0x0] =	sbarrier.arrive $0xFFFF  }
0x1e3: {  	[hbm:s24], [sflag:s19] =	dma.local [spmem:s20], $0x2800  }
.Ltmp6:
0x1e4: {  	_ =	swait.ge [sflag:s0], $0x2800;
	(pc) =	sbr.rel @p0 .LBB2_1-.Ltmp6, $3  }
0x1e5: {  	[sflag:s0] =	ssyncset.done $0x0  }
0x1e6: {  	[sflag:s0] =	ssyncadd.s32 $0xFFFFD800  }
0x1e7: {  	[bflag:$0x0] =	sbarrier.arrive $0xFFFF;
	_ =	sdelay $0x1  }
0x1e8: {  	_ =	sfence.sel $0x180000  }
0x1e9: {  	[bflag:$0x0] =	sbarrier.arrive $0xFFFF  }
0x1ea: {  	_ =	strace $0x9000004A  }
0x1eb: {  	s0 =	stileid.u32;
	[bflag:$0x2] =	sbarrier.arrive $0xFFFF  }
0x1ec: {  	p0 =	sne.s32 s0, $0x0;
	s0 =	rddreg [dreg:$0x3]  }
0x1ed: {  	s0 =	sadd.s32 @!p0 $0x100000, s0  }
0x1ee: {  	[sflag:s0] =	ssyncadd.tile.s32 @!p0 $0x1;
	_ =	shalt  }
.Lfunc_end2:
_tile_overlayer_lowered:
.L_overlay_start_2:
0x1ef: {  	(tag) =	ssettag $0x2  }
0x1f0: {  	s0 =	rddreg [dreg:$0x0];
	s2 =	stileid.u32  }
0x1f1: {  	s1 =	rddreg [dreg:$0x1];
	p0 =	sne.s32 s2, $0x0  }
0x1f2: {  	s3 =	rddreg [dreg:$0x2];
	[bflag:$0x3] =	sbarrier.arrive $0xFFFF;
	s2 =	simm.s32 @!p0 $0x1C05  }
0x1f3: {  	[timem:s3], [sflag:s2] =	dma.local @!p0 [hbm:s0], s1  }
0x1f4: {  	s0 =	simm.s32 @!p0 $0x5  }
0x1f5: {  	_ =	swait.ge @!p0 [sflag:s0], s1  }
0x1f6: {  	s1 =	ssub.s32 @!p0 $0x0, s1;
	[sflag:s0] =	ssyncset.done @!p0 $0x0  }
0x1f7: {  	[sflag:s0] =	ssyncadd.s32 @!p0 s1  }
0x1f8: {  	[bflag:$0x3] =	sbarrier.arrive $0xFFFF  }
0x1f9: {  	_ =	shalt  }

</sc_bundles>
